<compile_context>
chip_gen: v7x
topology: tpu7x:2x2x1
jax: 0.10.2.dev20260603
libtpu: 0.0.44.dev20260713+nightly
codegen_flags: <defaults>
</compile_context>

<pallas_src>
import functools

import jax
import jax.numpy as jnp
from jax import lax
from jax.experimental import pallas as pl
from jax.experimental.pallas import tpu as pltpu
from jax.experimental.pallas import tpu_sc as plsc

_VOCAB = 1000000
_D = 64
_B = 16384
_C = 20
_N = 20
_J = _C + _N
_JP = 48

_NC, _NS = 2, 16
_NW = _NC * _NS
_BPW = _B // _NW
_CH = 16
_NCHUNK = _BPW // _CH
_R = _CH * _J
_G = _R // 128


def _sc_scores_kernel(ivec_hbm, ovec_hbm, idx_hbm, cen_hbm, out_hbm,
                      idx_v, cen_v, iv_v, ov_v, sc_v, sem):
    wid = lax.axis_index("s") * _NC + lax.axis_index("c")
    lane = lax.iota(jnp.int32, 16)

    def chunk_body(ch, carry):
        blk = wid * _NCHUNK + ch
        pltpu.sync_copy(idx_hbm.at[pl.ds(blk * _R, _R)], idx_v)
        pltpu.sync_copy(cen_hbm.at[pl.ds(blk * _CH, _CH)], cen_v)
        pltpu.async_copy(ivec_hbm.at[cen_v], iv_v, sem).wait()
        for g in range(_G):
            pltpu.async_copy(ovec_hbm.at[idx_v.at[pl.ds(g * 128, 128)]],
                             ov_v.at[pl.ds(g * 128, 128)], sem).wait()

        perms = [(lane ^ step).astype(jnp.int32) for step in (1, 2, 4, 8)]

        def center_body(c, carry2):
            iv = [iv_v[c, pl.ds(k * 16, 16)] for k in range(4)]
            accs = [jnp.zeros((16,), jnp.float32) for _ in range(3)]
            for j in range(_J):
                r = c * _J + j
                p = ov_v[r, pl.ds(0, 16)] * iv[0]
                for k in range(1, 4):
                    p = p + ov_v[r, pl.ds(k * 16, 16)] * iv[k]
                for perm in perms:
                    p = p + p.at[perm].get(mode="promise_in_bounds")
                a = j // 16
                accs[a] = jnp.where(lane == (j % 16), p, accs[a])
            for a in range(3):
                sc_v[c, pl.ds(a * 16, 16)] = accs[a]
            return carry2

        lax.fori_loop(0, _CH, center_body, 0, unroll=False)
        pltpu.sync_copy(sc_v, out_hbm.at[pl.ds(blk * _CH, _CH)])
        return carry

    lax.fori_loop(0, _NCHUNK, chunk_body, 0, unroll=False)


def _sc_scores(ivec_w, ovec_w, idx2d, cen2d):
    mesh = plsc.VectorSubcoreMesh(core_axis_name="c", subcore_axis_name="s")
    return pl.kernel(
        _sc_scores_kernel,
        out_type=jax.ShapeDtypeStruct((_B, _JP), jnp.float32),
        mesh=mesh,
        scratch_types=[
            pltpu.VMEM((_R,), jnp.int32),
            pltpu.VMEM((_CH,), jnp.int32),
            pltpu.VMEM((_CH, _D), jnp.float32),
            pltpu.VMEM((_R, _D), jnp.float32),
            pltpu.VMEM((_CH, _JP), jnp.float32),
            pltpu.SemaphoreType.DMA,
        ],
        compiler_params=pltpu.CompilerParams(use_tc_tiling_on_sc=False),
    )(ivec_w, ovec_w, idx2d, cen2d)


def _loss_body(s_ref, i_ref, o_ref):
    @pl.when(pl.program_id(0) == 0)
    def _():
        o_ref[0, 0] = 0.0

    m = (i_ref[...] != 0).astype(jnp.float32)
    sm = s_ref[:, : _J] * m
    ls_o = jnp.log(jax.nn.sigmoid(sm[:, : _C]))
    ls_n = jnp.log(jax.nn.sigmoid(-sm[:, _C:]))
    o_ref[0, 0] += -(jnp.sum(ls_o) / _C + jnp.sum(ls_n) / _N) / _B


def _loss_tc(scores, idx):
    blk = 2048
    out = pl.pallas_call(
        _loss_body,
        grid=(_B // blk,),
        in_specs=[
            pl.BlockSpec((blk, _JP), lambda i: (i, 0)),
            pl.BlockSpec((blk, _J), lambda i: (i, 0)),
        ],
        out_specs=pl.BlockSpec((1, 1), lambda i: (0, 0),
                               memory_space=pltpu.SMEM),
        out_shape=jax.ShapeDtypeStruct((1, 1), jnp.float32),
    )(scores, idx)
    return out[0, 0]


def kernel(center, contexts, neg_samples, ivec_w, ovec_w):
    center = center.astype(jnp.int32)
    idx = jnp.concatenate([contexts, neg_samples], axis=1).astype(jnp.int32)
    idx = jnp.where(center[:, None] != 0, idx, 0)
    scores = _sc_scores(ivec_w, ovec_w, idx.reshape(_B * _J), center)
    return _loss_tc(scores, idx)

# --- scband reference (transcript-rebuilt; emitter-appended) ---
"""Pipeline reference for scband-skip-gram-50139448213583 (READ-ONLY COPY).

The authoritative reference and input builder live on the scoring server;
editing this copy changes nothing except your own understanding.
"""

import jax, jax.numpy as jnp
import numpy as np

VOCAB = 1000000
D = 64
B = 16384
C = 20
N = 20


def setup_inputs(seed: int = 0) -> dict:
    key = jax.random.key(seed)
    k1, k2, k3, k4, k5 = jax.random.split(key, 5)
    r = 0.5 / D  # torch code: r = -0.5/embed_dim; uniform_(-r, r) -> range (-0.5/d, 0.5/d)
    ivec_w = jax.random.uniform(k1, (VOCAB, D), minval=-r, maxval=r, dtype=jnp.float32)
    ovec_w = jax.random.uniform(k2, (VOCAB, D), minval=-r, maxval=r, dtype=jnp.float32)
    center = jax.random.randint(k3, (B,), 0, VOCAB)
    contexts = jax.random.randint(k4, (B, C), 0, VOCAB)
    neg_samples = jax.random.randint(k5, (B, N), 0, VOCAB)
    return {
        "center": center,
        "contexts": contexts,
        "neg_samples": neg_samples,
        "ivec_w": ivec_w,
        "ovec_w": ovec_w,
    }


def reference(center, contexts, neg_samples, ivec_w, ovec_w):
    # padding_idx=0: row 0 of each embedding table is zero
    ivec_w = ivec_w.at[0].set(0.0)
    ovec_w = ovec_w.at[0].set(0.0)
    # ivectors = self.ivectors(center).unsqueeze(2) -> [B, D, 1]
    iv = jnp.take(ivec_w, center, axis=0)[:, :, None]
    # ovectors = self.ovectors(contexts) -> [B, C, D]
    ov = jnp.take(ovec_w, contexts, axis=0)
    # nvectors = self.ovectors(neg_samples).neg() -> [B, N, D]
    nv = -jnp.take(ovec_w, neg_samples, axis=0)
    # bmm(ovectors, ivectors).squeeze() -> [B, C]
    oscore = jnp.squeeze(jnp.matmul(ov, iv), axis=-1)
    nscore = jnp.squeeze(jnp.matmul(nv, iv), axis=-1)
    oloss = jnp.mean(jnp.log(jax.nn.sigmoid(oscore)), axis=1)
    nloss = jnp.mean(jnp.log(jax.nn.sigmoid(nscore)), axis=1)
    return -jnp.mean(oloss + nloss)

if __name__ == "__main__":
    import jax
    _d = setup_inputs()
    print(jax.jit(kernel)(*tuple(_d.values())))

</pallas_src>

<mosaic_0001>
#map = affine_map<(d0, d1) -> (0, 0)>
#map1 = affine_map<(d0, d1) -> (0)>
module attributes {stable_mosaic.version = 14 : i64} {
  func.func @_sc_scores_kernel(%arg0: i32, %arg1: i32, %arg2: memref<1000000x64xf32, #tpu.memory_space<hbm>>, %arg3: memref<1000000x64xf32, #tpu.memory_space<hbm>>, %arg4: memref<655360xi32, #tpu.memory_space<hbm>>, %arg5: memref<16384xi32, #tpu.memory_space<hbm>>, %arg6: memref<16384x48xf32, #tpu.memory_space<hbm>>, %arg7: memref<640xi32, #tpu.memory_space<vmem>>, %arg8: memref<16xi32, #tpu.memory_space<vmem>>, %arg9: memref<16x64xf32, #tpu.memory_space<vmem>>, %arg10: memref<640x64xf32, #tpu.memory_space<vmem>>, %arg11: memref<16x48xf32, #tpu.memory_space<vmem>>, %arg12: memref<!tpu.dma_semaphore, #tpu.memory_space<semaphore_mem>>) attributes {dimension_semantics = [#tpu.dimension_semantics<core_parallel>, #tpu.dimension_semantics<subcore_parallel>], iteration_bounds = array<i64: 2, 16>, scalar_prefetch = 0 : i64, scratch_operands = 6 : i64, tpu.core_type = #tpu.core_type<sc_vector_subcore>, window_params = [{transform_indices = #map}, {transform_indices = #map}, {transform_indices = #map1}, {transform_indices = #map1}, {transform_indices = #map}]} {
    %mul3A = arith.constant 2 : i32
    %mul3A_0 = arith.muli %arg1, %mul3A : i32
    %add3A = arith.addi %mul3A_0, %arg0 : i32
    %iota3A = tpu.iota {dimensions = array<i32: 0>} : vector<16xi32>
    %scan3A = arith.constant 0 : i32
    %scan3A_1 = arith.constant 0 : i32
    %scan3A_2 = arith.constant 32 : i32
    %scan3A_3 = arith.addi %scan3A_1, %scan3A_2 : i32
    %scan3A_4 = arith.constant 1 : i32
    scf.for %scan3A_6 = %scan3A_1 to %scan3A_3 step %scan3A_4  : i32 {
      %mul3A_7 = arith.constant 32 : i32
      %mul3A_8 = arith.muli %add3A, %mul3A_7 : i32
      %add3A_9 = arith.addi %mul3A_8, %scan3A_6 : i32
      %mul3A_10 = arith.constant 640 : i32
      %mul3A_11 = arith.muli %add3A_9, %mul3A_10 : i32
      "tpu.region"() ({
        %run_scoped3A = tpu.sem_alloc : memref<!tpu.dma_semaphore, #tpu.memory_space<semaphore_mem>>
        %dma_start3A_117 = tpu.memref_slice %arg4[%mul3A_11] : memref<655360xi32, #tpu.memory_space<hbm>> -> memref<640xi32, #tpu.memory_space<hbm>>
        %dma_start3A_118 = tpu.memref_slice %arg4[%mul3A_11] : memref<655360xi32, #tpu.memory_space<hbm>> -> memref<640xi32, #tpu.memory_space<hbm>>
        tpu.enqueue_dma source(%dma_start3A_118 : memref<640xi32, #tpu.memory_space<hbm>>) target(%arg7 : memref<640xi32, #tpu.memory_space<vmem>>) target_semaphore(%run_scoped3A : memref<!tpu.dma_semaphore, #tpu.memory_space<semaphore_mem>>)
        %dma_wait3A_119 = tpu.memref_slice %arg4[%mul3A_11] : memref<655360xi32, #tpu.memory_space<hbm>> -> memref<640xi32, #tpu.memory_space<hbm>>
        %dma_wait3A_120 = tpu.memref_slice %arg4[%mul3A_11] : memref<655360xi32, #tpu.memory_space<hbm>> -> memref<640xi32, #tpu.memory_space<hbm>>
        tpu.wait_dma2 semaphore(%run_scoped3A : memref<!tpu.dma_semaphore, #tpu.memory_space<semaphore_mem>>) src(%dma_wait3A_120 : memref<640xi32, #tpu.memory_space<hbm>>) dst(%arg7 : memref<640xi32, #tpu.memory_space<vmem>>)
        tpu.yield
      }) : () -> ()
      %mul3A_12 = arith.constant 16 : i32
      %mul3A_13 = arith.muli %add3A_9, %mul3A_12 : i32
      "tpu.region"() ({
        %run_scoped3A = tpu.sem_alloc : memref<!tpu.dma_semaphore, #tpu.memory_space<semaphore_mem>>
        %dma_start3A_117 = tpu.memref_slice %arg5[%mul3A_13] : memref<16384xi32, #tpu.memory_space<hbm>> -> memref<16xi32, #tpu.memory_space<hbm>>
        %dma_start3A_118 = tpu.memref_slice %arg5[%mul3A_13] : memref<16384xi32, #tpu.memory_space<hbm>> -> memref<16xi32, #tpu.memory_space<hbm>>
        tpu.enqueue_dma source(%dma_start3A_118 : memref<16xi32, #tpu.memory_space<hbm>>) target(%arg8 : memref<16xi32, #tpu.memory_space<vmem>>) target_semaphore(%run_scoped3A : memref<!tpu.dma_semaphore, #tpu.memory_space<semaphore_mem>>)
        %dma_wait3A_119 = tpu.memref_slice %arg5[%mul3A_13] : memref<16384xi32, #tpu.memory_space<hbm>> -> memref<16xi32, #tpu.memory_space<hbm>>
        %dma_wait3A_120 = tpu.memref_slice %arg5[%mul3A_13] : memref<16384xi32, #tpu.memory_space<hbm>> -> memref<16xi32, #tpu.memory_space<hbm>>
        tpu.wait_dma2 semaphore(%run_scoped3A : memref<!tpu.dma_semaphore, #tpu.memory_space<semaphore_mem>>) src(%dma_wait3A_120 : memref<16xi32, #tpu.memory_space<hbm>>) dst(%arg8 : memref<16xi32, #tpu.memory_space<vmem>>)
        tpu.yield
      }) : () -> ()
      %dma_start3A = arith.constant 0 : i32
      %dma_start3A_14 = arith.constant 0 : i32
      %dma_start3A_15 = tpu.memref_slice %arg2[%dma_start3A, %dma_start3A_14] : memref<1000000x64xf32, #tpu.memory_space<hbm>> -> memref<1000000x64xf32, #tpu.memory_space<hbm>>
      tpu.enqueue_indirect_dma source(%dma_start3A_15 : memref<1000000x64xf32, #tpu.memory_space<hbm>>) target(%arg9 : memref<16x64xf32, #tpu.memory_space<vmem>>) offsets(%arg8 : memref<16xi32, #tpu.memory_space<vmem>>) semaphore(%arg12 : memref<!tpu.dma_semaphore, #tpu.memory_space<semaphore_mem>>)
      %dma_wait3A = arith.constant 0 : i32
      %dma_wait3A_16 = arith.constant 0 : i32
      %dma_wait3A_17 = tpu.memref_slice %arg2[%dma_wait3A, %dma_wait3A_16] : memref<1000000x64xf32, #tpu.memory_space<hbm>> -> memref<1000000x64xf32, #tpu.memory_space<hbm>>
      tpu.wait_indirect_dma semaphore(%arg12 : memref<!tpu.dma_semaphore, #tpu.memory_space<semaphore_mem>>) src(%dma_wait3A_17 : memref<1000000x64xf32, #tpu.memory_space<hbm>>) dst(%arg9 : memref<16x64xf32, #tpu.memory_space<vmem>>)
      %dma_start3A_18 = arith.constant 0 : i32
      %dma_start3A_19 = arith.constant 0 : i32
      %dma_start3A_20 = tpu.memref_slice %arg10[%dma_start3A_18, %dma_start3A_19] : memref<640x64xf32, #tpu.memory_space<vmem>> -> memref<128x64xf32, #tpu.memory_space<vmem>>
      %dma_start3A_21 = arith.constant 0 : i32
      %dma_start3A_22 = tpu.memref_slice %arg7[%dma_start3A_21] : memref<640xi32, #tpu.memory_space<vmem>> -> memref<128xi32, #tpu.memory_space<vmem>>
      %dma_start3A_23 = arith.constant 0 : i32
      %dma_start3A_24 = arith.constant 0 : i32
      %dma_start3A_25 = tpu.memref_slice %arg3[%dma_start3A_23, %dma_start3A_24] : memref<1000000x64xf32, #tpu.memory_space<hbm>> -> memref<1000000x64xf32, #tpu.memory_space<hbm>>
      tpu.enqueue_indirect_dma source(%dma_start3A_25 : memref<1000000x64xf32, #tpu.memory_space<hbm>>) target(%dma_start3A_20 : memref<128x64xf32, #tpu.memory_space<vmem>>) offsets(%dma_start3A_22 : memref<128xi32, #tpu.memory_space<vmem>>) semaphore(%arg12 : memref<!tpu.dma_semaphore, #tpu.memory_space<semaphore_mem>>)
      %dma_wait3A_26 = arith.constant 0 : i32
      %dma_wait3A_27 = arith.constant 0 : i32
      %dma_wait3A_28 = tpu.memref_slice %arg10[%dma_wait3A_26, %dma_wait3A_27] : memref<640x64xf32, #tpu.memory_space<vmem>> -> memref<128x64xf32, #tpu.memory_space<vmem>>
      %dma_wait3A_29 = arith.constant 0 : i32
      %dma_wait3A_30 = tpu.memref_slice %arg7[%dma_wait3A_29] : memref<640xi32, #tpu.memory_space<vmem>> -> memref<128xi32, #tpu.memory_space<vmem>>
      %dma_wait3A_31 = arith.constant 0 : i32
      %dma_wait3A_32 = arith.constant 0 : i32
      %dma_wait3A_33 = tpu.memref_slice %arg3[%dma_wait3A_31, %dma_wait3A_32] : memref<1000000x64xf32, #tpu.memory_space<hbm>> -> memref<1000000x64xf32, #tpu.memory_space<hbm>>
      tpu.wait_indirect_dma semaphore(%arg12 : memref<!tpu.dma_semaphore, #tpu.memory_space<semaphore_mem>>) src(%dma_wait3A_33 : memref<1000000x64xf32, #tpu.memory_space<hbm>>) dst(%dma_wait3A_28 : memref<128x64xf32, #tpu.memory_space<vmem>>)
      %dma_start3A_34 = arith.constant 128 : i32
      %dma_start3A_35 = arith.constant 0 : i32
      %dma_start3A_36 = tpu.memref_slice %arg10[%dma_start3A_34, %dma_start3A_35] : memref<640x64xf32, #tpu.memory_space<vmem>> -> memref<128x64xf32, #tpu.memory_space<vmem>>
      %dma_start3A_37 = arith.constant 128 : i32
      %dma_start3A_38 = tpu.memref_slice %arg7[%dma_start3A_37] : memref<640xi32, #tpu.memory_space<vmem>> -> memref<128xi32, #tpu.memory_space<vmem>>
      %dma_start3A_39 = arith.constant 0 : i32
      %dma_start3A_40 = arith.constant 0 : i32
      %dma_start3A_41 = tpu.memref_slice %arg3[%dma_start3A_39, %dma_start3A_40] : memref<1000000x64xf32, #tpu.memory_space<hbm>> -> memref<1000000x64xf32, #tpu.memory_space<hbm>>
      tpu.enqueue_indirect_dma source(%dma_start3A_41 : memref<1000000x64xf32, #tpu.memory_space<hbm>>) target(%dma_start3A_36 : memref<128x64xf32, #tpu.memory_space<vmem>>) offsets(%dma_start3A_38 : memref<128xi32, #tpu.memory_space<vmem>>) semaphore(%arg12 : memref<!tpu.dma_semaphore, #tpu.memory_space<semaphore_mem>>)
      %dma_wait3A_42 = arith.constant 128 : i32
      %dma_wait3A_43 = arith.constant 0 : i32
      %dma_wait3A_44 = tpu.memref_slice %arg10[%dma_wait3A_42, %dma_wait3A_43] : memref<640x64xf32, #tpu.memory_space<vmem>> -> memref<128x64xf32, #tpu.memory_space<vmem>>
      %dma_wait3A_45 = arith.constant 128 : i32
      %dma_wait3A_46 = tpu.memref_slice %arg7[%dma_wait3A_45] : memref<640xi32, #tpu.memory_space<vmem>> -> memref<128xi32, #tpu.memory_space<vmem>>
      %dma_wait3A_47 = arith.constant 0 : i32
      %dma_wait3A_48 = arith.constant 0 : i32
      %dma_wait3A_49 = tpu.memref_slice %arg3[%dma_wait3A_47, %dma_wait3A_48] : memref<1000000x64xf32, #tpu.memory_space<hbm>> -> memref<1000000x64xf32, #tpu.memory_space<hbm>>
      tpu.wait_indirect_dma semaphore(%arg12 : memref<!tpu.dma_semaphore, #tpu.memory_space<semaphore_mem>>) src(%dma_wait3A_49 : memref<1000000x64xf32, #tpu.memory_space<hbm>>) dst(%dma_wait3A_44 : memref<128x64xf32, #tpu.memory_space<vmem>>)
      %dma_start3A_50 = arith.constant 256 : i32
      %dma_start3A_51 = arith.constant 0 : i32
      %dma_start3A_52 = tpu.memref_slice %arg10[%dma_start3A_50, %dma_start3A_51] : memref<640x64xf32, #tpu.memory_space<vmem>> -> memref<128x64xf32, #tpu.memory_space<vmem>>
      %dma_start3A_53 = arith.constant 256 : i32
      %dma_start3A_54 = tpu.memref_slice %arg7[%dma_start3A_53] : memref<640xi32, #tpu.memory_space<vmem>> -> memref<128xi32, #tpu.memory_space<vmem>>
      %dma_start3A_55 = arith.constant 0 : i32
      %dma_start3A_56 = arith.constant 0 : i32
      %dma_start3A_57 = tpu.memref_slice %arg3[%dma_start3A_55, %dma_start3A_56] : memref<1000000x64xf32, #tpu.memory_space<hbm>> -> memref<1000000x64xf32, #tpu.memory_space<hbm>>
      tpu.enqueue_indirect_dma source(%dma_start3A_57 : memref<1000000x64xf32, #tpu.memory_space<hbm>>) target(%dma_start3A_52 : memref<128x64xf32, #tpu.memory_space<vmem>>) offsets(%dma_start3A_54 : memref<128xi32, #tpu.memory_space<vmem>>) semaphore(%arg12 : memref<!tpu.dma_semaphore, #tpu.memory_space<semaphore_mem>>)
      %dma_wait3A_58 = arith.constant 256 : i32
      %dma_wait3A_59 = arith.constant 0 : i32
      %dma_wait3A_60 = tpu.memref_slice %arg10[%dma_wait3A_58, %dma_wait3A_59] : memref<640x64xf32, #tpu.memory_space<vmem>> -> memref<128x64xf32, #tpu.memory_space<vmem>>
      %dma_wait3A_61 = arith.constant 256 : i32
      %dma_wait3A_62 = tpu.memref_slice %arg7[%dma_wait3A_61] : memref<640xi32, #tpu.memory_space<vmem>> -> memref<128xi32, #tpu.memory_space<vmem>>
      %dma_wait3A_63 = arith.constant 0 : i32
      %dma_wait3A_64 = arith.constant 0 : i32
      %dma_wait3A_65 = tpu.memref_slice %arg3[%dma_wait3A_63, %dma_wait3A_64] : memref<1000000x64xf32, #tpu.memory_space<hbm>> -> memref<1000000x64xf32, #tpu.memory_space<hbm>>
      tpu.wait_indirect_dma semaphore(%arg12 : memref<!tpu.dma_semaphore, #tpu.memory_space<semaphore_mem>>) src(%dma_wait3A_65 : memref<1000000x64xf32, #tpu.memory_space<hbm>>) dst(%dma_wait3A_60 : memref<128x64xf32, #tpu.memory_space<vmem>>)
      %dma_start3A_66 = arith.constant 384 : i32
      %dma_start3A_67 = arith.constant 0 : i32
      %dma_start3A_68 = tpu.memref_slice %arg10[%dma_start3A_66, %dma_start3A_67] : memref<640x64xf32, #tpu.memory_space<vmem>> -> memref<128x64xf32, #tpu.memory_space<vmem>>
      %dma_start3A_69 = arith.constant 384 : i32
      %dma_start3A_70 = tpu.memref_slice %arg7[%dma_start3A_69] : memref<640xi32, #tpu.memory_space<vmem>> -> memref<128xi32, #tpu.memory_space<vmem>>
      %dma_start3A_71 = arith.constant 0 : i32
      %dma_start3A_72 = arith.constant 0 : i32
      %dma_start3A_73 = tpu.memref_slice %arg3[%dma_start3A_71, %dma_start3A_72] : memref<1000000x64xf32, #tpu.memory_space<hbm>> -> memref<1000000x64xf32, #tpu.memory_space<hbm>>
      tpu.enqueue_indirect_dma source(%dma_start3A_73 : memref<1000000x64xf32, #tpu.memory_space<hbm>>) target(%dma_start3A_68 : memref<128x64xf32, #tpu.memory_space<vmem>>) offsets(%dma_start3A_70 : memref<128xi32, #tpu.memory_space<vmem>>) semaphore(%arg12 : memref<!tpu.dma_semaphore, #tpu.memory_space<semaphore_mem>>)
      %dma_wait3A_74 = arith.constant 384 : i32
      %dma_wait3A_75 = arith.constant 0 : i32
      %dma_wait3A_76 = tpu.memref_slice %arg10[%dma_wait3A_74, %dma_wait3A_75] : memref<640x64xf32, #tpu.memory_space<vmem>> -> memref<128x64xf32, #tpu.memory_space<vmem>>
      %dma_wait3A_77 = arith.constant 384 : i32
      %dma_wait3A_78 = tpu.memref_slice %arg7[%dma_wait3A_77] : memref<640xi32, #tpu.memory_space<vmem>> -> memref<128xi32, #tpu.memory_space<vmem>>
      %dma_wait3A_79 = arith.constant 0 : i32
      %dma_wait3A_80 = arith.constant 0 : i32
      %dma_wait3A_81 = tpu.memref_slice %arg3[%dma_wait3A_79, %dma_wait3A_80] : memref<1000000x64xf32, #tpu.memory_space<hbm>> -> memref<1000000x64xf32, #tpu.memory_space<hbm>>
      tpu.wait_indirect_dma semaphore(%arg12 : memref<!tpu.dma_semaphore, #tpu.memory_space<semaphore_mem>>) src(%dma_wait3A_81 : memref<1000000x64xf32, #tpu.memory_space<hbm>>) dst(%dma_wait3A_76 : memref<128x64xf32, #tpu.memory_space<vmem>>)
      %dma_start3A_82 = arith.constant 512 : i32
      %dma_start3A_83 = arith.constant 0 : i32
      %dma_start3A_84 = tpu.memref_slice %arg10[%dma_start3A_82, %dma_start3A_83] : memref<640x64xf32, #tpu.memory_space<vmem>> -> memref<128x64xf32, #tpu.memory_space<vmem>>
      %dma_start3A_85 = arith.constant 512 : i32
      %dma_start3A_86 = tpu.memref_slice %arg7[%dma_start3A_85] : memref<640xi32, #tpu.memory_space<vmem>> -> memref<128xi32, #tpu.memory_space<vmem>>
      %dma_start3A_87 = arith.constant 0 : i32
      %dma_start3A_88 = arith.constant 0 : i32
      %dma_start3A_89 = tpu.memref_slice %arg3[%dma_start3A_87, %dma_start3A_88] : memref<1000000x64xf32, #tpu.memory_space<hbm>> -> memref<1000000x64xf32, #tpu.memory_space<hbm>>
      tpu.enqueue_indirect_dma source(%dma_start3A_89 : memref<1000000x64xf32, #tpu.memory_space<hbm>>) target(%dma_start3A_84 : memref<128x64xf32, #tpu.memory_space<vmem>>) offsets(%dma_start3A_86 : memref<128xi32, #tpu.memory_space<vmem>>) semaphore(%arg12 : memref<!tpu.dma_semaphore, #tpu.memory_space<semaphore_mem>>)
      %dma_wait3A_90 = arith.constant 512 : i32
      %dma_wait3A_91 = arith.constant 0 : i32
      %dma_wait3A_92 = tpu.memref_slice %arg10[%dma_wait3A_90, %dma_wait3A_91] : memref<640x64xf32, #tpu.memory_space<vmem>> -> memref<128x64xf32, #tpu.memory_space<vmem>>
      %dma_wait3A_93 = arith.constant 512 : i32
      %dma_wait3A_94 = tpu.memref_slice %arg7[%dma_wait3A_93] : memref<640xi32, #tpu.memory_space<vmem>> -> memref<128xi32, #tpu.memory_space<vmem>>
      %dma_wait3A_95 = arith.constant 0 : i32
      %dma_wait3A_96 = arith.constant 0 : i32
      %dma_wait3A_97 = tpu.memref_slice %arg3[%dma_wait3A_95, %dma_wait3A_96] : memref<1000000x64xf32, #tpu.memory_space<hbm>> -> memref<1000000x64xf32, #tpu.memory_space<hbm>>
      tpu.wait_indirect_dma semaphore(%arg12 : memref<!tpu.dma_semaphore, #tpu.memory_space<semaphore_mem>>) src(%dma_wait3A_97 : memref<1000000x64xf32, #tpu.memory_space<hbm>>) dst(%dma_wait3A_92 : memref<128x64xf32, #tpu.memory_space<vmem>>)
      %xor3A = arith.constant 1 : i32
      %xor3A_98 = vector.broadcast %xor3A : i32 to vector<16xi32>
      %xor3A_99 = arith.xori %iota3A, %xor3A_98 : vector<16xi32>
      %xor3A_100 = arith.constant 2 : i32
      %xor3A_101 = vector.broadcast %xor3A_100 : i32 to vector<16xi32>
      %xor3A_102 = arith.xori %iota3A, %xor3A_101 : vector<16xi32>
      %xor3A_103 = arith.constant 4 : i32
      %xor3A_104 = vector.broadcast %xor3A_103 : i32 to vector<16xi32>
      %xor3A_105 = arith.xori %iota3A, %xor3A_104 : vector<16xi32>
      %xor3A_106 = arith.constant 8 : i32
      %xor3A_107 = vector.broadcast %xor3A_106 : i32 to vector<16xi32>
      %xor3A_108 = arith.xori %iota3A, %xor3A_107 : vector<16xi32>
      %scan3A_109 = arith.constant 0 : i32
      %scan3A_110 = arith.constant 0 : i32
      %scan3A_111 = arith.constant 16 : i32
      %scan3A_112 = arith.addi %scan3A_110, %scan3A_111 : i32
      %scan3A_113 = arith.constant 1 : i32
      scf.for %scan3A_117 = %scan3A_110 to %scan3A_112 step %scan3A_113  : i32 {
        %get3A = arith.index_cast %scan3A_117 : i32 to index
        %get3A_118 = arith.constant 0 : index
        %get3A_119 = tpu.vector_load %arg9[%get3A, %get3A_118] {strides = array<i32>} : memref<16x64xf32, #tpu.memory_space<vmem>>, vector<1x16xf32>,
        %get3A_120 = vector.shape_cast %get3A_119 : vector<1x16xf32> to vector<16xf32>
        %get3A_121 = arith.index_cast %scan3A_117 : i32 to index
        %get3A_122 = arith.constant 16 : index
        %get3A_123 = tpu.vector_load %arg9[%get3A_121, %get3A_122] {strides = array<i32>} : memref<16x64xf32, #tpu.memory_space<vmem>>, vector<1x16xf32>,
        %get3A_124 = vector.shape_cast %get3A_123 : vector<1x16xf32> to vector<16xf32>
        %get3A_125 = arith.index_cast %scan3A_117 : i32 to index
        %get3A_126 = arith.constant 32 : index
        %get3A_127 = tpu.vector_load %arg9[%get3A_125, %get3A_126] {strides = array<i32>} : memref<16x64xf32, #tpu.memory_space<vmem>>, vector<1x16xf32>,
        %get3A_128 = vector.shape_cast %get3A_127 : vector<1x16xf32> to vector<16xf32>
        %get3A_129 = arith.index_cast %scan3A_117 : i32 to index
        %get3A_130 = arith.constant 48 : index
        %get3A_131 = tpu.vector_load %arg9[%get3A_129, %get3A_130] {strides = array<i32>} : memref<16x64xf32, #tpu.memory_space<vmem>>, vector<1x16xf32>,
        %get3A_132 = vector.shape_cast %get3A_131 : vector<1x16xf32> to vector<16xf32>
        %broadcast_in_dim3A = arith.constant 0.000000e+00 : f32
        %broadcast_in_dim3A_133 = vector.broadcast %broadcast_in_dim3A : f32 to vector<16xf32>
        %broadcast_in_dim3A_134 = arith.constant 0.000000e+00 : f32
        %broadcast_in_dim3A_135 = vector.broadcast %broadcast_in_dim3A_134 : f32 to vector<16xf32>
        %broadcast_in_dim3A_136 = arith.constant 0.000000e+00 : f32
        %broadcast_in_dim3A_137 = vector.broadcast %broadcast_in_dim3A_136 : f32 to vector<16xf32>
        %mul3A_138 = arith.constant 40 : i32
        %mul3A_139 = arith.muli %scan3A_117, %mul3A_138 : i32
        %add3A_140 = arith.constant 0 : i32
        %add3A_141 = arith.addi %mul3A_139, %add3A_140 : i32
        %get3A_142 = arith.index_cast %add3A_141 : i32 to index
        %get3A_143 = arith.constant 0 : index
        %get3A_144 = tpu.vector_load %arg10[%get3A_142, %get3A_143] {strides = array<i32>} : memref<640x64xf32, #tpu.memory_space<vmem>>, vector<1x16xf32>,
        %get3A_145 = vector.shape_cast %get3A_144 : vector<1x16xf32> to vector<16xf32>
        %mul3A_146 = arith.mulf %get3A_145, %get3A_120 : vector<16xf32>
        %get3A_147 = arith.index_cast %add3A_141 : i32 to index
        %get3A_148 = arith.constant 16 : index
        %get3A_149 = tpu.vector_load %arg10[%get3A_147, %get3A_148] {strides = array<i32>} : memref<640x64xf32, #tpu.memory_space<vmem>>, vector<1x16xf32>,
        %get3A_150 = vector.shape_cast %get3A_149 : vector<1x16xf32> to vector<16xf32>
        %mul3A_151 = arith.mulf %get3A_150, %get3A_124 : vector<16xf32>
        %add3A_152 = arith.addf %mul3A_146, %mul3A_151 : vector<16xf32>
        %get3A_153 = arith.index_cast %add3A_141 : i32 to index
        %get3A_154 = arith.constant 32 : index
        %get3A_155 = tpu.vector_load %arg10[%get3A_153, %get3A_154] {strides = array<i32>} : memref<640x64xf32, #tpu.memory_space<vmem>>, vector<1x16xf32>,
        %get3A_156 = vector.shape_cast %get3A_155 : vector<1x16xf32> to vector<16xf32>
        %mul3A_157 = arith.mulf %get3A_156, %get3A_128 : vector<16xf32>
        %add3A_158 = arith.addf %add3A_152, %mul3A_157 : vector<16xf32>
        %get3A_159 = arith.index_cast %add3A_141 : i32 to index
        %get3A_160 = arith.constant 48 : index
        %get3A_161 = tpu.vector_load %arg10[%get3A_159, %get3A_160] {strides = array<i32>} : memref<640x64xf32, #tpu.memory_space<vmem>>, vector<1x16xf32>,
        %get3A_162 = vector.shape_cast %get3A_161 : vector<1x16xf32> to vector<16xf32>
        %mul3A_163 = arith.mulf %get3A_162, %get3A_132 : vector<16xf32>
        %add3A_164 = arith.addf %add3A_158, %mul3A_163 : vector<16xf32>
        %lt3A = arith.constant 0 : i32
        %lt3A_165 = vector.broadcast %lt3A : i32 to vector<16xi32>
        %lt3A_166 = arith.cmpi slt, %xor3A_99, %lt3A_165 : vector<16xi32>
        %add3A_167 = arith.constant 16 : i32
        %add3A_168 = vector.broadcast %add3A_167 : i32 to vector<16xi32>
        %add3A_169 = arith.addi %xor3A_99, %add3A_168 : vector<16xi32>
        %select_n3A = arith.select %lt3A_166, %add3A_169, %xor3A_99 : vector<16xi1>, vector<16xi32>
        %broadcast_in_dim3A_170 = vector.shape_cast %select_n3A : vector<16xi32> to vector<16x1xi32>
        %gather3A = vector.shape_cast %broadcast_in_dim3A_170 : vector<16x1xi32> to vector<16xi32>
        %gather3A_171 = tpu.dynamic_gather %add3A_164[%gather3A] in [0] : vector<16xf32>, vector<16xi32> -> vector<16xf32>
        %add3A_172 = arith.addf %add3A_164, %gather3A_171 : vector<16xf32>
        %lt3A_173 = arith.constant 0 : i32
        %lt3A_174 = vector.broadcast %lt3A_173 : i32 to vector<16xi32>
        %lt3A_175 = arith.cmpi slt, %xor3A_102, %lt3A_174 : vector<16xi32>
        %add3A_176 = arith.constant 16 : i32
        %add3A_177 = vector.broadcast %add3A_176 : i32 to vector<16xi32>
        %add3A_178 = arith.addi %xor3A_102, %add3A_177 : vector<16xi32>
        %select_n3A_179 = arith.select %lt3A_175, %add3A_178, %xor3A_102 : vector<16xi1>, vector<16xi32>
        %broadcast_in_dim3A_180 = vector.shape_cast %select_n3A_179 : vector<16xi32> to vector<16x1xi32>
        %gather3A_181 = vector.shape_cast %broadcast_in_dim3A_180 : vector<16x1xi32> to vector<16xi32>
        %gather3A_182 = tpu.dynamic_gather %add3A_172[%gather3A_181] in [0] : vector<16xf32>, vector<16xi32> -> vector<16xf32>
        %add3A_183 = arith.addf %add3A_172, %gather3A_182 : vector<16xf32>
        %lt3A_184 = arith.constant 0 : i32
        %lt3A_185 = vector.broadcast %lt3A_184 : i32 to vector<16xi32>
        %lt3A_186 = arith.cmpi slt, %xor3A_105, %lt3A_185 : vector<16xi32>
        %add3A_187 = arith.constant 16 : i32
        %add3A_188 = vector.broadcast %add3A_187 : i32 to vector<16xi32>
        %add3A_189 = arith.addi %xor3A_105, %add3A_188 : vector<16xi32>
        %select_n3A_190 = arith.select %lt3A_186, %add3A_189, %xor3A_105 : vector<16xi1>, vector<16xi32>
        %broadcast_in_dim3A_191 = vector.shape_cast %select_n3A_190 : vector<16xi32> to vector<16x1xi32>
        %gather3A_192 = vector.shape_cast %broadcast_in_dim3A_191 : vector<16x1xi32> to vector<16xi32>
        %gather3A_193 = tpu.dynamic_gather %add3A_183[%gather3A_192] in [0] : vector<16xf32>, vector<16xi32> -> vector<16xf32>
        %add3A_194 = arith.addf %add3A_183, %gather3A_193 : vector<16xf32>
        %lt3A_195 = arith.constant 0 : i32
        %lt3A_196 = vector.broadcast %lt3A_195 : i32 to vector<16xi32>
        %lt3A_197 = arith.cmpi slt, %xor3A_108, %lt3A_196 : vector<16xi32>
        %add3A_198 = arith.constant 16 : i32
        %add3A_199 = vector.broadcast %add3A_198 : i32 to vector<16xi32>
        %add3A_200 = arith.addi %xor3A_108, %add3A_199 : vector<16xi32>
        %select_n3A_201 = arith.select %lt3A_197, %add3A_200, %xor3A_108 : vector<16xi1>, vector<16xi32>
        %broadcast_in_dim3A_202 = vector.shape_cast %select_n3A_201 : vector<16xi32> to vector<16x1xi32>
        %gather3A_203 = vector.shape_cast %broadcast_in_dim3A_202 : vector<16x1xi32> to vector<16xi32>
        %gather3A_204 = tpu.dynamic_gather %add3A_194[%gather3A_203] in [0] : vector<16xf32>, vector<16xi32> -> vector<16xf32>
        %add3A_205 = arith.addf %add3A_194, %gather3A_204 : vector<16xf32>
        %eq3A = arith.constant 0 : i32
        %eq3A_206 = vector.broadcast %eq3A : i32 to vector<16xi32>
        %eq3A_207 = arith.cmpi eq, %iota3A, %eq3A_206 : vector<16xi32>
        %select_n3A_208 = arith.select %eq3A_207, %add3A_205, %broadcast_in_dim3A_133 : vector<16xi1>, vector<16xf32>
        %mul3A_209 = arith.constant 40 : i32
        %mul3A_210 = arith.muli %scan3A_117, %mul3A_209 : i32
        %add3A_211 = arith.constant 1 : i32
        %add3A_212 = arith.addi %mul3A_210, %add3A_211 : i32
        %get3A_213 = arith.index_cast %add3A_212 : i32 to index
        %get3A_214 = arith.constant 0 : index
        %get3A_215 = tpu.vector_load %arg10[%get3A_213, %get3A_214] {strides = array<i32>} : memref<640x64xf32, #tpu.memory_space<vmem>>, vector<1x16xf32>,
        %get3A_216 = vector.shape_cast %get3A_215 : vector<1x16xf32> to vector<16xf32>
        %mul3A_217 = arith.mulf %get3A_216, %get3A_120 : vector<16xf32>
        %get3A_218 = arith.index_cast %add3A_212 : i32 to index
        %get3A_219 = arith.constant 16 : index
        %get3A_220 = tpu.vector_load %arg10[%get3A_218, %get3A_219] {strides = array<i32>} : memref<640x64xf32, #tpu.memory_space<vmem>>, vector<1x16xf32>,
        %get3A_221 = vector.shape_cast %get3A_220 : vector<1x16xf32> to vector<16xf32>
        %mul3A_222 = arith.mulf %get3A_221, %get3A_124 : vector<16xf32>
        %add3A_223 = arith.addf %mul3A_217, %mul3A_222 : vector<16xf32>
        %get3A_224 = arith.index_cast %add3A_212 : i32 to index
        %get3A_225 = arith.constant 32 : index
        %get3A_226 = tpu.vector_load %arg10[%get3A_224, %get3A_225] {strides = array<i32>} : memref<640x64xf32, #tpu.memory_space<vmem>>, vector<1x16xf32>,
        %get3A_227 = vector.shape_cast %get3A_226 : vector<1x16xf32> to vector<16xf32>
        %mul3A_228 = arith.mulf %get3A_227, %get3A_128 : vector<16xf32>
        %add3A_229 = arith.addf %add3A_223, %mul3A_228 : vector<16xf32>
        %get3A_230 = arith.index_cast %add3A_212 : i32 to index
        %get3A_231 = arith.constant 48 : index
        %get3A_232 = tpu.vector_load %arg10[%get3A_230, %get3A_231] {strides = array<i32>} : memref<640x64xf32, #tpu.memory_space<vmem>>, vector<1x16xf32>,
        %get3A_233 = vector.shape_cast %get3A_232 : vector<1x16xf32> to vector<16xf32>
        %mul3A_234 = arith.mulf %get3A_233, %get3A_132 : vector<16xf32>
        %add3A_235 = arith.addf %add3A_229, %mul3A_234 : vector<16xf32>
        %lt3A_236 = arith.constant 0 : i32
        %lt3A_237 = vector.broadcast %lt3A_236 : i32 to vector<16xi32>
        %lt3A_238 = arith.cmpi slt, %xor3A_99, %lt3A_237 : vector<16xi32>
        %add3A_239 = arith.constant 16 : i32
        %add3A_240 = vector.broadcast %add3A_239 : i32 to vector<16xi32>
        %add3A_241 = arith.addi %xor3A_99, %add3A_240 : vector<16xi32>
        %select_n3A_242 = arith.select %lt3A_238, %add3A_241, %xor3A_99 : vector<16xi1>, vector<16xi32>
        %broadcast_in_dim3A_243 = vector.shape_cast %select_n3A_242 : vector<16xi32> to vector<16x1xi32>
        %gather3A_244 = vector.shape_cast %broadcast_in_dim3A_243 : vector<16x1xi32> to vector<16xi32>
        %gather3A_245 = tpu.dynamic_gather %add3A_235[%gather3A_244] in [0] : vector<16xf32>, vector<16xi32> -> vector<16xf32>
        %add3A_246 = arith.addf %add3A_235, %gather3A_245 : vector<16xf32>
        %lt3A_247 = arith.constant 0 : i32
        %lt3A_248 = vector.broadcast %lt3A_247 : i32 to vector<16xi32>
        %lt3A_249 = arith.cmpi slt, %xor3A_102, %lt3A_248 : vector<16xi32>
        %add3A_250 = arith.constant 16 : i32
        %add3A_251 = vector.broadcast %add3A_250 : i32 to vector<16xi32>
        %add3A_252 = arith.addi %xor3A_102, %add3A_251 : vector<16xi32>
        %select_n3A_253 = arith.select %lt3A_249, %add3A_252, %xor3A_102 : vector<16xi1>, vector<16xi32>
        %broadcast_in_dim3A_254 = vector.shape_cast %select_n3A_253 : vector<16xi32> to vector<16x1xi32>
        %gather3A_255 = vector.shape_cast %broadcast_in_dim3A_254 : vector<16x1xi32> to vector<16xi32>
        %gather3A_256 = tpu.dynamic_gather %add3A_246[%gather3A_255] in [0] : vector<16xf32>, vector<16xi32> -> vector<16xf32>
        %add3A_257 = arith.addf %add3A_246, %gather3A_256 : vector<16xf32>
        %lt3A_258 = arith.constant 0 : i32
        %lt3A_259 = vector.broadcast %lt3A_258 : i32 to vector<16xi32>
        %lt3A_260 = arith.cmpi slt, %xor3A_105, %lt3A_259 : vector<16xi32>
        %add3A_261 = arith.constant 16 : i32
        %add3A_262 = vector.broadcast %add3A_261 : i32 to vector<16xi32>
        %add3A_263 = arith.addi %xor3A_105, %add3A_262 : vector<16xi32>
        %select_n3A_264 = arith.select %lt3A_260, %add3A_263, %xor3A_105 : vector<16xi1>, vector<16xi32>
        %broadcast_in_dim3A_265 = vector.shape_cast %select_n3A_264 : vector<16xi32> to vector<16x1xi32>
        %gather3A_266 = vector.shape_cast %broadcast_in_dim3A_265 : vector<16x1xi32> to vector<16xi32>
        %gather3A_267 = tpu.dynamic_gather %add3A_257[%gather3A_266] in [0] : vector<16xf32>, vector<16xi32> -> vector<16xf32>
        %add3A_268 = arith.addf %add3A_257, %gather3A_267 : vector<16xf32>
        %lt3A_269 = arith.constant 0 : i32
        %lt3A_270 = vector.broadcast %lt3A_269 : i32 to vector<16xi32>
        %lt3A_271 = arith.cmpi slt, %xor3A_108, %lt3A_270 : vector<16xi32>
        %add3A_272 = arith.constant 16 : i32
        %add3A_273 = vector.broadcast %add3A_272 : i32 to vector<16xi32>
        %add3A_274 = arith.addi %xor3A_108, %add3A_273 : vector<16xi32>
        %select_n3A_275 = arith.select %lt3A_271, %add3A_274, %xor3A_108 : vector<16xi1>, vector<16xi32>
        %broadcast_in_dim3A_276 = vector.shape_cast %select_n3A_275 : vector<16xi32> to vector<16x1xi32>
        %gather3A_277 = vector.shape_cast %broadcast_in_dim3A_276 : vector<16x1xi32> to vector<16xi32>
        %gather3A_278 = tpu.dynamic_gather %add3A_268[%gather3A_277] in [0] : vector<16xf32>, vector<16xi32> -> vector<16xf32>
        %add3A_279 = arith.addf %add3A_268, %gather3A_278 : vector<16xf32>
        %eq3A_280 = arith.constant 1 : i32
        %eq3A_281 = vector.broadcast %eq3A_280 : i32 to vector<16xi32>
        %eq3A_282 = arith.cmpi eq, %iota3A, %eq3A_281 : vector<16xi32>
        %select_n3A_283 = arith.select %eq3A_282, %add3A_279, %select_n3A_208 : vector<16xi1>, vector<16xf32>
        %mul3A_284 = arith.constant 40 : i32
        %mul3A_285 = arith.muli %scan3A_117, %mul3A_284 : i32
        %add3A_286 = arith.constant 2 : i32
        %add3A_287 = arith.addi %mul3A_285, %add3A_286 : i32
        %get3A_288 = arith.index_cast %add3A_287 : i32 to index
        %get3A_289 = arith.constant 0 : index
        %get3A_290 = tpu.vector_load %arg10[%get3A_288, %get3A_289] {strides = array<i32>} : memref<640x64xf32, #tpu.memory_space<vmem>>, vector<1x16xf32>,
        %get3A_291 = vector.shape_cast %get3A_290 : vector<1x16xf32> to vector<16xf32>
        %mul3A_292 = arith.mulf %get3A_291, %get3A_120 : vector<16xf32>
        %get3A_293 = arith.index_cast %add3A_287 : i32 to index
        %get3A_294 = arith.constant 16 : index
        %get3A_295 = tpu.vector_load %arg10[%get3A_293, %get3A_294] {strides = array<i32>} : memref<640x64xf32, #tpu.memory_space<vmem>>, vector<1x16xf32>,
        %get3A_296 = vector.shape_cast %get3A_295 : vector<1x16xf32> to vector<16xf32>
        %mul3A_297 = arith.mulf %get3A_296, %get3A_124 : vector<16xf32>
        %add3A_298 = arith.addf %mul3A_292, %mul3A_297 : vector<16xf32>
        %get3A_299 = arith.index_cast %add3A_287 : i32 to index
        %get3A_300 = arith.constant 32 : index
        %get3A_301 = tpu.vector_load %arg10[%get3A_299, %get3A_300] {strides = array<i32>} : memref<640x64xf32, #tpu.memory_space<vmem>>, vector<1x16xf32>,
        %get3A_302 = vector.shape_cast %get3A_301 : vector<1x16xf32> to vector<16xf32>
        %mul3A_303 = arith.mulf %get3A_302, %get3A_128 : vector<16xf32>
        %add3A_304 = arith.addf %add3A_298, %mul3A_303 : vector<16xf32>
        %get3A_305 = arith.index_cast %add3A_287 : i32 to index
        %get3A_306 = arith.constant 48 : index
        %get3A_307 = tpu.vector_load %arg10[%get3A_305, %get3A_306] {strides = array<i32>} : memref<640x64xf32, #tpu.memory_space<vmem>>, vector<1x16xf32>,
        %get3A_308 = vector.shape_cast %get3A_307 : vector<1x16xf32> to vector<16xf32>
        %mul3A_309 = arith.mulf %get3A_308, %get3A_132 : vector<16xf32>
        %add3A_310 = arith.addf %add3A_304, %mul3A_309 : vector<16xf32>
        %lt3A_311 = arith.constant 0 : i32
        %lt3A_312 = vector.broadcast %lt3A_311 : i32 to vector<16xi32>
        %lt3A_313 = arith.cmpi slt, %xor3A_99, %lt3A_312 : vector<16xi32>
        %add3A_314 = arith.constant 16 : i32
        %add3A_315 = vector.broadcast %add3A_314 : i32 to vector<16xi32>
        %add3A_316 = arith.addi %xor3A_99, %add3A_315 : vector<16xi32>
        %select_n3A_317 = arith.select %lt3A_313, %add3A_316, %xor3A_99 : vector<16xi1>, vector<16xi32>
        %broadcast_in_dim3A_318 = vector.shape_cast %select_n3A_317 : vector<16xi32> to vector<16x1xi32>
        %gather3A_319 = vector.shape_cast %broadcast_in_dim3A_318 : vector<16x1xi32> to vector<16xi32>
        %gather3A_320 = tpu.dynamic_gather %add3A_310[%gather3A_319] in [0] : vector<16xf32>, vector<16xi32> -> vector<16xf32>
        %add3A_321 = arith.addf %add3A_310, %gather3A_320 : vector<16xf32>
        %lt3A_322 = arith.constant 0 : i32
        %lt3A_323 = vector.broadcast %lt3A_322 : i32 to vector<16xi32>
        %lt3A_324 = arith.cmpi slt, %xor3A_102, %lt3A_323 : vector<16xi32>
        %add3A_325 = arith.constant 16 : i32
        %add3A_326 = vector.broadcast %add3A_325 : i32 to vector<16xi32>
        %add3A_327 = arith.addi %xor3A_102, %add3A_326 : vector<16xi32>
        %select_n3A_328 = arith.select %lt3A_324, %add3A_327, %xor3A_102 : vector<16xi1>, vector<16xi32>
        %broadcast_in_dim3A_329 = vector.shape_cast %select_n3A_328 : vector<16xi32> to vector<16x1xi32>
        %gather3A_330 = vector.shape_cast %broadcast_in_dim3A_329 : vector<16x1xi32> to vector<16xi32>
        %gather3A_331 = tpu.dynamic_gather %add3A_321[%gather3A_330] in [0] : vector<16xf32>, vector<16xi32> -> vector<16xf32>
        %add3A_332 = arith.addf %add3A_321, %gather3A_331 : vector<16xf32>
        %lt3A_333 = arith.constant 0 : i32
        %lt3A_334 = vector.broadcast %lt3A_333 : i32 to vector<16xi32>
        %lt3A_335 = arith.cmpi slt, %xor3A_105, %lt3A_334 : vector<16xi32>
        %add3A_336 = arith.constant 16 : i32
        %add3A_337 = vector.broadcast %add3A_336 : i32 to vector<16xi32>
        %add3A_338 = arith.addi %xor3A_105, %add3A_337 : vector<16xi32>
        %select_n3A_339 = arith.select %lt3A_335, %add3A_338, %xor3A_105 : vector<16xi1>, vector<16xi32>
        %broadcast_in_dim3A_340 = vector.shape_cast %select_n3A_339 : vector<16xi32> to vector<16x1xi32>
        %gather3A_341 = vector.shape_cast %broadcast_in_dim3A_340 : vector<16x1xi32> to vector<16xi32>
        %gather3A_342 = tpu.dynamic_gather %add3A_332[%gather3A_341] in [0] : vector<16xf32>, vector<16xi32> -> vector<16xf32>
        %add3A_343 = arith.addf %add3A_332, %gather3A_342 : vector<16xf32>
        %lt3A_344 = arith.constant 0 : i32
        %lt3A_345 = vector.broadcast %lt3A_344 : i32 to vector<16xi32>
        %lt3A_346 = arith.cmpi slt, %xor3A_108, %lt3A_345 : vector<16xi32>
        %add3A_347 = arith.constant 16 : i32
        %add3A_348 = vector.broadcast %add3A_347 : i32 to vector<16xi32>
        %add3A_349 = arith.addi %xor3A_108, %add3A_348 : vector<16xi32>
        %select_n3A_350 = arith.select %lt3A_346, %add3A_349, %xor3A_108 : vector<16xi1>, vector<16xi32>
        %broadcast_in_dim3A_351 = vector.shape_cast %select_n3A_350 : vector<16xi32> to vector<16x1xi32>
        %gather3A_352 = vector.shape_cast %broadcast_in_dim3A_351 : vector<16x1xi32> to vector<16xi32>
        %gather3A_353 = tpu.dynamic_gather %add3A_343[%gather3A_352] in [0] : vector<16xf32>, vector<16xi32> -> vector<16xf32>
        %add3A_354 = arith.addf %add3A_343, %gather3A_353 : vector<16xf32>
        %eq3A_355 = arith.constant 2 : i32
        %eq3A_356 = vector.broadcast %eq3A_355 : i32 to vector<16xi32>
        %eq3A_357 = arith.cmpi eq, %iota3A, %eq3A_356 : vector<16xi32>
        %select_n3A_358 = arith.select %eq3A_357, %add3A_354, %select_n3A_283 : vector<16xi1>, vector<16xf32>
        %mul3A_359 = arith.constant 40 : i32
        %mul3A_360 = arith.muli %scan3A_117, %mul3A_359 : i32
        %add3A_361 = arith.constant 3 : i32
        %add3A_362 = arith.addi %mul3A_360, %add3A_361 : i32
        %get3A_363 = arith.index_cast %add3A_362 : i32 to index
        %get3A_364 = arith.constant 0 : index
        %get3A_365 = tpu.vector_load %arg10[%get3A_363, %get3A_364] {strides = array<i32>} : memref<640x64xf32, #tpu.memory_space<vmem>>, vector<1x16xf32>,
        %get3A_366 = vector.shape_cast %get3A_365 : vector<1x16xf32> to vector<16xf32>
        %mul3A_367 = arith.mulf %get3A_366, %get3A_120 : vector<16xf32>
        %get3A_368 = arith.index_cast %add3A_362 : i32 to index
        %get3A_369 = arith.constant 16 : index
        %get3A_370 = tpu.vector_load %arg10[%get3A_368, %get3A_369] {strides = array<i32>} : memref<640x64xf32, #tpu.memory_space<vmem>>, vector<1x16xf32>,
        %get3A_371 = vector.shape_cast %get3A_370 : vector<1x16xf32> to vector<16xf32>
        %mul3A_372 = arith.mulf %get3A_371, %get3A_124 : vector<16xf32>
        %add3A_373 = arith.addf %mul3A_367, %mul3A_372 : vector<16xf32>
        %get3A_374 = arith.index_cast %add3A_362 : i32 to index
        %get3A_375 = arith.constant 32 : index
        %get3A_376 = tpu.vector_load %arg10[%get3A_374, %get3A_375] {strides = array<i32>} : memref<640x64xf32, #tpu.memory_space<vmem>>, vector<1x16xf32>,
        %get3A_377 = vector.shape_cast %get3A_376 : vector<1x16xf32> to vector<16xf32>
        %mul3A_378 = arith.mulf %get3A_377, %get3A_128 : vector<16xf32>
        %add3A_379 = arith.addf %add3A_373, %mul3A_378 : vector<16xf32>
        %get3A_380 = arith.index_cast %add3A_362 : i32 to index
        %get3A_381 = arith.constant 48 : index
        %get3A_382 = tpu.vector_load %arg10[%get3A_380, %get3A_381] {strides = array<i32>} : memref<640x64xf32, #tpu.memory_space<vmem>>, vector<1x16xf32>,
        %get3A_383 = vector.shape_cast %get3A_382 : vector<1x16xf32> to vector<16xf32>
        %mul3A_384 = arith.mulf %get3A_383, %get3A_132 : vector<16xf32>
        %add3A_385 = arith.addf %add3A_379, %mul3A_384 : vector<16xf32>
        %lt3A_386 = arith.constant 0 : i32
        %lt3A_387 = vector.broadcast %lt3A_386 : i32 to vector<16xi32>
        %lt3A_388 = arith.cmpi slt, %xor3A_99, %lt3A_387 : vector<16xi32>
        %add3A_389 = arith.constant 16 : i32
        %add3A_390 = vector.broadcast %add3A_389 : i32 to vector<16xi32>
        %add3A_391 = arith.addi %xor3A_99, %add3A_390 : vector<16xi32>
        %select_n3A_392 = arith.select %lt3A_388, %add3A_391, %xor3A_99 : vector<16xi1>, vector<16xi32>
        %broadcast_in_dim3A_393 = vector.shape_cast %select_n3A_392 : vector<16xi32> to vector<16x1xi32>
        %gather3A_394 = vector.shape_cast %broadcast_in_dim3A_393 : vector<16x1xi32> to vector<16xi32>
        %gather3A_395 = tpu.dynamic_gather %add3A_385[%gather3A_394] in [0] : vector<16xf32>, vector<16xi32> -> vector<16xf32>
        %add3A_396 = arith.addf %add3A_385, %gather3A_395 : vector<16xf32>
        %lt3A_397 = arith.constant 0 : i32
        %lt3A_398 = vector.broadcast %lt3A_397 : i32 to vector<16xi32>
        %lt3A_399 = arith.cmpi slt, %xor3A_102, %lt3A_398 : vector<16xi32>
        %add3A_400 = arith.constant 16 : i32
        %add3A_401 = vector.broadcast %add3A_400 : i32 to vector<16xi32>
        %add3A_402 = arith.addi %xor3A_102, %add3A_401 : vector<16xi32>
        %select_n3A_403 = arith.select %lt3A_399, %add3A_402, %xor3A_102 : vector<16xi1>, vector<16xi32>
        %broadcast_in_dim3A_404 = vector.shape_cast %select_n3A_403 : vector<16xi32> to vector<16x1xi32>
        %gather3A_405 = vector.shape_cast %broadcast_in_dim3A_404 : vector<16x1xi32> to vector<16xi32>
        %gather3A_406 = tpu.dynamic_gather %add3A_396[%gather3A_405] in [0] : vector<16xf32>, vector<16xi32> -> vector<16xf32>
        %add3A_407 = arith.addf %add3A_396, %gather3A_406 : vector<16xf32>
        %lt3A_408 = arith.constant 0 : i32
        %lt3A_409 = vector.broadcast %lt3A_408 : i32 to vector<16xi32>
        %lt3A_410 = arith.cmpi slt, %xor3A_105, %lt3A_409 : vector<16xi32>
        %add3A_411 = arith.constant 16 : i32
        %add3A_412 = vector.broadcast %add3A_411 : i32 to vector<16xi32>
        %add3A_413 = arith.addi %xor3A_105, %add3A_412 : vector<16xi32>
        %select_n3A_414 = arith.select %lt3A_410, %add3A_413, %xor3A_105 : vector<16xi1>, vector<16xi32>
        %broadcast_in_dim3A_415 = vector.shape_cast %select_n3A_414 : vector<16xi32> to vector<16x1xi32>
        %gather3A_416 = vector.shape_cast %broadcast_in_dim3A_415 : vector<16x1xi32> to vector<16xi32>
        %gather3A_417 = tpu.dynamic_gather %add3A_407[%gather3A_416] in [0] : vector<16xf32>, vector<16xi32> -> vector<16xf32>
        %add3A_418 = arith.addf %add3A_407, %gather3A_417 : vector<16xf32>
        %lt3A_419 = arith.constant 0 : i32
        %lt3A_420 = vector.broadcast %lt3A_419 : i32 to vector<16xi32>
        %lt3A_421 = arith.cmpi slt, %xor3A_108, %lt3A_420 : vector<16xi32>
        %add3A_422 = arith.constant 16 : i32
        %add3A_423 = vector.broadcast %add3A_422 : i32 to vector<16xi32>
        %add3A_424 = arith.addi %xor3A_108, %add3A_423 : vector<16xi32>
        %select_n3A_425 = arith.select %lt3A_421, %add3A_424, %xor3A_108 : vector<16xi1>, vector<16xi32>
        %broadcast_in_dim3A_426 = vector.shape_cast %select_n3A_425 : vector<16xi32> to vector<16x1xi32>
        %gather3A_427 = vector.shape_cast %broadcast_in_dim3A_426 : vector<16x1xi32> to vector<16xi32>
        %gather3A_428 = tpu.dynamic_gather %add3A_418[%gather3A_427] in [0] : vector<16xf32>, vector<16xi32> -> vector<16xf32>
        %add3A_429 = arith.addf %add3A_418, %gather3A_428 : vector<16xf32>
        %eq3A_430 = arith.constant 3 : i32
        %eq3A_431 = vector.broadcast %eq3A_430 : i32 to vector<16xi32>
        %eq3A_432 = arith.cmpi eq, %iota3A, %eq3A_431 : vector<16xi32>
        %select_n3A_433 = arith.select %eq3A_432, %add3A_429, %select_n3A_358 : vector<16xi1>, vector<16xf32>
        %mul3A_434 = arith.constant 40 : i32
        %mul3A_435 = arith.muli %scan3A_117, %mul3A_434 : i32
        %add3A_436 = arith.constant 4 : i32
        %add3A_437 = arith.addi %mul3A_435, %add3A_436 : i32
        %get3A_438 = arith.index_cast %add3A_437 : i32 to index
        %get3A_439 = arith.constant 0 : index
        %get3A_440 = tpu.vector_load %arg10[%get3A_438, %get3A_439] {strides = array<i32>} : memref<640x64xf32, #tpu.memory_space<vmem>>, vector<1x16xf32>,
        %get3A_441 = vector.shape_cast %get3A_440 : vector<1x16xf32> to vector<16xf32>
        %mul3A_442 = arith.mulf %get3A_441, %get3A_120 : vector<16xf32>
        %get3A_443 = arith.index_cast %add3A_437 : i32 to index
        %get3A_444 = arith.constant 16 : index
        %get3A_445 = tpu.vector_load %arg10[%get3A_443, %get3A_444] {strides = array<i32>} : memref<640x64xf32, #tpu.memory_space<vmem>>, vector<1x16xf32>,
        %get3A_446 = vector.shape_cast %get3A_445 : vector<1x16xf32> to vector<16xf32>
        %mul3A_447 = arith.mulf %get3A_446, %get3A_124 : vector<16xf32>
        %add3A_448 = arith.addf %mul3A_442, %mul3A_447 : vector<16xf32>
        %get3A_449 = arith.index_cast %add3A_437 : i32 to index
        %get3A_450 = arith.constant 32 : index
        %get3A_451 = tpu.vector_load %arg10[%get3A_449, %get3A_450] {strides = array<i32>} : memref<640x64xf32, #tpu.memory_space<vmem>>, vector<1x16xf32>,
        %get3A_452 = vector.shape_cast %get3A_451 : vector<1x16xf32> to vector<16xf32>
        %mul3A_453 = arith.mulf %get3A_452, %get3A_128 : vector<16xf32>
        %add3A_454 = arith.addf %add3A_448, %mul3A_453 : vector<16xf32>
        %get3A_455 = arith.index_cast %add3A_437 : i32 to index
        %get3A_456 = arith.constant 48 : index
        %get3A_457 = tpu.vector_load %arg10[%get3A_455, %get3A_456] {strides = array<i32>} : memref<640x64xf32, #tpu.memory_space<vmem>>, vector<1x16xf32>,
        %get3A_458 = vector.shape_cast %get3A_457 : vector<1x16xf32> to vector<16xf32>
        %mul3A_459 = arith.mulf %get3A_458, %get3A_132 : vector<16xf32>
        %add3A_460 = arith.addf %add3A_454, %mul3A_459 : vector<16xf32>
        %lt3A_461 = arith.constant 0 : i32
        %lt3A_462 = vector.broadcast %lt3A_461 : i32 to vector<16xi32>
        %lt3A_463 = arith.cmpi slt, %xor3A_99, %lt3A_462 : vector<16xi32>
        %add3A_464 = arith.constant 16 : i32
        %add3A_465 = vector.broadcast %add3A_464 : i32 to vector<16xi32>
        %add3A_466 = arith.addi %xor3A_99, %add3A_465 : vector<16xi32>
        %select_n3A_467 = arith.select %lt3A_463, %add3A_466, %xor3A_99 : vector<16xi1>, vector<16xi32>
        %broadcast_in_dim3A_468 = vector.shape_cast %select_n3A_467 : vector<16xi32> to vector<16x1xi32>
        %gather3A_469 = vector.shape_cast %broadcast_in_dim3A_468 : vector<16x1xi32> to vector<16xi32>
        %gather3A_470 = tpu.dynamic_gather %add3A_460[%gather3A_469] in [0] : vector<16xf32>, vector<16xi32> -> vector<16xf32>
        %add3A_471 = arith.addf %add3A_460, %gather3A_470 : vector<16xf32>
        %lt3A_472 = arith.constant 0 : i32
        %lt3A_473 = vector.broadcast %lt3A_472 : i32 to vector<16xi32>
        %lt3A_474 = arith.cmpi slt, %xor3A_102, %lt3A_473 : vector<16xi32>
        %add3A_475 = arith.constant 16 : i32
        %add3A_476 = vector.broadcast %add3A_475 : i32 to vector<16xi32>
        %add3A_477 = arith.addi %xor3A_102, %add3A_476 : vector<16xi32>
        %select_n3A_478 = arith.select %lt3A_474, %add3A_477, %xor3A_102 : vector<16xi1>, vector<16xi32>
        %broadcast_in_dim3A_479 = vector.shape_cast %select_n3A_478 : vector<16xi32> to vector<16x1xi32>
        %gather3A_480 = vector.shape_cast %broadcast_in_dim3A_479 : vector<16x1xi32> to vector<16xi32>
        %gather3A_481 = tpu.dynamic_gather %add3A_471[%gather3A_480] in [0] : vector<16xf32>, vector<16xi32> -> vector<16xf32>
        %add3A_482 = arith.addf %add3A_471, %gather3A_481 : vector<16xf32>
        %lt3A_483 = arith.constant 0 : i32
        %lt3A_484 = vector.broadcast %lt3A_483 : i32 to vector<16xi32>
        %lt3A_485 = arith.cmpi slt, %xor3A_105, %lt3A_484 : vector<16xi32>
        %add3A_486 = arith.constant 16 : i32
        %add3A_487 = vector.broadcast %add3A_486 : i32 to vector<16xi32>
        %add3A_488 = arith.addi %xor3A_105, %add3A_487 : vector<16xi32>
        %select_n3A_489 = arith.select %lt3A_485, %add3A_488, %xor3A_105 : vector<16xi1>, vector<16xi32>
        %broadcast_in_dim3A_490 = vector.shape_cast %select_n3A_489 : vector<16xi32> to vector<16x1xi32>
        %gather3A_491 = vector.shape_cast %broadcast_in_dim3A_490 : vector<16x1xi32> to vector<16xi32>
        %gather3A_492 = tpu.dynamic_gather %add3A_482[%gather3A_491] in [0] : vector<16xf32>, vector<16xi32> -> vector<16xf32>
        %add3A_493 = arith.addf %add3A_482, %gather3A_492 : vector<16xf32>
        %lt3A_494 = arith.constant 0 : i32
        %lt3A_495 = vector.broadcast %lt3A_494 : i32 to vector<16xi32>
        %lt3A_496 = arith.cmpi slt, %xor3A_108, %lt3A_495 : vector<16xi32>
        %add3A_497 = arith.constant 16 : i32
        %add3A_498 = vector.broadcast %add3A_497 : i32 to vector<16xi32>
        %add3A_499 = arith.addi %xor3A_108, %add3A_498 : vector<16xi32>
        %select_n3A_500 = arith.select %lt3A_496, %add3A_499, %xor3A_108 : vector<16xi1>, vector<16xi32>
        %broadcast_in_dim3A_501 = vector.shape_cast %select_n3A_500 : vector<16xi32> to vector<16x1xi32>
        %gather3A_502 = vector.shape_cast %broadcast_in_dim3A_501 : vector<16x1xi32> to vector<16xi32>
        %gather3A_503 = tpu.dynamic_gather %add3A_493[%gather3A_502] in [0] : vector<16xf32>, vector<16xi32> -> vector<16xf32>
        %add3A_504 = arith.addf %add3A_493, %gather3A_503 : vector<16xf32>
        %eq3A_505 = arith.constant 4 : i32
        %eq3A_506 = vector.broadcast %eq3A_505 : i32 to vector<16xi32>
        %eq3A_507 = arith.cmpi eq, %iota3A, %eq3A_506 : vector<16xi32>
        %select_n3A_508 = arith.select %eq3A_507, %add3A_504, %select_n3A_433 : vector<16xi1>, vector<16xf32>
        %mul3A_509 = arith.constant 40 : i32
        %mul3A_510 = arith.muli %scan3A_117, %mul3A_509 : i32
        %add3A_511 = arith.constant 5 : i32
        %add3A_512 = arith.addi %mul3A_510, %add3A_511 : i32
        %get3A_513 = arith.index_cast %add3A_512 : i32 to index
        %get3A_514 = arith.constant 0 : index
        %get3A_515 = tpu.vector_load %arg10[%get3A_513, %get3A_514] {strides = array<i32>} : memref<640x64xf32, #tpu.memory_space<vmem>>, vector<1x16xf32>,
        %get3A_516 = vector.shape_cast %get3A_515 : vector<1x16xf32> to vector<16xf32>
        %mul3A_517 = arith.mulf %get3A_516, %get3A_120 : vector<16xf32>
        %get3A_518 = arith.index_cast %add3A_512 : i32 to index
        %get3A_519 = arith.constant 16 : index
        %get3A_520 = tpu.vector_load %arg10[%get3A_518, %get3A_519] {strides = array<i32>} : memref<640x64xf32, #tpu.memory_space<vmem>>, vector<1x16xf32>,
        %get3A_521 = vector.shape_cast %get3A_520 : vector<1x16xf32> to vector<16xf32>
        %mul3A_522 = arith.mulf %get3A_521, %get3A_124 : vector<16xf32>
        %add3A_523 = arith.addf %mul3A_517, %mul3A_522 : vector<16xf32>
        %get3A_524 = arith.index_cast %add3A_512 : i32 to index
        %get3A_525 = arith.constant 32 : index
        %get3A_526 = tpu.vector_load %arg10[%get3A_524, %get3A_525] {strides = array<i32>} : memref<640x64xf32, #tpu.memory_space<vmem>>, vector<1x16xf32>,
        %get3A_527 = vector.shape_cast %get3A_526 : vector<1x16xf32> to vector<16xf32>
        %mul3A_528 = arith.mulf %get3A_527, %get3A_128 : vector<16xf32>
        %add3A_529 = arith.addf %add3A_523, %mul3A_528 : vector<16xf32>
        %get3A_530 = arith.index_cast %add3A_512 : i32 to index
        %get3A_531 = arith.constant 48 : index
        %get3A_532 = tpu.vector_load %arg10[%get3A_530, %get3A_531] {strides = array<i32>} : memref<640x64xf32, #tpu.memory_space<vmem>>, vector<1x16xf32>,
        %get3A_533 = vector.shape_cast %get3A_532 : vector<1x16xf32> to vector<16xf32>
        %mul3A_534 = arith.mulf %get3A_533, %get3A_132 : vector<16xf32>
        %add3A_535 = arith.addf %add3A_529, %mul3A_534 : vector<16xf32>
        %lt3A_536 = arith.constant 0 : i32
        %lt3A_537 = vector.broadcast %lt3A_536 : i32 to vector<16xi32>
        %lt3A_538 = arith.cmpi slt, %xor3A_99, %lt3A_537 : vector<16xi32>
        %add3A_539 = arith.constant 16 : i32
        %add3A_540 = vector.broadcast %add3A_539 : i32 to vector<16xi32>
        %add3A_541 = arith.addi %xor3A_99, %add3A_540 : vector<16xi32>
        %select_n3A_542 = arith.select %lt3A_538, %add3A_541, %xor3A_99 : vector<16xi1>, vector<16xi32>
        %broadcast_in_dim3A_543 = vector.shape_cast %select_n3A_542 : vector<16xi32> to vector<16x1xi32>
        %gather3A_544 = vector.shape_cast %broadcast_in_dim3A_543 : vector<16x1xi32> to vector<16xi32>
        %gather3A_545 = tpu.dynamic_gather %add3A_535[%gather3A_544] in [0] : vector<16xf32>, vector<16xi32> -> vector<16xf32>
        %add3A_546 = arith.addf %add3A_535, %gather3A_545 : vector<16xf32>
        %lt3A_547 = arith.constant 0 : i32
        %lt3A_548 = vector.broadcast %lt3A_547 : i32 to vector<16xi32>
        %lt3A_549 = arith.cmpi slt, %xor3A_102, %lt3A_548 : vector<16xi32>
        %add3A_550 = arith.constant 16 : i32
        %add3A_551 = vector.broadcast %add3A_550 : i32 to vector<16xi32>
        %add3A_552 = arith.addi %xor3A_102, %add3A_551 : vector<16xi32>
        %select_n3A_553 = arith.select %lt3A_549, %add3A_552, %xor3A_102 : vector<16xi1>, vector<16xi32>
        %broadcast_in_dim3A_554 = vector.shape_cast %select_n3A_553 : vector<16xi32> to vector<16x1xi32>
        %gather3A_555 = vector.shape_cast %broadcast_in_dim3A_554 : vector<16x1xi32> to vector<16xi32>
        %gather3A_556 = tpu.dynamic_gather %add3A_546[%gather3A_555] in [0] : vector<16xf32>, vector<16xi32> -> vector<16xf32>
        %add3A_557 = arith.addf %add3A_546, %gather3A_556 : vector<16xf32>
        %lt3A_558 = arith.constant 0 : i32
        %lt3A_559 = vector.broadcast %lt3A_558 : i32 to vector<16xi32>
        %lt3A_560 = arith.cmpi slt, %xor3A_105, %lt3A_559 : vector<16xi32>
        %add3A_561 = arith.constant 16 : i32
        %add3A_562 = vector.broadcast %add3A_561 : i32 to vector<16xi32>
        %add3A_563 = arith.addi %xor3A_105, %add3A_562 : vector<16xi32>
        %select_n3A_564 = arith.select %lt3A_560, %add3A_563, %xor3A_105 : vector<16xi1>, vector<16xi32>
        %broadcast_in_dim3A_565 = vector.shape_cast %select_n3A_564 : vector<16xi32> to vector<16x1xi32>
        %gather3A_566 = vector.shape_cast %broadcast_in_dim3A_565 : vector<16x1xi32> to vector<16xi32>
        %gather3A_567 = tpu.dynamic_gather %add3A_557[%gather3A_566] in [0] : vector<16xf32>, vector<16xi32> -> vector<16xf32>
        %add3A_568 = arith.addf %add3A_557, %gather3A_567 : vector<16xf32>
        %lt3A_569 = arith.constant 0 : i32
        %lt3A_570 = vector.broadcast %lt3A_569 : i32 to vector<16xi32>
        %lt3A_571 = arith.cmpi slt, %xor3A_108, %lt3A_570 : vector<16xi32>
        %add3A_572 = arith.constant 16 : i32
        %add3A_573 = vector.broadcast %add3A_572 : i32 to vector<16xi32>
        %add3A_574 = arith.addi %xor3A_108, %add3A_573 : vector<16xi32>
        %select_n3A_575 = arith.select %lt3A_571, %add3A_574, %xor3A_108 : vector<16xi1>, vector<16xi32>
        %broadcast_in_dim3A_576 = vector.shape_cast %select_n3A_575 : vector<16xi32> to vector<16x1xi32>
        %gather3A_577 = vector.shape_cast %broadcast_in_dim3A_576 : vector<16x1xi32> to vector<16xi32>
        %gather3A_578 = tpu.dynamic_gather %add3A_568[%gather3A_577] in [0] : vector<16xf32>, vector<16xi32> -> vector<16xf32>
        %add3A_579 = arith.addf %add3A_568, %gather3A_578 : vector<16xf32>
        %eq3A_580 = arith.constant 5 : i32
        %eq3A_581 = vector.broadcast %eq3A_580 : i32 to vector<16xi32>
        %eq3A_582 = arith.cmpi eq, %iota3A, %eq3A_581 : vector<16xi32>
        %select_n3A_583 = arith.select %eq3A_582, %add3A_579, %select_n3A_508 : vector<16xi1>, vector<16xf32>
        %mul3A_584 = arith.constant 40 : i32
        %mul3A_585 = arith.muli %scan3A_117, %mul3A_584 : i32
        %add3A_586 = arith.constant 6 : i32
        %add3A_587 = arith.addi %mul3A_585, %add3A_586 : i32
        %get3A_588 = arith.index_cast %add3A_587 : i32 to index
        %get3A_589 = arith.constant 0 : index
        %get3A_590 = tpu.vector_load %arg10[%get3A_588, %get3A_589] {strides = array<i32>} : memref<640x64xf32, #tpu.memory_space<vmem>>, vector<1x16xf32>,
        %get3A_591 = vector.shape_cast %get3A_590 : vector<1x16xf32> to vector<16xf32>
        %mul3A_592 = arith.mulf %get3A_591, %get3A_120 : vector<16xf32>
        %get3A_593 = arith.index_cast %add3A_587 : i32 to index
        %get3A_594 = arith.constant 16 : index
        %get3A_595 = tpu.vector_load %arg10[%get3A_593, %get3A_594] {strides = array<i32>} : memref<640x64xf32, #tpu.memory_space<vmem>>, vector<1x16xf32>,
        %get3A_596 = vector.shape_cast %get3A_595 : vector<1x16xf32> to vector<16xf32>
        %mul3A_597 = arith.mulf %get3A_596, %get3A_124 : vector<16xf32>
        %add3A_598 = arith.addf %mul3A_592, %mul3A_597 : vector<16xf32>
        %get3A_599 = arith.index_cast %add3A_587 : i32 to index
        %get3A_600 = arith.constant 32 : index
        %get3A_601 = tpu.vector_load %arg10[%get3A_599, %get3A_600] {strides = array<i32>} : memref<640x64xf32, #tpu.memory_space<vmem>>, vector<1x16xf32>,
        %get3A_602 = vector.shape_cast %get3A_601 : vector<1x16xf32> to vector<16xf32>
        %mul3A_603 = arith.mulf %get3A_602, %get3A_128 : vector<16xf32>
        %add3A_604 = arith.addf %add3A_598, %mul3A_603 : vector<16xf32>
        %get3A_605 = arith.index_cast %add3A_587 : i32 to index
        %get3A_606 = arith.constant 48 : index
        %get3A_607 = tpu.vector_load %arg10[%get3A_605, %get3A_606] {strides = array<i32>} : memref<640x64xf32, #tpu.memory_space<vmem>>, vector<1x16xf32>,
        %get3A_608 = vector.shape_cast %get3A_607 : vector<1x16xf32> to vector<16xf32>
        %mul3A_609 = arith.mulf %get3A_608, %get3A_132 : vector<16xf32>
        %add3A_610 = arith.addf %add3A_604, %mul3A_609 : vector<16xf32>
        %lt3A_611 = arith.constant 0 : i32
        %lt3A_612 = vector.broadcast %lt3A_611 : i32 to vector<16xi32>
        %lt3A_613 = arith.cmpi slt, %xor3A_99, %lt3A_612 : vector<16xi32>
        %add3A_614 = arith.constant 16 : i32
        %add3A_615 = vector.broadcast %add3A_614 : i32 to vector<16xi32>
        %add3A_616 = arith.addi %xor3A_99, %add3A_615 : vector<16xi32>
        %select_n3A_617 = arith.select %lt3A_613, %add3A_616, %xor3A_99 : vector<16xi1>, vector<16xi32>
        %broadcast_in_dim3A_618 = vector.shape_cast %select_n3A_617 : vector<16xi32> to vector<16x1xi32>
        %gather3A_619 = vector.shape_cast %broadcast_in_dim3A_618 : vector<16x1xi32> to vector<16xi32>
        %gather3A_620 = tpu.dynamic_gather %add3A_610[%gather3A_619] in [0] : vector<16xf32>, vector<16xi32> -> vector<16xf32>
        %add3A_621 = arith.addf %add3A_610, %gather3A_620 : vector<16xf32>
        %lt3A_622 = arith.constant 0 : i32
        %lt3A_623 = vector.broadcast %lt3A_622 : i32 to vector<16xi32>
        %lt3A_624 = arith.cmpi slt, %xor3A_102, %lt3A_623 : vector<16xi32>
        %add3A_625 = arith.constant 16 : i32
        %add3A_626 = vector.broadcast %add3A_625 : i32 to vector<16xi32>
        %add3A_627 = arith.addi %xor3A_102, %add3A_626 : vector<16xi32>
        %select_n3A_628 = arith.select %lt3A_624, %add3A_627, %xor3A_102 : vector<16xi1>, vector<16xi32>
        %broadcast_in_dim3A_629 = vector.shape_cast %select_n3A_628 : vector<16xi32> to vector<16x1xi32>
        %gather3A_630 = vector.shape_cast %broadcast_in_dim3A_629 : vector<16x1xi32> to vector<16xi32>
        %gather3A_631 = tpu.dynamic_gather %add3A_621[%gather3A_630] in [0] : vector<16xf32>, vector<16xi32> -> vector<16xf32>
        %add3A_632 = arith.addf %add3A_621, %gather3A_631 : vector<16xf32>
        %lt3A_633 = arith.constant 0 : i32
        %lt3A_634 = vector.broadcast %lt3A_633 : i32 to vector<16xi32>
        %lt3A_635 = arith.cmpi slt, %xor3A_105, %lt3A_634 : vector<16xi32>
        %add3A_636 = arith.constant 16 : i32
        %add3A_637 = vector.broadcast %add3A_636 : i32 to vector<16xi32>
        %add3A_638 = arith.addi %xor3A_105, %add3A_637 : vector<16xi32>
        %select_n3A_639 = arith.select %lt3A_635, %add3A_638, %xor3A_105 : vector<16xi1>, vector<16xi32>
        %broadcast_in_dim3A_640 = vector.shape_cast %select_n3A_639 : vector<16xi32> to vector<16x1xi32>
        %gather3A_641 = vector.shape_cast %broadcast_in_dim3A_640 : vector<16x1xi32> to vector<16xi32>
        %gather3A_642 = tpu.dynamic_gather %add3A_632[%gather3A_641] in [0] : vector<16xf32>, vector<16xi32> -> vector<16xf32>
        %add3A_643 = arith.addf %add3A_632, %gather3A_642 : vector<16xf32>
        %lt3A_644 = arith.constant 0 : i32
        %lt3A_645 = vector.broadcast %lt3A_644 : i32 to vector<16xi32>
        %lt3A_646 = arith.cmpi slt, %xor3A_108, %lt3A_645 : vector<16xi32>
        %add3A_647 = arith.constant 16 : i32
        %add3A_648 = vector.broadcast %add3A_647 : i32 to vector<16xi32>
        %add3A_649 = arith.addi %xor3A_108, %add3A_648 : vector<16xi32>
        %select_n3A_650 = arith.select %lt3A_646, %add3A_649, %xor3A_108 : vector<16xi1>, vector<16xi32>
        %broadcast_in_dim3A_651 = vector.shape_cast %select_n3A_650 : vector<16xi32> to vector<16x1xi32>
        %gather3A_652 = vector.shape_cast %broadcast_in_dim3A_651 : vector<16x1xi32> to vector<16xi32>
        %gather3A_653 = tpu.dynamic_gather %add3A_643[%gather3A_652] in [0] : vector<16xf32>, vector<16xi32> -> vector<16xf32>
        %add3A_654 = arith.addf %add3A_643, %gather3A_653 : vector<16xf32>
        %eq3A_655 = arith.constant 6 : i32
        %eq3A_656 = vector.broadcast %eq3A_655 : i32 to vector<16xi32>
        %eq3A_657 = arith.cmpi eq, %iota3A, %eq3A_656 : vector<16xi32>
        %select_n3A_658 = arith.select %eq3A_657, %add3A_654, %select_n3A_583 : vector<16xi1>, vector<16xf32>
        %mul3A_659 = arith.constant 40 : i32
        %mul3A_660 = arith.muli %scan3A_117, %mul3A_659 : i32
        %add3A_661 = arith.constant 7 : i32
        %add3A_662 = arith.addi %mul3A_660, %add3A_661 : i32
        %get3A_663 = arith.index_cast %add3A_662 : i32 to index
        %get3A_664 = arith.constant 0 : index
        %get3A_665 = tpu.vector_load %arg10[%get3A_663, %get3A_664] {strides = array<i32>} : memref<640x64xf32, #tpu.memory_space<vmem>>, vector<1x16xf32>,
        %get3A_666 = vector.shape_cast %get3A_665 : vector<1x16xf32> to vector<16xf32>
        %mul3A_667 = arith.mulf %get3A_666, %get3A_120 : vector<16xf32>
        %get3A_668 = arith.index_cast %add3A_662 : i32 to index
        %get3A_669 = arith.constant 16 : index
        %get3A_670 = tpu.vector_load %arg10[%get3A_668, %get3A_669] {strides = array<i32>} : memref<640x64xf32, #tpu.memory_space<vmem>>, vector<1x16xf32>,
        %get3A_671 = vector.shape_cast %get3A_670 : vector<1x16xf32> to vector<16xf32>
        %mul3A_672 = arith.mulf %get3A_671, %get3A_124 : vector<16xf32>
        %add3A_673 = arith.addf %mul3A_667, %mul3A_672 : vector<16xf32>
        %get3A_674 = arith.index_cast %add3A_662 : i32 to index
        %get3A_675 = arith.constant 32 : index
        %get3A_676 = tpu.vector_load %arg10[%get3A_674, %get3A_675] {strides = array<i32>} : memref<640x64xf32, #tpu.memory_space<vmem>>, vector<1x16xf32>,
        %get3A_677 = vector.shape_cast %get3A_676 : vector<1x16xf32> to vector<16xf32>
        %mul3A_678 = arith.mulf %get3A_677, %get3A_128 : vector<16xf32>
        %add3A_679 = arith.addf %add3A_673, %mul3A_678 : vector<16xf32>
        %get3A_680 = arith.index_cast %add3A_662 : i32 to index
        %get3A_681 = arith.constant 48 : index
        %get3A_682 = tpu.vector_load %arg10[%get3A_680, %get3A_681] {strides = array<i32>} : memref<640x64xf32, #tpu.memory_space<vmem>>, vector<1x16xf32>,
        %get3A_683 = vector.shape_cast %get3A_682 : vector<1x16xf32> to vector<16xf32>
        %mul3A_684 = arith.mulf %get3A_683, %get3A_132 : vector<16xf32>
        %add3A_685 = arith.addf %add3A_679, %mul3A_684 : vector<16xf32>
        %lt3A_686 = arith.constant 0 : i32
        %lt3A_687 = vector.broadcast %lt3A_686 : i32 to vector<16xi32>
        %lt3A_688 = arith.cmpi slt, %xor3A_99, %lt3A_687 : vector<16xi32>
        %add3A_689 = arith.constant 16 : i32
        %add3A_690 = vector.broadcast %add3A_689 : i32 to vector<16xi32>
        %add3A_691 = arith.addi %xor3A_99, %add3A_690 : vector<16xi32>
        %select_n3A_692 = arith.select %lt3A_688, %add3A_691, %xor3A_99 : vector<16xi1>, vector<16xi32>
        %broadcast_in_dim3A_693 = vector.shape_cast %select_n3A_692 : vector<16xi32> to vector<16x1xi32>
        %gather3A_694 = vector.shape_cast %broadcast_in_dim3A_693 : vector<16x1xi32> to vector<16xi32>
        %gather3A_695 = tpu.dynamic_gather %add3A_685[%gather3A_694] in [0] : vector<16xf32>, vector<16xi32> -> vector<16xf32>
        %add3A_696 = arith.addf %add3A_685, %gather3A_695 : vector<16xf32>
        %lt3A_697 = arith.constant 0 : i32
        %lt3A_698 = vector.broadcast %lt3A_697 : i32 to vector<16xi32>
        %lt3A_699 = arith.cmpi slt, %xor3A_102, %lt3A_698 : vector<16xi32>
        %add3A_700 = arith.constant 16 : i32
        %add3A_701 = vector.broadcast %add3A_700 : i32 to vector<16xi32>
        %add3A_702 = arith.addi %xor3A_102, %add3A_701 : vector<16xi32>
        %select_n3A_703 = arith.select %lt3A_699, %add3A_702, %xor3A_102 : vector<16xi1>, vector<16xi32>
        %broadcast_in_dim3A_704 = vector.shape_cast %select_n3A_703 : vector<16xi32> to vector<16x1xi32>
        %gather3A_705 = vector.shape_cast %broadcast_in_dim3A_704 : vector<16x1xi32> to vector<16xi32>
        %gather3A_706 = tpu.dynamic_gather %add3A_696[%gather3A_705] in [0] : vector<16xf32>, vector<16xi32> -> vector<16xf32>
        %add3A_707 = arith.addf %add3A_696, %gather3A_706 : vector<16xf32>
        %lt3A_708 = arith.constant 0 : i32
        %lt3A_709 = vector.broadcast %lt3A_708 : i32 to vector<16xi32>
        %lt3A_710 = arith.cmpi slt, %xor3A_105, %lt3A_709 : vector<16xi32>
        %add3A_711 = arith.constant 16 : i32
        %add3A_712 = vector.broadcast %add3A_711 : i32 to vector<16xi32>
        %add3A_713 = arith.addi %xor3A_105, %add3A_712 : vector<16xi32>
        %select_n3A_714 = arith.select %lt3A_710, %add3A_713, %xor3A_105 : vector<16xi1>, vector<16xi32>
        %broadcast_in_dim3A_715 = vector.shape_cast %select_n3A_714 : vector<16xi32> to vector<16x1xi32>
        %gather3A_716 = vector.shape_cast %broadcast_in_dim3A_715 : vector<16x1xi32> to vector<16xi32>
        %gather3A_717 = tpu.dynamic_gather %add3A_707[%gather3A_716] in [0] : vector<16xf32>, vector<16xi32> -> vector<16xf32>
        %add3A_718 = arith.addf %add3A_707, %gather3A_717 : vector<16xf32>
        %lt3A_719 = arith.constant 0 : i32
        %lt3A_720 = vector.broadcast %lt3A_719 : i32 to vector<16xi32>
        %lt3A_721 = arith.cmpi slt, %xor3A_108, %lt3A_720 : vector<16xi32>
        %add3A_722 = arith.constant 16 : i32
        %add3A_723 = vector.broadcast %add3A_722 : i32 to vector<16xi32>
        %add3A_724 = arith.addi %xor3A_108, %add3A_723 : vector<16xi32>
        %select_n3A_725 = arith.select %lt3A_721, %add3A_724, %xor3A_108 : vector<16xi1>, vector<16xi32>
        %broadcast_in_dim3A_726 = vector.shape_cast %select_n3A_725 : vector<16xi32> to vector<16x1xi32>
        %gather3A_727 = vector.shape_cast %broadcast_in_dim3A_726 : vector<16x1xi32> to vector<16xi32>
        %gather3A_728 = tpu.dynamic_gather %add3A_718[%gather3A_727] in [0] : vector<16xf32>, vector<16xi32> -> vector<16xf32>
        %add3A_729 = arith.addf %add3A_718, %gather3A_728 : vector<16xf32>
        %eq3A_730 = arith.constant 7 : i32
        %eq3A_731 = vector.broadcast %eq3A_730 : i32 to vector<16xi32>
        %eq3A_732 = arith.cmpi eq, %iota3A, %eq3A_731 : vector<16xi32>
        %select_n3A_733 = arith.select %eq3A_732, %add3A_729, %select_n3A_658 : vector<16xi1>, vector<16xf32>
        %mul3A_734 = arith.constant 40 : i32
        %mul3A_735 = arith.muli %scan3A_117, %mul3A_734 : i32
        %add3A_736 = arith.constant 8 : i32
        %add3A_737 = arith.addi %mul3A_735, %add3A_736 : i32
        %get3A_738 = arith.index_cast %add3A_737 : i32 to index
        %get3A_739 = arith.constant 0 : index
        %get3A_740 = tpu.vector_load %arg10[%get3A_738, %get3A_739] {strides = array<i32>} : memref<640x64xf32, #tpu.memory_space<vmem>>, vector<1x16xf32>,
        %get3A_741 = vector.shape_cast %get3A_740 : vector<1x16xf32> to vector<16xf32>
        %mul3A_742 = arith.mulf %get3A_741, %get3A_120 : vector<16xf32>
        %get3A_743 = arith.index_cast %add3A_737 : i32 to index
        %get3A_744 = arith.constant 16 : index
        %get3A_745 = tpu.vector_load %arg10[%get3A_743, %get3A_744] {strides = array<i32>} : memref<640x64xf32, #tpu.memory_space<vmem>>, vector<1x16xf32>,
        %get3A_746 = vector.shape_cast %get3A_745 : vector<1x16xf32> to vector<16xf32>
        %mul3A_747 = arith.mulf %get3A_746, %get3A_124 : vector<16xf32>
        %add3A_748 = arith.addf %mul3A_742, %mul3A_747 : vector<16xf32>
        %get3A_749 = arith.index_cast %add3A_737 : i32 to index
        %get3A_750 = arith.constant 32 : index
        %get3A_751 = tpu.vector_load %arg10[%get3A_749, %get3A_750] {strides = array<i32>} : memref<640x64xf32, #tpu.memory_space<vmem>>, vector<1x16xf32>,
        %get3A_752 = vector.shape_cast %get3A_751 : vector<1x16xf32> to vector<16xf32>
        %mul3A_753 = arith.mulf %get3A_752, %get3A_128 : vector<16xf32>
        %add3A_754 = arith.addf %add3A_748, %mul3A_753 : vector<16xf32>
        %get3A_755 = arith.index_cast %add3A_737 : i32 to index
        %get3A_756 = arith.constant 48 : index
        %get3A_757 = tpu.vector_load %arg10[%get3A_755, %get3A_756] {strides = array<i32>} : memref<640x64xf32, #tpu.memory_space<vmem>>, vector<1x16xf32>,
        %get3A_758 = vector.shape_cast %get3A_757 : vector<1x16xf32> to vector<16xf32>
        %mul3A_759 = arith.mulf %get3A_758, %get3A_132 : vector<16xf32>
        %add3A_760 = arith.addf %add3A_754, %mul3A_759 : vector<16xf32>
        %lt3A_761 = arith.constant 0 : i32
        %lt3A_762 = vector.broadcast %lt3A_761 : i32 to vector<16xi32>
        %lt3A_763 = arith.cmpi slt, %xor3A_99, %lt3A_762 : vector<16xi32>
        %add3A_764 = arith.constant 16 : i32
        %add3A_765 = vector.broadcast %add3A_764 : i32 to vector<16xi32>
        %add3A_766 = arith.addi %xor3A_99, %add3A_765 : vector<16xi32>
        %select_n3A_767 = arith.select %lt3A_763, %add3A_766, %xor3A_99 : vector<16xi1>, vector<16xi32>
        %broadcast_in_dim3A_768 = vector.shape_cast %select_n3A_767 : vector<16xi32> to vector<16x1xi32>
        %gather3A_769 = vector.shape_cast %broadcast_in_dim3A_768 : vector<16x1xi32> to vector<16xi32>
        %gather3A_770 = tpu.dynamic_gather %add3A_760[%gather3A_769] in [0] : vector<16xf32>, vector<16xi32> -> vector<16xf32>
        %add3A_771 = arith.addf %add3A_760, %gather3A_770 : vector<16xf32>
        %lt3A_772 = arith.constant 0 : i32
        %lt3A_773 = vector.broadcast %lt3A_772 : i32 to vector<16xi32>
        %lt3A_774 = arith.cmpi slt, %xor3A_102, %lt3A_773 : vector<16xi32>
        %add3A_775 = arith.constant 16 : i32
        %add3A_776 = vector.broadcast %add3A_775 : i32 to vector<16xi32>
        %add3A_777 = arith.addi %xor3A_102, %add3A_776 : vector<16xi32>
        %select_n3A_778 = arith.select %lt3A_774, %add3A_777, %xor3A_102 : vector<16xi1>, vector<16xi32>
        %broadcast_in_dim3A_779 = vector.shape_cast %select_n3A_778 : vector<16xi32> to vector<16x1xi32>
        %gather3A_780 = vector.shape_cast %broadcast_in_dim3A_779 : vector<16x1xi32> to vector<16xi32>
        %gather3A_781 = tpu.dynamic_gather %add3A_771[%gather3A_780] in [0] : vector<16xf32>, vector<16xi32> -> vector<16xf32>
        %add3A_782 = arith.addf %add3A_771, %gather3A_781 : vector<16xf32>
        %lt3A_783 = arith.constant 0 : i32
        %lt3A_784 = vector.broadcast %lt3A_783 : i32 to vector<16xi32>
        %lt3A_785 = arith.cmpi slt, %xor3A_105, %lt3A_784 : vector<16xi32>
        %add3A_786 = arith.constant 16 : i32
        %add3A_787 = vector.broadcast %add3A_786 : i32 to vector<16xi32>
        %add3A_788 = arith.addi %xor3A_105, %add3A_787 : vector<16xi32>
        %select_n3A_789 = arith.select %lt3A_785, %add3A_788, %xor3A_105 : vector<16xi1>, vector<16xi32>
        %broadcast_in_dim3A_790 = vector.shape_cast %select_n3A_789 : vector<16xi32> to vector<16x1xi32>
        %gather3A_791 = vector.shape_cast %broadcast_in_dim3A_790 : vector<16x1xi32> to vector<16xi32>
        %gather3A_792 = tpu.dynamic_gather %add3A_782[%gather3A_791] in [0] : vector<16xf32>, vector<16xi32> -> vector<16xf32>
        %add3A_793 = arith.addf %add3A_782, %gather3A_792 : vector<16xf32>
        %lt3A_794 = arith.constant 0 : i32
        %lt3A_795 = vector.broadcast %lt3A_794 : i32 to vector<16xi32>
        %lt3A_796 = arith.cmpi slt, %xor3A_108, %lt3A_795 : vector<16xi32>
        %add3A_797 = arith.constant 16 : i32
        %add3A_798 = vector.broadcast %add3A_797 : i32 to vector<16xi32>
        %add3A_799 = arith.addi %xor3A_108, %add3A_798 : vector<16xi32>
        %select_n3A_800 = arith.select %lt3A_796, %add3A_799, %xor3A_108 : vector<16xi1>, vector<16xi32>
        %broadcast_in_dim3A_801 = vector.shape_cast %select_n3A_800 : vector<16xi32> to vector<16x1xi32>
        %gather3A_802 = vector.shape_cast %broadcast_in_dim3A_801 : vector<16x1xi32> to vector<16xi32>
        %gather3A_803 = tpu.dynamic_gather %add3A_793[%gather3A_802] in [0] : vector<16xf32>, vector<16xi32> -> vector<16xf32>
        %add3A_804 = arith.addf %add3A_793, %gather3A_803 : vector<16xf32>
        %eq3A_805 = arith.constant 8 : i32
        %eq3A_806 = vector.broadcast %eq3A_805 : i32 to vector<16xi32>
        %eq3A_807 = arith.cmpi eq, %iota3A, %eq3A_806 : vector<16xi32>
        %select_n3A_808 = arith.select %eq3A_807, %add3A_804, %select_n3A_733 : vector<16xi1>, vector<16xf32>
        %mul3A_809 = arith.constant 40 : i32
        %mul3A_810 = arith.muli %scan3A_117, %mul3A_809 : i32
        %add3A_811 = arith.constant 9 : i32
        %add3A_812 = arith.addi %mul3A_810, %add3A_811 : i32
        %get3A_813 = arith.index_cast %add3A_812 : i32 to index
        %get3A_814 = arith.constant 0 : index
        %get3A_815 = tpu.vector_load %arg10[%get3A_813, %get3A_814] {strides = array<i32>} : memref<640x64xf32, #tpu.memory_space<vmem>>, vector<1x16xf32>,
        %get3A_816 = vector.shape_cast %get3A_815 : vector<1x16xf32> to vector<16xf32>
        %mul3A_817 = arith.mulf %get3A_816, %get3A_120 : vector<16xf32>
        %get3A_818 = arith.index_cast %add3A_812 : i32 to index
        %get3A_819 = arith.constant 16 : index
        %get3A_820 = tpu.vector_load %arg10[%get3A_818, %get3A_819] {strides = array<i32>} : memref<640x64xf32, #tpu.memory_space<vmem>>, vector<1x16xf32>,
        %get3A_821 = vector.shape_cast %get3A_820 : vector<1x16xf32> to vector<16xf32>
        %mul3A_822 = arith.mulf %get3A_821, %get3A_124 : vector<16xf32>
        %add3A_823 = arith.addf %mul3A_817, %mul3A_822 : vector<16xf32>
        %get3A_824 = arith.index_cast %add3A_812 : i32 to index
        %get3A_825 = arith.constant 32 : index
        %get3A_826 = tpu.vector_load %arg10[%get3A_824, %get3A_825] {strides = array<i32>} : memref<640x64xf32, #tpu.memory_space<vmem>>, vector<1x16xf32>,
        %get3A_827 = vector.shape_cast %get3A_826 : vector<1x16xf32> to vector<16xf32>
        %mul3A_828 = arith.mulf %get3A_827, %get3A_128 : vector<16xf32>
        %add3A_829 = arith.addf %add3A_823, %mul3A_828 : vector<16xf32>
        %get3A_830 = arith.index_cast %add3A_812 : i32 to index
        %get3A_831 = arith.constant 48 : index
        %get3A_832 = tpu.vector_load %arg10[%get3A_830, %get3A_831] {strides = array<i32>} : memref<640x64xf32, #tpu.memory_space<vmem>>, vector<1x16xf32>,
        %get3A_833 = vector.shape_cast %get3A_832 : vector<1x16xf32> to vector<16xf32>
        %mul3A_834 = arith.mulf %get3A_833, %get3A_132 : vector<16xf32>
        %add3A_835 = arith.addf %add3A_829, %mul3A_834 : vector<16xf32>
        %lt3A_836 = arith.constant 0 : i32
        %lt3A_837 = vector.broadcast %lt3A_836 : i32 to vector<16xi32>
        %lt3A_838 = arith.cmpi slt, %xor3A_99, %lt3A_837 : vector<16xi32>
        %add3A_839 = arith.constant 16 : i32
        %add3A_840 = vector.broadcast %add3A_839 : i32 to vector<16xi32>
        %add3A_841 = arith.addi %xor3A_99, %add3A_840 : vector<16xi32>
        %select_n3A_842 = arith.select %lt3A_838, %add3A_841, %xor3A_99 : vector<16xi1>, vector<16xi32>
        %broadcast_in_dim3A_843 = vector.shape_cast %select_n3A_842 : vector<16xi32> to vector<16x1xi32>
        %gather3A_844 = vector.shape_cast %broadcast_in_dim3A_843 : vector<16x1xi32> to vector<16xi32>
        %gather3A_845 = tpu.dynamic_gather %add3A_835[%gather3A_844] in [0] : vector<16xf32>, vector<16xi32> -> vector<16xf32>
        %add3A_846 = arith.addf %add3A_835, %gather3A_845 : vector<16xf32>
        %lt3A_847 = arith.constant 0 : i32
        %lt3A_848 = vector.broadcast %lt3A_847 : i32 to vector<16xi32>
        %lt3A_849 = arith.cmpi slt, %xor3A_102, %lt3A_848 : vector<16xi32>
        %add3A_850 = arith.constant 16 : i32
        %add3A_851 = vector.broadcast %add3A_850 : i32 to vector<16xi32>
        %add3A_852 = arith.addi %xor3A_102, %add3A_851 : vector<16xi32>
        %select_n3A_853 = arith.select %lt3A_849, %add3A_852, %xor3A_102 : vector<16xi1>, vector<16xi32>
        %broadcast_in_dim3A_854 = vector.shape_cast %select_n3A_853 : vector<16xi32> to vector<16x1xi32>
        %gather3A_855 = vector.shape_cast %broadcast_in_dim3A_854 : vector<16x1xi32> to vector<16xi32>
        %gather3A_856 = tpu.dynamic_gather %add3A_846[%gather3A_855] in [0] : vector<16xf32>, vector<16xi32> -> vector<16xf32>
        %add3A_857 = arith.addf %add3A_846, %gather3A_856 : vector<16xf32>
        %lt3A_858 = arith.constant 0 : i32
        %lt3A_859 = vector.broadcast %lt3A_858 : i32 to vector<16xi32>
        %lt3A_860 = arith.cmpi slt, %xor3A_105, %lt3A_859 : vector<16xi32>
        %add3A_861 = arith.constant 16 : i32
        %add3A_862 = vector.broadcast %add3A_861 : i32 to vector<16xi32>
        %add3A_863 = arith.addi %xor3A_105, %add3A_862 : vector<16xi32>
        %select_n3A_864 = arith.select %lt3A_860, %add3A_863, %xor3A_105 : vector<16xi1>, vector<16xi32>
        %broadcast_in_dim3A_865 = vector.shape_cast %select_n3A_864 : vector<16xi32> to vector<16x1xi32>
        %gather3A_866 = vector.shape_cast %broadcast_in_dim3A_865 : vector<16x1xi32> to vector<16xi32>
        %gather3A_867 = tpu.dynamic_gather %add3A_857[%gather3A_866] in [0] : vector<16xf32>, vector<16xi32> -> vector<16xf32>
        %add3A_868 = arith.addf %add3A_857, %gather3A_867 : vector<16xf32>
        %lt3A_869 = arith.constant 0 : i32
        %lt3A_870 = vector.broadcast %lt3A_869 : i32 to vector<16xi32>
        %lt3A_871 = arith.cmpi slt, %xor3A_108, %lt3A_870 : vector<16xi32>
        %add3A_872 = arith.constant 16 : i32
        %add3A_873 = vector.broadcast %add3A_872 : i32 to vector<16xi32>
        %add3A_874 = arith.addi %xor3A_108, %add3A_873 : vector<16xi32>
        %select_n3A_875 = arith.select %lt3A_871, %add3A_874, %xor3A_108 : vector<16xi1>, vector<16xi32>
        %broadcast_in_dim3A_876 = vector.shape_cast %select_n3A_875 : vector<16xi32> to vector<16x1xi32>
        %gather3A_877 = vector.shape_cast %broadcast_in_dim3A_876 : vector<16x1xi32> to vector<16xi32>
        %gather3A_878 = tpu.dynamic_gather %add3A_868[%gather3A_877] in [0] : vector<16xf32>, vector<16xi32> -> vector<16xf32>
        %add3A_879 = arith.addf %add3A_868, %gather3A_878 : vector<16xf32>
        %eq3A_880 = arith.constant 9 : i32
        %eq3A_881 = vector.broadcast %eq3A_880 : i32 to vector<16xi32>
        %eq3A_882 = arith.cmpi eq, %iota3A, %eq3A_881 : vector<16xi32>
        %select_n3A_883 = arith.select %eq3A_882, %add3A_879, %select_n3A_808 : vector<16xi1>, vector<16xf32>
        %mul3A_884 = arith.constant 40 : i32
        %mul3A_885 = arith.muli %scan3A_117, %mul3A_884 : i32
        %add3A_886 = arith.constant 10 : i32
        %add3A_887 = arith.addi %mul3A_885, %add3A_886 : i32
        %get3A_888 = arith.index_cast %add3A_887 : i32 to index
        %get3A_889 = arith.constant 0 : index
        %get3A_890 = tpu.vector_load %arg10[%get3A_888, %get3A_889] {strides = array<i32>} : memref<640x64xf32, #tpu.memory_space<vmem>>, vector<1x16xf32>,
        %get3A_891 = vector.shape_cast %get3A_890 : vector<1x16xf32> to vector<16xf32>
        %mul3A_892 = arith.mulf %get3A_891, %get3A_120 : vector<16xf32>
        %get3A_893 = arith.index_cast %add3A_887 : i32 to index
        %get3A_894 = arith.constant 16 : index
        %get3A_895 = tpu.vector_load %arg10[%get3A_893, %get3A_894] {strides = array<i32>} : memref<640x64xf32, #tpu.memory_space<vmem>>, vector<1x16xf32>,
        %get3A_896 = vector.shape_cast %get3A_895 : vector<1x16xf32> to vector<16xf32>
        %mul3A_897 = arith.mulf %get3A_896, %get3A_124 : vector<16xf32>
        %add3A_898 = arith.addf %mul3A_892, %mul3A_897 : vector<16xf32>
        %get3A_899 = arith.index_cast %add3A_887 : i32 to index
        %get3A_900 = arith.constant 32 : index
        %get3A_901 = tpu.vector_load %arg10[%get3A_899, %get3A_900] {strides = array<i32>} : memref<640x64xf32, #tpu.memory_space<vmem>>, vector<1x16xf32>,
        %get3A_902 = vector.shape_cast %get3A_901 : vector<1x16xf32> to vector<16xf32>
        %mul3A_903 = arith.mulf %get3A_902, %get3A_128 : vector<16xf32>
        %add3A_904 = arith.addf %add3A_898, %mul3A_903 : vector<16xf32>
        %get3A_905 = arith.index_cast %add3A_887 : i32 to index
        %get3A_906 = arith.constant 48 : index
        %get3A_907 = tpu.vector_load %arg10[%get3A_905, %get3A_906] {strides = array<i32>} : memref<640x64xf32, #tpu.memory_space<vmem>>, vector<1x16xf32>,
        %get3A_908 = vector.shape_cast %get3A_907 : vector<1x16xf32> to vector<16xf32>
        %mul3A_909 = arith.mulf %get3A_908, %get3A_132 : vector<16xf32>
        %add3A_910 = arith.addf %add3A_904, %mul3A_909 : vector<16xf32>
        %lt3A_911 = arith.constant 0 : i32
        %lt3A_912 = vector.broadcast %lt3A_911 : i32 to vector<16xi32>
        %lt3A_913 = arith.cmpi slt, %xor3A_99, %lt3A_912 : vector<16xi32>
        %add3A_914 = arith.constant 16 : i32
        %add3A_915 = vector.broadcast %add3A_914 : i32 to vector<16xi32>
        %add3A_916 = arith.addi %xor3A_99, %add3A_915 : vector<16xi32>
        %select_n3A_917 = arith.select %lt3A_913, %add3A_916, %xor3A_99 : vector<16xi1>, vector<16xi32>
        %broadcast_in_dim3A_918 = vector.shape_cast %select_n3A_917 : vector<16xi32> to vector<16x1xi32>
        %gather3A_919 = vector.shape_cast %broadcast_in_dim3A_918 : vector<16x1xi32> to vector<16xi32>
        %gather3A_920 = tpu.dynamic_gather %add3A_910[%gather3A_919] in [0] : vector<16xf32>, vector<16xi32> -> vector<16xf32>
        %add3A_921 = arith.addf %add3A_910, %gather3A_920 : vector<16xf32>
        %lt3A_922 = arith.constant 0 : i32
        %lt3A_923 = vector.broadcast %lt3A_922 : i32 to vector<16xi32>
        %lt3A_924 = arith.cmpi slt, %xor3A_102, %lt3A_923 : vector<16xi32>
        %add3A_925 = arith.constant 16 : i32
        %add3A_926 = vector.broadcast %add3A_925 : i32 to vector<16xi32>
        %add3A_927 = arith.addi %xor3A_102, %add3A_926 : vector<16xi32>
        %select_n3A_928 = arith.select %lt3A_924, %add3A_927, %xor3A_102 : vector<16xi1>, vector<16xi32>
        %broadcast_in_dim3A_929 = vector.shape_cast %select_n3A_928 : vector<16xi32> to vector<16x1xi32>
        %gather3A_930 = vector.shape_cast %broadcast_in_dim3A_929 : vector<16x1xi32> to vector<16xi32>
        %gather3A_931 = tpu.dynamic_gather %add3A_921[%gather3A_930] in [0] : vector<16xf32>, vector<16xi32> -> vector<16xf32>
        %add3A_932 = arith.addf %add3A_921, %gather3A_931 : vector<16xf32>
        %lt3A_933 = arith.constant 0 : i32
        %lt3A_934 = vector.broadcast %lt3A_933 : i32 to vector<16xi32>
        %lt3A_935 = arith.cmpi slt, %xor3A_105, %lt3A_934 : vector<16xi32>
        %add3A_936 = arith.constant 16 : i32
        %add3A_937 = vector.broadcast %add3A_936 : i32 to vector<16xi32>
        %add3A_938 = arith.addi %xor3A_105, %add3A_937 : vector<16xi32>
        %select_n3A_939 = arith.select %lt3A_935, %add3A_938, %xor3A_105 : vector<16xi1>, vector<16xi32>
        %broadcast_in_dim3A_940 = vector.shape_cast %select_n3A_939 : vector<16xi32> to vector<16x1xi32>
        %gather3A_941 = vector.shape_cast %broadcast_in_dim3A_940 : vector<16x1xi32> to vector<16xi32>
        %gather3A_942 = tpu.dynamic_gather %add3A_932[%gather3A_941] in [0] : vector<16xf32>, vector<16xi32> -> vector<16xf32>
        %add3A_943 = arith.addf %add3A_932, %gather3A_942 : vector<16xf32>
        %lt3A_944 = arith.constant 0 : i32
        %lt3A_945 = vector.broadcast %lt3A_944 : i32 to vector<16xi32>
        %lt3A_946 = arith.cmpi slt, %xor3A_108, %lt3A_945 : vector<16xi32>
        %add3A_947 = arith.constant 16 : i32
        %add3A_948 = vector.broadcast %add3A_947 : i32 to vector<16xi32>
        %add3A_949 = arith.addi %xor3A_108, %add3A_948 : vector<16xi32>
        %select_n3A_950 = arith.select %lt3A_946, %add3A_949, %xor3A_108 : vector<16xi1>, vector<16xi32>
        %broadcast_in_dim3A_951 = vector.shape_cast %select_n3A_950 : vector<16xi32> to vector<16x1xi32>
        %gather3A_952 = vector.shape_cast %broadcast_in_dim3A_951 : vector<16x1xi32> to vector<16xi32>
        %gather3A_953 = tpu.dynamic_gather %add3A_943[%gather3A_952] in [0] : vector<16xf32>, vector<16xi32> -> vector<16xf32>
        %add3A_954 = arith.addf %add3A_943, %gather3A_953 : vector<16xf32>
        %eq3A_955 = arith.constant 10 : i32
        %eq3A_956 = vector.broadcast %eq3A_955 : i32 to vector<16xi32>
        %eq3A_957 = arith.cmpi eq, %iota3A, %eq3A_956 : vector<16xi32>
        %select_n3A_958 = arith.select %eq3A_957, %add3A_954, %select_n3A_883 : vector<16xi1>, vector<16xf32>
        %mul3A_959 = arith.constant 40 : i32
        %mul3A_960 = arith.muli %scan3A_117, %mul3A_959 : i32
        %add3A_961 = arith.constant 11 : i32
        %add3A_962 = arith.addi %mul3A_960, %add3A_961 : i32
        %get3A_963 = arith.index_cast %add3A_962 : i32 to index
        %get3A_964 = arith.constant 0 : index
        %get3A_965 = tpu.vector_load %arg10[%get3A_963, %get3A_964] {strides = array<i32>} : memref<640x64xf32, #tpu.memory_space<vmem>>, vector<1x16xf32>,
        %get3A_966 = vector.shape_cast %get3A_965 : vector<1x16xf32> to vector<16xf32>
        %mul3A_967 = arith.mulf %get3A_966, %get3A_120 : vector<16xf32>
        %get3A_968 = arith.index_cast %add3A_962 : i32 to index
        %get3A_969 = arith.constant 16 : index
        %get3A_970 = tpu.vector_load %arg10[%get3A_968, %get3A_969] {strides = array<i32>} : memref<640x64xf32, #tpu.memory_space<vmem>>, vector<1x16xf32>,
        %get3A_971 = vector.shape_cast %get3A_970 : vector<1x16xf32> to vector<16xf32>
        %mul3A_972 = arith.mulf %get3A_971, %get3A_124 : vector<16xf32>
        %add3A_973 = arith.addf %mul3A_967, %mul3A_972 : vector<16xf32>
        %get3A_974 = arith.index_cast %add3A_962 : i32 to index
        %get3A_975 = arith.constant 32 : index
        %get3A_976 = tpu.vector_load %arg10[%get3A_974, %get3A_975] {strides = array<i32>} : memref<640x64xf32, #tpu.memory_space<vmem>>, vector<1x16xf32>,
        %get3A_977 = vector.shape_cast %get3A_976 : vector<1x16xf32> to vector<16xf32>
        %mul3A_978 = arith.mulf %get3A_977, %get3A_128 : vector<16xf32>
        %add3A_979 = arith.addf %add3A_973, %mul3A_978 : vector<16xf32>
        %get3A_980 = arith.index_cast %add3A_962 : i32 to index
        %get3A_981 = arith.constant 48 : index
        %get3A_982 = tpu.vector_load %arg10[%get3A_980, %get3A_981] {strides = array<i32>} : memref<640x64xf32, #tpu.memory_space<vmem>>, vector<1x16xf32>,
        %get3A_983 = vector.shape_cast %get3A_982 : vector<1x16xf32> to vector<16xf32>
        %mul3A_984 = arith.mulf %get3A_983, %get3A_132 : vector<16xf32>
        %add3A_985 = arith.addf %add3A_979, %mul3A_984 : vector<16xf32>
        %lt3A_986 = arith.constant 0 : i32
        %lt3A_987 = vector.broadcast %lt3A_986 : i32 to vector<16xi32>
        %lt3A_988 = arith.cmpi slt, %xor3A_99, %lt3A_987 : vector<16xi32>
        %add3A_989 = arith.constant 16 : i32
        %add3A_990 = vector.broadcast %add3A_989 : i32 to vector<16xi32>
        %add3A_991 = arith.addi %xor3A_99, %add3A_990 : vector<16xi32>
        %select_n3A_992 = arith.select %lt3A_988, %add3A_991, %xor3A_99 : vector<16xi1>, vector<16xi32>
        %broadcast_in_dim3A_993 = vector.shape_cast %select_n3A_992 : vector<16xi32> to vector<16x1xi32>
        %gather3A_994 = vector.shape_cast %broadcast_in_dim3A_993 : vector<16x1xi32> to vector<16xi32>
        %gather3A_995 = tpu.dynamic_gather %add3A_985[%gather3A_994] in [0] : vector<16xf32>, vector<16xi32> -> vector<16xf32>
        %add3A_996 = arith.addf %add3A_985, %gather3A_995 : vector<16xf32>
        %lt3A_997 = arith.constant 0 : i32
        %lt3A_998 = vector.broadcast %lt3A_997 : i32 to vector<16xi32>
        %lt3A_999 = arith.cmpi slt, %xor3A_102, %lt3A_998 : vector<16xi32>
        %add3A_1000 = arith.constant 16 : i32
        %add3A_1001 = vector.broadcast %add3A_1000 : i32 to vector<16xi32>
        %add3A_1002 = arith.addi %xor3A_102, %add3A_1001 : vector<16xi32>
        %select_n3A_1003 = arith.select %lt3A_999, %add3A_1002, %xor3A_102 : vector<16xi1>, vector<16xi32>
        %broadcast_in_dim3A_1004 = vector.shape_cast %select_n3A_1003 : vector<16xi32> to vector<16x1xi32>
        %gather3A_1005 = vector.shape_cast %broadcast_in_dim3A_1004 : vector<16x1xi32> to vector<16xi32>
        %gather3A_1006 = tpu.dynamic_gather %add3A_996[%gather3A_1005] in [0] : vector<16xf32>, vector<16xi32> -> vector<16xf32>
        %add3A_1007 = arith.addf %add3A_996, %gather3A_1006 : vector<16xf32>
        %lt3A_1008 = arith.constant 0 : i32
        %lt3A_1009 = vector.broadcast %lt3A_1008 : i32 to vector<16xi32>
        %lt3A_1010 = arith.cmpi slt, %xor3A_105, %lt3A_1009 : vector<16xi32>
        %add3A_1011 = arith.constant 16 : i32
        %add3A_1012 = vector.broadcast %add3A_1011 : i32 to vector<16xi32>
        %add3A_1013 = arith.addi %xor3A_105, %add3A_1012 : vector<16xi32>
        %select_n3A_1014 = arith.select %lt3A_1010, %add3A_1013, %xor3A_105 : vector<16xi1>, vector<16xi32>
        %broadcast_in_dim3A_1015 = vector.shape_cast %select_n3A_1014 : vector<16xi32> to vector<16x1xi32>
        %gather3A_1016 = vector.shape_cast %broadcast_in_dim3A_1015 : vector<16x1xi32> to vector<16xi32>
        %gather3A_1017 = tpu.dynamic_gather %add3A_1007[%gather3A_1016] in [0] : vector<16xf32>, vector<16xi32> -> vector<16xf32>
        %add3A_1018 = arith.addf %add3A_1007, %gather3A_1017 : vector<16xf32>
        %lt3A_1019 = arith.constant 0 : i32
        %lt3A_1020 = vector.broadcast %lt3A_1019 : i32 to vector<16xi32>
        %lt3A_1021 = arith.cmpi slt, %xor3A_108, %lt3A_1020 : vector<16xi32>
        %add3A_1022 = arith.constant 16 : i32
        %add3A_1023 = vector.broadcast %add3A_1022 : i32 to vector<16xi32>
        %add3A_1024 = arith.addi %xor3A_108, %add3A_1023 : vector<16xi32>
        %select_n3A_1025 = arith.select %lt3A_1021, %add3A_1024, %xor3A_108 : vector<16xi1>, vector<16xi32>
        %broadcast_in_dim3A_1026 = vector.shape_cast %select_n3A_1025 : vector<16xi32> to vector<16x1xi32>
        %gather3A_1027 = vector.shape_cast %broadcast_in_dim3A_1026 : vector<16x1xi32> to vector<16xi32>
        %gather3A_1028 = tpu.dynamic_gather %add3A_1018[%gather3A_1027] in [0] : vector<16xf32>, vector<16xi32> -> vector<16xf32>
        %add3A_1029 = arith.addf %add3A_1018, %gather3A_1028 : vector<16xf32>
        %eq3A_1030 = arith.constant 11 : i32
        %eq3A_1031 = vector.broadcast %eq3A_1030 : i32 to vector<16xi32>
        %eq3A_1032 = arith.cmpi eq, %iota3A, %eq3A_1031 : vector<16xi32>
        %select_n3A_1033 = arith.select %eq3A_1032, %add3A_1029, %select_n3A_958 : vector<16xi1>, vector<16xf32>
        %mul3A_1034 = arith.constant 40 : i32
        %mul3A_1035 = arith.muli %scan3A_117, %mul3A_1034 : i32
        %add3A_1036 = arith.constant 12 : i32
        %add3A_1037 = arith.addi %mul3A_1035, %add3A_1036 : i32
        %get3A_1038 = arith.index_cast %add3A_1037 : i32 to index
        %get3A_1039 = arith.constant 0 : index
        %get3A_1040 = tpu.vector_load %arg10[%get3A_1038, %get3A_1039] {strides = array<i32>} : memref<640x64xf32, #tpu.memory_space<vmem>>, vector<1x16xf32>,
        %get3A_1041 = vector.shape_cast %get3A_1040 : vector<1x16xf32> to vector<16xf32>
        %mul3A_1042 = arith.mulf %get3A_1041, %get3A_120 : vector<16xf32>
        %get3A_1043 = arith.index_cast %add3A_1037 : i32 to index
        %get3A_1044 = arith.constant 16 : index
        %get3A_1045 = tpu.vector_load %arg10[%get3A_1043, %get3A_1044] {strides = array<i32>} : memref<640x64xf32, #tpu.memory_space<vmem>>, vector<1x16xf32>,
        %get3A_1046 = vector.shape_cast %get3A_1045 : vector<1x16xf32> to vector<16xf32>
        %mul3A_1047 = arith.mulf %get3A_1046, %get3A_124 : vector<16xf32>
        %add3A_1048 = arith.addf %mul3A_1042, %mul3A_1047 : vector<16xf32>
        %get3A_1049 = arith.index_cast %add3A_1037 : i32 to index
        %get3A_1050 = arith.constant 32 : index
        %get3A_1051 = tpu.vector_load %arg10[%get3A_1049, %get3A_1050] {strides = array<i32>} : memref<640x64xf32, #tpu.memory_space<vmem>>, vector<1x16xf32>,
        %get3A_1052 = vector.shape_cast %get3A_1051 : vector<1x16xf32> to vector<16xf32>
        %mul3A_1053 = arith.mulf %get3A_1052, %get3A_128 : vector<16xf32>
        %add3A_1054 = arith.addf %add3A_1048, %mul3A_1053 : vector<16xf32>
        %get3A_1055 = arith.index_cast %add3A_1037 : i32 to index
        %get3A_1056 = arith.constant 48 : index
        %get3A_1057 = tpu.vector_load %arg10[%get3A_1055, %get3A_1056] {strides = array<i32>} : memref<640x64xf32, #tpu.memory_space<vmem>>, vector<1x16xf32>,
        %get3A_1058 = vector.shape_cast %get3A_1057 : vector<1x16xf32> to vector<16xf32>
        %mul3A_1059 = arith.mulf %get3A_1058, %get3A_132 : vector<16xf32>
        %add3A_1060 = arith.addf %add3A_1054, %mul3A_1059 : vector<16xf32>
        %lt3A_1061 = arith.constant 0 : i32
        %lt3A_1062 = vector.broadcast %lt3A_1061 : i32 to vector<16xi32>
        %lt3A_1063 = arith.cmpi slt, %xor3A_99, %lt3A_1062 : vector<16xi32>
        %add3A_1064 = arith.constant 16 : i32
        %add3A_1065 = vector.broadcast %add3A_1064 : i32 to vector<16xi32>
        %add3A_1066 = arith.addi %xor3A_99, %add3A_1065 : vector<16xi32>
        %select_n3A_1067 = arith.select %lt3A_1063, %add3A_1066, %xor3A_99 : vector<16xi1>, vector<16xi32>
        %broadcast_in_dim3A_1068 = vector.shape_cast %select_n3A_1067 : vector<16xi32> to vector<16x1xi32>
        %gather3A_1069 = vector.shape_cast %broadcast_in_dim3A_1068 : vector<16x1xi32> to vector<16xi32>
        %gather3A_1070 = tpu.dynamic_gather %add3A_1060[%gather3A_1069] in [0] : vector<16xf32>, vector<16xi32> -> vector<16xf32>
        %add3A_1071 = arith.addf %add3A_1060, %gather3A_1070 : vector<16xf32>
        %lt3A_1072 = arith.constant 0 : i32
        %lt3A_1073 = vector.broadcast %lt3A_1072 : i32 to vector<16xi32>
        %lt3A_1074 = arith.cmpi slt, %xor3A_102, %lt3A_1073 : vector<16xi32>
        %add3A_1075 = arith.constant 16 : i32
        %add3A_1076 = vector.broadcast %add3A_1075 : i32 to vector<16xi32>
        %add3A_1077 = arith.addi %xor3A_102, %add3A_1076 : vector<16xi32>
        %select_n3A_1078 = arith.select %lt3A_1074, %add3A_1077, %xor3A_102 : vector<16xi1>, vector<16xi32>
        %broadcast_in_dim3A_1079 = vector.shape_cast %select_n3A_1078 : vector<16xi32> to vector<16x1xi32>
        %gather3A_1080 = vector.shape_cast %broadcast_in_dim3A_1079 : vector<16x1xi32> to vector<16xi32>
        %gather3A_1081 = tpu.dynamic_gather %add3A_1071[%gather3A_1080] in [0] : vector<16xf32>, vector<16xi32> -> vector<16xf32>
        %add3A_1082 = arith.addf %add3A_1071, %gather3A_1081 : vector<16xf32>
        %lt3A_1083 = arith.constant 0 : i32
        %lt3A_1084 = vector.broadcast %lt3A_1083 : i32 to vector<16xi32>
        %lt3A_1085 = arith.cmpi slt, %xor3A_105, %lt3A_1084 : vector<16xi32>
        %add3A_1086 = arith.constant 16 : i32
        %add3A_1087 = vector.broadcast %add3A_1086 : i32 to vector<16xi32>
        %add3A_1088 = arith.addi %xor3A_105, %add3A_1087 : vector<16xi32>
        %select_n3A_1089 = arith.select %lt3A_1085, %add3A_1088, %xor3A_105 : vector<16xi1>, vector<16xi32>
        %broadcast_in_dim3A_1090 = vector.shape_cast %select_n3A_1089 : vector<16xi32> to vector<16x1xi32>
        %gather3A_1091 = vector.shape_cast %broadcast_in_dim3A_1090 : vector<16x1xi32> to vector<16xi32>
        %gather3A_1092 = tpu.dynamic_gather %add3A_1082[%gather3A_1091] in [0] : vector<16xf32>, vector<16xi32> -> vector<16xf32>
        %add3A_1093 = arith.addf %add3A_1082, %gather3A_1092 : vector<16xf32>
        %lt3A_1094 = arith.constant 0 : i32
        %lt3A_1095 = vector.broadcast %lt3A_1094 : i32 to vector<16xi32>
        %lt3A_1096 = arith.cmpi slt, %xor3A_108, %lt3A_1095 : vector<16xi32>
        %add3A_1097 = arith.constant 16 : i32
        %add3A_1098 = vector.broadcast %add3A_1097 : i32 to vector<16xi32>
        %add3A_1099 = arith.addi %xor3A_108, %add3A_1098 : vector<16xi32>
        %select_n3A_1100 = arith.select %lt3A_1096, %add3A_1099, %xor3A_108 : vector<16xi1>, vector<16xi32>
        %broadcast_in_dim3A_1101 = vector.shape_cast %select_n3A_1100 : vector<16xi32> to vector<16x1xi32>
        %gather3A_1102 = vector.shape_cast %broadcast_in_dim3A_1101 : vector<16x1xi32> to vector<16xi32>
        %gather3A_1103 = tpu.dynamic_gather %add3A_1093[%gather3A_1102] in [0] : vector<16xf32>, vector<16xi32> -> vector<16xf32>
        %add3A_1104 = arith.addf %add3A_1093, %gather3A_1103 : vector<16xf32>
        %eq3A_1105 = arith.constant 12 : i32
        %eq3A_1106 = vector.broadcast %eq3A_1105 : i32 to vector<16xi32>
        %eq3A_1107 = arith.cmpi eq, %iota3A, %eq3A_1106 : vector<16xi32>
        %select_n3A_1108 = arith.select %eq3A_1107, %add3A_1104, %select_n3A_1033 : vector<16xi1>, vector<16xf32>
        %mul3A_1109 = arith.constant 40 : i32
        %mul3A_1110 = arith.muli %scan3A_117, %mul3A_1109 : i32
        %add3A_1111 = arith.constant 13 : i32
        %add3A_1112 = arith.addi %mul3A_1110, %add3A_1111 : i32
        %get3A_1113 = arith.index_cast %add3A_1112 : i32 to index
        %get3A_1114 = arith.constant 0 : index
        %get3A_1115 = tpu.vector_load %arg10[%get3A_1113, %get3A_1114] {strides = array<i32>} : memref<640x64xf32, #tpu.memory_space<vmem>>, vector<1x16xf32>,
        %get3A_1116 = vector.shape_cast %get3A_1115 : vector<1x16xf32> to vector<16xf32>
        %mul3A_1117 = arith.mulf %get3A_1116, %get3A_120 : vector<16xf32>
        %get3A_1118 = arith.index_cast %add3A_1112 : i32 to index
        %get3A_1119 = arith.constant 16 : index
        %get3A_1120 = tpu.vector_load %arg10[%get3A_1118, %get3A_1119] {strides = array<i32>} : memref<640x64xf32, #tpu.memory_space<vmem>>, vector<1x16xf32>,
        %get3A_1121 = vector.shape_cast %get3A_1120 : vector<1x16xf32> to vector<16xf32>
        %mul3A_1122 = arith.mulf %get3A_1121, %get3A_124 : vector<16xf32>
        %add3A_1123 = arith.addf %mul3A_1117, %mul3A_1122 : vector<16xf32>
        %get3A_1124 = arith.index_cast %add3A_1112 : i32 to index
        %get3A_1125 = arith.constant 32 : index
        %get3A_1126 = tpu.vector_load %arg10[%get3A_1124, %get3A_1125] {strides = array<i32>} : memref<640x64xf32, #tpu.memory_space<vmem>>, vector<1x16xf32>,
        %get3A_1127 = vector.shape_cast %get3A_1126 : vector<1x16xf32> to vector<16xf32>
        %mul3A_1128 = arith.mulf %get3A_1127, %get3A_128 : vector<16xf32>
        %add3A_1129 = arith.addf %add3A_1123, %mul3A_1128 : vector<16xf32>
        %get3A_1130 = arith.index_cast %add3A_1112 : i32 to index
        %get3A_1131 = arith.constant 48 : index
        %get3A_1132 = tpu.vector_load %arg10[%get3A_1130, %get3A_1131] {strides = array<i32>} : memref<640x64xf32, #tpu.memory_space<vmem>>, vector<1x16xf32>,
        %get3A_1133 = vector.shape_cast %get3A_1132 : vector<1x16xf32> to vector<16xf32>
        %mul3A_1134 = arith.mulf %get3A_1133, %get3A_132 : vector<16xf32>
        %add3A_1135 = arith.addf %add3A_1129, %mul3A_1134 : vector<16xf32>
        %lt3A_1136 = arith.constant 0 : i32
        %lt3A_1137 = vector.broadcast %lt3A_1136 : i32 to vector<16xi32>
        %lt3A_1138 = arith.cmpi slt, %xor3A_99, %lt3A_1137 : vector<16xi32>
        %add3A_1139 = arith.constant 16 : i32
        %add3A_1140 = vector.broadcast %add3A_1139 : i32 to vector<16xi32>
        %add3A_1141 = arith.addi %xor3A_99, %add3A_1140 : vector<16xi32>
        %select_n3A_1142 = arith.select %lt3A_1138, %add3A_1141, %xor3A_99 : vector<16xi1>, vector<16xi32>
        %broadcast_in_dim3A_1143 = vector.shape_cast %select_n3A_1142 : vector<16xi32> to vector<16x1xi32>
        %gather3A_1144 = vector.shape_cast %broadcast_in_dim3A_1143 : vector<16x1xi32> to vector<16xi32>
        %gather3A_1145 = tpu.dynamic_gather %add3A_1135[%gather3A_1144] in [0] : vector<16xf32>, vector<16xi32> -> vector<16xf32>
        %add3A_1146 = arith.addf %add3A_1135, %gather3A_1145 : vector<16xf32>
        %lt3A_1147 = arith.constant 0 : i32
        %lt3A_1148 = vector.broadcast %lt3A_1147 : i32 to vector<16xi32>
        %lt3A_1149 = arith.cmpi slt, %xor3A_102, %lt3A_1148 : vector<16xi32>
        %add3A_1150 = arith.constant 16 : i32
        %add3A_1151 = vector.broadcast %add3A_1150 : i32 to vector<16xi32>
        %add3A_1152 = arith.addi %xor3A_102, %add3A_1151 : vector<16xi32>
        %select_n3A_1153 = arith.select %lt3A_1149, %add3A_1152, %xor3A_102 : vector<16xi1>, vector<16xi32>
        %broadcast_in_dim3A_1154 = vector.shape_cast %select_n3A_1153 : vector<16xi32> to vector<16x1xi32>
        %gather3A_1155 = vector.shape_cast %broadcast_in_dim3A_1154 : vector<16x1xi32> to vector<16xi32>
        %gather3A_1156 = tpu.dynamic_gather %add3A_1146[%gather3A_1155] in [0] : vector<16xf32>, vector<16xi32> -> vector<16xf32>
        %add3A_1157 = arith.addf %add3A_1146, %gather3A_1156 : vector<16xf32>
        %lt3A_1158 = arith.constant 0 : i32
        %lt3A_1159 = vector.broadcast %lt3A_1158 : i32 to vector<16xi32>
        %lt3A_1160 = arith.cmpi slt, %xor3A_105, %lt3A_1159 : vector<16xi32>
        %add3A_1161 = arith.constant 16 : i32
        %add3A_1162 = vector.broadcast %add3A_1161 : i32 to vector<16xi32>
        %add3A_1163 = arith.addi %xor3A_105, %add3A_1162 : vector<16xi32>
        %select_n3A_1164 = arith.select %lt3A_1160, %add3A_1163, %xor3A_105 : vector<16xi1>, vector<16xi32>
        %broadcast_in_dim3A_1165 = vector.shape_cast %select_n3A_1164 : vector<16xi32> to vector<16x1xi32>
        %gather3A_1166 = vector.shape_cast %broadcast_in_dim3A_1165 : vector<16x1xi32> to vector<16xi32>
        %gather3A_1167 = tpu.dynamic_gather %add3A_1157[%gather3A_1166] in [0] : vector<16xf32>, vector<16xi32> -> vector<16xf32>
        %add3A_1168 = arith.addf %add3A_1157, %gather3A_1167 : vector<16xf32>
        %lt3A_1169 = arith.constant 0 : i32
        %lt3A_1170 = vector.broadcast %lt3A_1169 : i32 to vector<16xi32>
        %lt3A_1171 = arith.cmpi slt, %xor3A_108, %lt3A_1170 : vector<16xi32>
        %add3A_1172 = arith.constant 16 : i32
        %add3A_1173 = vector.broadcast %add3A_1172 : i32 to vector<16xi32>
        %add3A_1174 = arith.addi %xor3A_108, %add3A_1173 : vector<16xi32>
        %select_n3A_1175 = arith.select %lt3A_1171, %add3A_1174, %xor3A_108 : vector<16xi1>, vector<16xi32>
        %broadcast_in_dim3A_1176 = vector.shape_cast %select_n3A_1175 : vector<16xi32> to vector<16x1xi32>
        %gather3A_1177 = vector.shape_cast %broadcast_in_dim3A_1176 : vector<16x1xi32> to vector<16xi32>
        %gather3A_1178 = tpu.dynamic_gather %add3A_1168[%gather3A_1177] in [0] : vector<16xf32>, vector<16xi32> -> vector<16xf32>
        %add3A_1179 = arith.addf %add3A_1168, %gather3A_1178 : vector<16xf32>
        %eq3A_1180 = arith.constant 13 : i32
        %eq3A_1181 = vector.broadcast %eq3A_1180 : i32 to vector<16xi32>
        %eq3A_1182 = arith.cmpi eq, %iota3A, %eq3A_1181 : vector<16xi32>
        %select_n3A_1183 = arith.select %eq3A_1182, %add3A_1179, %select_n3A_1108 : vector<16xi1>, vector<16xf32>
        %mul3A_1184 = arith.constant 40 : i32
        %mul3A_1185 = arith.muli %scan3A_117, %mul3A_1184 : i32
        %add3A_1186 = arith.constant 14 : i32
        %add3A_1187 = arith.addi %mul3A_1185, %add3A_1186 : i32
        %get3A_1188 = arith.index_cast %add3A_1187 : i32 to index
        %get3A_1189 = arith.constant 0 : index
        %get3A_1190 = tpu.vector_load %arg10[%get3A_1188, %get3A_1189] {strides = array<i32>} : memref<640x64xf32, #tpu.memory_space<vmem>>, vector<1x16xf32>,
        %get3A_1191 = vector.shape_cast %get3A_1190 : vector<1x16xf32> to vector<16xf32>
        %mul3A_1192 = arith.mulf %get3A_1191, %get3A_120 : vector<16xf32>
        %get3A_1193 = arith.index_cast %add3A_1187 : i32 to index
        %get3A_1194 = arith.constant 16 : index
        %get3A_1195 = tpu.vector_load %arg10[%get3A_1193, %get3A_1194] {strides = array<i32>} : memref<640x64xf32, #tpu.memory_space<vmem>>, vector<1x16xf32>,
        %get3A_1196 = vector.shape_cast %get3A_1195 : vector<1x16xf32> to vector<16xf32>
        %mul3A_1197 = arith.mulf %get3A_1196, %get3A_124 : vector<16xf32>
        %add3A_1198 = arith.addf %mul3A_1192, %mul3A_1197 : vector<16xf32>
        %get3A_1199 = arith.index_cast %add3A_1187 : i32 to index
        %get3A_1200 = arith.constant 32 : index
        %get3A_1201 = tpu.vector_load %arg10[%get3A_1199, %get3A_1200] {strides = array<i32>} : memref<640x64xf32, #tpu.memory_space<vmem>>, vector<1x16xf32>,
        %get3A_1202 = vector.shape_cast %get3A_1201 : vector<1x16xf32> to vector<16xf32>
        %mul3A_1203 = arith.mulf %get3A_1202, %get3A_128 : vector<16xf32>
        %add3A_1204 = arith.addf %add3A_1198, %mul3A_1203 : vector<16xf32>
        %get3A_1205 = arith.index_cast %add3A_1187 : i32 to index
        %get3A_1206 = arith.constant 48 : index
        %get3A_1207 = tpu.vector_load %arg10[%get3A_1205, %get3A_1206] {strides = array<i32>} : memref<640x64xf32, #tpu.memory_space<vmem>>, vector<1x16xf32>,
        %get3A_1208 = vector.shape_cast %get3A_1207 : vector<1x16xf32> to vector<16xf32>
        %mul3A_1209 = arith.mulf %get3A_1208, %get3A_132 : vector<16xf32>
        %add3A_1210 = arith.addf %add3A_1204, %mul3A_1209 : vector<16xf32>
        %lt3A_1211 = arith.constant 0 : i32
        %lt3A_1212 = vector.broadcast %lt3A_1211 : i32 to vector<16xi32>
        %lt3A_1213 = arith.cmpi slt, %xor3A_99, %lt3A_1212 : vector<16xi32>
        %add3A_1214 = arith.constant 16 : i32
        %add3A_1215 = vector.broadcast %add3A_1214 : i32 to vector<16xi32>
        %add3A_1216 = arith.addi %xor3A_99, %add3A_1215 : vector<16xi32>
        %select_n3A_1217 = arith.select %lt3A_1213, %add3A_1216, %xor3A_99 : vector<16xi1>, vector<16xi32>
        %broadcast_in_dim3A_1218 = vector.shape_cast %select_n3A_1217 : vector<16xi32> to vector<16x1xi32>
        %gather3A_1219 = vector.shape_cast %broadcast_in_dim3A_1218 : vector<16x1xi32> to vector<16xi32>
        %gather3A_1220 = tpu.dynamic_gather %add3A_1210[%gather3A_1219] in [0] : vector<16xf32>, vector<16xi32> -> vector<16xf32>
        %add3A_1221 = arith.addf %add3A_1210, %gather3A_1220 : vector<16xf32>
        %lt3A_1222 = arith.constant 0 : i32
        %lt3A_1223 = vector.broadcast %lt3A_1222 : i32 to vector<16xi32>
        %lt3A_1224 = arith.cmpi slt, %xor3A_102, %lt3A_1223 : vector<16xi32>
        %add3A_1225 = arith.constant 16 : i32
        %add3A_1226 = vector.broadcast %add3A_1225 : i32 to vector<16xi32>
        %add3A_1227 = arith.addi %xor3A_102, %add3A_1226 : vector<16xi32>
        %select_n3A_1228 = arith.select %lt3A_1224, %add3A_1227, %xor3A_102 : vector<16xi1>, vector<16xi32>
        %broadcast_in_dim3A_1229 = vector.shape_cast %select_n3A_1228 : vector<16xi32> to vector<16x1xi32>
        %gather3A_1230 = vector.shape_cast %broadcast_in_dim3A_1229 : vector<16x1xi32> to vector<16xi32>
        %gather3A_1231 = tpu.dynamic_gather %add3A_1221[%gather3A_1230] in [0] : vector<16xf32>, vector<16xi32> -> vector<16xf32>
        %add3A_1232 = arith.addf %add3A_1221, %gather3A_1231 : vector<16xf32>
        %lt3A_1233 = arith.constant 0 : i32
        %lt3A_1234 = vector.broadcast %lt3A_1233 : i32 to vector<16xi32>
        %lt3A_1235 = arith.cmpi slt, %xor3A_105, %lt3A_1234 : vector<16xi32>
        %add3A_1236 = arith.constant 16 : i32
        %add3A_1237 = vector.broadcast %add3A_1236 : i32 to vector<16xi32>
        %add3A_1238 = arith.addi %xor3A_105, %add3A_1237 : vector<16xi32>
        %select_n3A_1239 = arith.select %lt3A_1235, %add3A_1238, %xor3A_105 : vector<16xi1>, vector<16xi32>
        %broadcast_in_dim3A_1240 = vector.shape_cast %select_n3A_1239 : vector<16xi32> to vector<16x1xi32>
        %gather3A_1241 = vector.shape_cast %broadcast_in_dim3A_1240 : vector<16x1xi32> to vector<16xi32>
        %gather3A_1242 = tpu.dynamic_gather %add3A_1232[%gather3A_1241] in [0] : vector<16xf32>, vector<16xi32> -> vector<16xf32>
        %add3A_1243 = arith.addf %add3A_1232, %gather3A_1242 : vector<16xf32>
        %lt3A_1244 = arith.constant 0 : i32
        %lt3A_1245 = vector.broadcast %lt3A_1244 : i32 to vector<16xi32>
        %lt3A_1246 = arith.cmpi slt, %xor3A_108, %lt3A_1245 : vector<16xi32>
        %add3A_1247 = arith.constant 16 : i32
        %add3A_1248 = vector.broadcast %add3A_1247 : i32 to vector<16xi32>
        %add3A_1249 = arith.addi %xor3A_108, %add3A_1248 : vector<16xi32>
        %select_n3A_1250 = arith.select %lt3A_1246, %add3A_1249, %xor3A_108 : vector<16xi1>, vector<16xi32>
        %broadcast_in_dim3A_1251 = vector.shape_cast %select_n3A_1250 : vector<16xi32> to vector<16x1xi32>
        %gather3A_1252 = vector.shape_cast %broadcast_in_dim3A_1251 : vector<16x1xi32> to vector<16xi32>
        %gather3A_1253 = tpu.dynamic_gather %add3A_1243[%gather3A_1252] in [0] : vector<16xf32>, vector<16xi32> -> vector<16xf32>
        %add3A_1254 = arith.addf %add3A_1243, %gather3A_1253 : vector<16xf32>
        %eq3A_1255 = arith.constant 14 : i32
        %eq3A_1256 = vector.broadcast %eq3A_1255 : i32 to vector<16xi32>
        %eq3A_1257 = arith.cmpi eq, %iota3A, %eq3A_1256 : vector<16xi32>
        %select_n3A_1258 = arith.select %eq3A_1257, %add3A_1254, %select_n3A_1183 : vector<16xi1>, vector<16xf32>
        %mul3A_1259 = arith.constant 40 : i32
        %mul3A_1260 = arith.muli %scan3A_117, %mul3A_1259 : i32
        %add3A_1261 = arith.constant 15 : i32
        %add3A_1262 = arith.addi %mul3A_1260, %add3A_1261 : i32
        %get3A_1263 = arith.index_cast %add3A_1262 : i32 to index
        %get3A_1264 = arith.constant 0 : index
        %get3A_1265 = tpu.vector_load %arg10[%get3A_1263, %get3A_1264] {strides = array<i32>} : memref<640x64xf32, #tpu.memory_space<vmem>>, vector<1x16xf32>,
        %get3A_1266 = vector.shape_cast %get3A_1265 : vector<1x16xf32> to vector<16xf32>
        %mul3A_1267 = arith.mulf %get3A_1266, %get3A_120 : vector<16xf32>
        %get3A_1268 = arith.index_cast %add3A_1262 : i32 to index
        %get3A_1269 = arith.constant 16 : index
        %get3A_1270 = tpu.vector_load %arg10[%get3A_1268, %get3A_1269] {strides = array<i32>} : memref<640x64xf32, #tpu.memory_space<vmem>>, vector<1x16xf32>,
        %get3A_1271 = vector.shape_cast %get3A_1270 : vector<1x16xf32> to vector<16xf32>
        %mul3A_1272 = arith.mulf %get3A_1271, %get3A_124 : vector<16xf32>
        %add3A_1273 = arith.addf %mul3A_1267, %mul3A_1272 : vector<16xf32>
        %get3A_1274 = arith.index_cast %add3A_1262 : i32 to index
        %get3A_1275 = arith.constant 32 : index
        %get3A_1276 = tpu.vector_load %arg10[%get3A_1274, %get3A_1275] {strides = array<i32>} : memref<640x64xf32, #tpu.memory_space<vmem>>, vector<1x16xf32>,
        %get3A_1277 = vector.shape_cast %get3A_1276 : vector<1x16xf32> to vector<16xf32>
        %mul3A_1278 = arith.mulf %get3A_1277, %get3A_128 : vector<16xf32>
        %add3A_1279 = arith.addf %add3A_1273, %mul3A_1278 : vector<16xf32>
        %get3A_1280 = arith.index_cast %add3A_1262 : i32 to index
        %get3A_1281 = arith.constant 48 : index
        %get3A_1282 = tpu.vector_load %arg10[%get3A_1280, %get3A_1281] {strides = array<i32>} : memref<640x64xf32, #tpu.memory_space<vmem>>, vector<1x16xf32>,
        %get3A_1283 = vector.shape_cast %get3A_1282 : vector<1x16xf32> to vector<16xf32>
        %mul3A_1284 = arith.mulf %get3A_1283, %get3A_132 : vector<16xf32>
        %add3A_1285 = arith.addf %add3A_1279, %mul3A_1284 : vector<16xf32>
        %lt3A_1286 = arith.constant 0 : i32
        %lt3A_1287 = vector.broadcast %lt3A_1286 : i32 to vector<16xi32>
        %lt3A_1288 = arith.cmpi slt, %xor3A_99, %lt3A_1287 : vector<16xi32>
        %add3A_1289 = arith.constant 16 : i32
        %add3A_1290 = vector.broadcast %add3A_1289 : i32 to vector<16xi32>
        %add3A_1291 = arith.addi %xor3A_99, %add3A_1290 : vector<16xi32>
        %select_n3A_1292 = arith.select %lt3A_1288, %add3A_1291, %xor3A_99 : vector<16xi1>, vector<16xi32>
        %broadcast_in_dim3A_1293 = vector.shape_cast %select_n3A_1292 : vector<16xi32> to vector<16x1xi32>
        %gather3A_1294 = vector.shape_cast %broadcast_in_dim3A_1293 : vector<16x1xi32> to vector<16xi32>
        %gather3A_1295 = tpu.dynamic_gather %add3A_1285[%gather3A_1294] in [0] : vector<16xf32>, vector<16xi32> -> vector<16xf32>
        %add3A_1296 = arith.addf %add3A_1285, %gather3A_1295 : vector<16xf32>
        %lt3A_1297 = arith.constant 0 : i32
        %lt3A_1298 = vector.broadcast %lt3A_1297 : i32 to vector<16xi32>
        %lt3A_1299 = arith.cmpi slt, %xor3A_102, %lt3A_1298 : vector<16xi32>
        %add3A_1300 = arith.constant 16 : i32
        %add3A_1301 = vector.broadcast %add3A_1300 : i32 to vector<16xi32>
        %add3A_1302 = arith.addi %xor3A_102, %add3A_1301 : vector<16xi32>
        %select_n3A_1303 = arith.select %lt3A_1299, %add3A_1302, %xor3A_102 : vector<16xi1>, vector<16xi32>
        %broadcast_in_dim3A_1304 = vector.shape_cast %select_n3A_1303 : vector<16xi32> to vector<16x1xi32>
        %gather3A_1305 = vector.shape_cast %broadcast_in_dim3A_1304 : vector<16x1xi32> to vector<16xi32>
        %gather3A_1306 = tpu.dynamic_gather %add3A_1296[%gather3A_1305] in [0] : vector<16xf32>, vector<16xi32> -> vector<16xf32>
        %add3A_1307 = arith.addf %add3A_1296, %gather3A_1306 : vector<16xf32>
        %lt3A_1308 = arith.constant 0 : i32
        %lt3A_1309 = vector.broadcast %lt3A_1308 : i32 to vector<16xi32>
        %lt3A_1310 = arith.cmpi slt, %xor3A_105, %lt3A_1309 : vector<16xi32>
        %add3A_1311 = arith.constant 16 : i32
        %add3A_1312 = vector.broadcast %add3A_1311 : i32 to vector<16xi32>
        %add3A_1313 = arith.addi %xor3A_105, %add3A_1312 : vector<16xi32>
        %select_n3A_1314 = arith.select %lt3A_1310, %add3A_1313, %xor3A_105 : vector<16xi1>, vector<16xi32>
        %broadcast_in_dim3A_1315 = vector.shape_cast %select_n3A_1314 : vector<16xi32> to vector<16x1xi32>
        %gather3A_1316 = vector.shape_cast %broadcast_in_dim3A_1315 : vector<16x1xi32> to vector<16xi32>
        %gather3A_1317 = tpu.dynamic_gather %add3A_1307[%gather3A_1316] in [0] : vector<16xf32>, vector<16xi32> -> vector<16xf32>
        %add3A_1318 = arith.addf %add3A_1307, %gather3A_1317 : vector<16xf32>
        %lt3A_1319 = arith.constant 0 : i32
        %lt3A_1320 = vector.broadcast %lt3A_1319 : i32 to vector<16xi32>
        %lt3A_1321 = arith.cmpi slt, %xor3A_108, %lt3A_1320 : vector<16xi32>
        %add3A_1322 = arith.constant 16 : i32
        %add3A_1323 = vector.broadcast %add3A_1322 : i32 to vector<16xi32>
        %add3A_1324 = arith.addi %xor3A_108, %add3A_1323 : vector<16xi32>
        %select_n3A_1325 = arith.select %lt3A_1321, %add3A_1324, %xor3A_108 : vector<16xi1>, vector<16xi32>
        %broadcast_in_dim3A_1326 = vector.shape_cast %select_n3A_1325 : vector<16xi32> to vector<16x1xi32>
        %gather3A_1327 = vector.shape_cast %broadcast_in_dim3A_1326 : vector<16x1xi32> to vector<16xi32>
        %gather3A_1328 = tpu.dynamic_gather %add3A_1318[%gather3A_1327] in [0] : vector<16xf32>, vector<16xi32> -> vector<16xf32>
        %add3A_1329 = arith.addf %add3A_1318, %gather3A_1328 : vector<16xf32>
        %eq3A_1330 = arith.constant 15 : i32
        %eq3A_1331 = vector.broadcast %eq3A_1330 : i32 to vector<16xi32>
        %eq3A_1332 = arith.cmpi eq, %iota3A, %eq3A_1331 : vector<16xi32>
        %select_n3A_1333 = arith.select %eq3A_1332, %add3A_1329, %select_n3A_1258 : vector<16xi1>, vector<16xf32>
        %mul3A_1334 = arith.constant 40 : i32
        %mul3A_1335 = arith.muli %scan3A_117, %mul3A_1334 : i32
        %add3A_1336 = arith.constant 16 : i32
        %add3A_1337 = arith.addi %mul3A_1335, %add3A_1336 : i32
        %get3A_1338 = arith.index_cast %add3A_1337 : i32 to index
        %get3A_1339 = arith.constant 0 : index
        %get3A_1340 = tpu.vector_load %arg10[%get3A_1338, %get3A_1339] {strides = array<i32>} : memref<640x64xf32, #tpu.memory_space<vmem>>, vector<1x16xf32>,
        %get3A_1341 = vector.shape_cast %get3A_1340 : vector<1x16xf32> to vector<16xf32>
        %mul3A_1342 = arith.mulf %get3A_1341, %get3A_120 : vector<16xf32>
        %get3A_1343 = arith.index_cast %add3A_1337 : i32 to index
        %get3A_1344 = arith.constant 16 : index
        %get3A_1345 = tpu.vector_load %arg10[%get3A_1343, %get3A_1344] {strides = array<i32>} : memref<640x64xf32, #tpu.memory_space<vmem>>, vector<1x16xf32>,
        %get3A_1346 = vector.shape_cast %get3A_1345 : vector<1x16xf32> to vector<16xf32>
        %mul3A_1347 = arith.mulf %get3A_1346, %get3A_124 : vector<16xf32>
        %add3A_1348 = arith.addf %mul3A_1342, %mul3A_1347 : vector<16xf32>
        %get3A_1349 = arith.index_cast %add3A_1337 : i32 to index
        %get3A_1350 = arith.constant 32 : index
        %get3A_1351 = tpu.vector_load %arg10[%get3A_1349, %get3A_1350] {strides = array<i32>} : memref<640x64xf32, #tpu.memory_space<vmem>>, vector<1x16xf32>,
        %get3A_1352 = vector.shape_cast %get3A_1351 : vector<1x16xf32> to vector<16xf32>
        %mul3A_1353 = arith.mulf %get3A_1352, %get3A_128 : vector<16xf32>
        %add3A_1354 = arith.addf %add3A_1348, %mul3A_1353 : vector<16xf32>
        %get3A_1355 = arith.index_cast %add3A_1337 : i32 to index
        %get3A_1356 = arith.constant 48 : index
        %get3A_1357 = tpu.vector_load %arg10[%get3A_1355, %get3A_1356] {strides = array<i32>} : memref<640x64xf32, #tpu.memory_space<vmem>>, vector<1x16xf32>,
        %get3A_1358 = vector.shape_cast %get3A_1357 : vector<1x16xf32> to vector<16xf32>
        %mul3A_1359 = arith.mulf %get3A_1358, %get3A_132 : vector<16xf32>
        %add3A_1360 = arith.addf %add3A_1354, %mul3A_1359 : vector<16xf32>
        %lt3A_1361 = arith.constant 0 : i32
        %lt3A_1362 = vector.broadcast %lt3A_1361 : i32 to vector<16xi32>
        %lt3A_1363 = arith.cmpi slt, %xor3A_99, %lt3A_1362 : vector<16xi32>
        %add3A_1364 = arith.constant 16 : i32
        %add3A_1365 = vector.broadcast %add3A_1364 : i32 to vector<16xi32>
        %add3A_1366 = arith.addi %xor3A_99, %add3A_1365 : vector<16xi32>
        %select_n3A_1367 = arith.select %lt3A_1363, %add3A_1366, %xor3A_99 : vector<16xi1>, vector<16xi32>
        %broadcast_in_dim3A_1368 = vector.shape_cast %select_n3A_1367 : vector<16xi32> to vector<16x1xi32>
        %gather3A_1369 = vector.shape_cast %broadcast_in_dim3A_1368 : vector<16x1xi32> to vector<16xi32>
        %gather3A_1370 = tpu.dynamic_gather %add3A_1360[%gather3A_1369] in [0] : vector<16xf32>, vector<16xi32> -> vector<16xf32>
        %add3A_1371 = arith.addf %add3A_1360, %gather3A_1370 : vector<16xf32>
        %lt3A_1372 = arith.constant 0 : i32
        %lt3A_1373 = vector.broadcast %lt3A_1372 : i32 to vector<16xi32>
        %lt3A_1374 = arith.cmpi slt, %xor3A_102, %lt3A_1373 : vector<16xi32>
        %add3A_1375 = arith.constant 16 : i32
        %add3A_1376 = vector.broadcast %add3A_1375 : i32 to vector<16xi32>
        %add3A_1377 = arith.addi %xor3A_102, %add3A_1376 : vector<16xi32>
        %select_n3A_1378 = arith.select %lt3A_1374, %add3A_1377, %xor3A_102 : vector<16xi1>, vector<16xi32>
        %broadcast_in_dim3A_1379 = vector.shape_cast %select_n3A_1378 : vector<16xi32> to vector<16x1xi32>
        %gather3A_1380 = vector.shape_cast %broadcast_in_dim3A_1379 : vector<16x1xi32> to vector<16xi32>
        %gather3A_1381 = tpu.dynamic_gather %add3A_1371[%gather3A_1380] in [0] : vector<16xf32>, vector<16xi32> -> vector<16xf32>
        %add3A_1382 = arith.addf %add3A_1371, %gather3A_1381 : vector<16xf32>
        %lt3A_1383 = arith.constant 0 : i32
        %lt3A_1384 = vector.broadcast %lt3A_1383 : i32 to vector<16xi32>
        %lt3A_1385 = arith.cmpi slt, %xor3A_105, %lt3A_1384 : vector<16xi32>
        %add3A_1386 = arith.constant 16 : i32
        %add3A_1387 = vector.broadcast %add3A_1386 : i32 to vector<16xi32>
        %add3A_1388 = arith.addi %xor3A_105, %add3A_1387 : vector<16xi32>
        %select_n3A_1389 = arith.select %lt3A_1385, %add3A_1388, %xor3A_105 : vector<16xi1>, vector<16xi32>
        %broadcast_in_dim3A_1390 = vector.shape_cast %select_n3A_1389 : vector<16xi32> to vector<16x1xi32>
        %gather3A_1391 = vector.shape_cast %broadcast_in_dim3A_1390 : vector<16x1xi32> to vector<16xi32>
        %gather3A_1392 = tpu.dynamic_gather %add3A_1382[%gather3A_1391] in [0] : vector<16xf32>, vector<16xi32> -> vector<16xf32>
        %add3A_1393 = arith.addf %add3A_1382, %gather3A_1392 : vector<16xf32>
        %lt3A_1394 = arith.constant 0 : i32
        %lt3A_1395 = vector.broadcast %lt3A_1394 : i32 to vector<16xi32>
        %lt3A_1396 = arith.cmpi slt, %xor3A_108, %lt3A_1395 : vector<16xi32>
        %add3A_1397 = arith.constant 16 : i32
        %add3A_1398 = vector.broadcast %add3A_1397 : i32 to vector<16xi32>
        %add3A_1399 = arith.addi %xor3A_108, %add3A_1398 : vector<16xi32>
        %select_n3A_1400 = arith.select %lt3A_1396, %add3A_1399, %xor3A_108 : vector<16xi1>, vector<16xi32>
        %broadcast_in_dim3A_1401 = vector.shape_cast %select_n3A_1400 : vector<16xi32> to vector<16x1xi32>
        %gather3A_1402 = vector.shape_cast %broadcast_in_dim3A_1401 : vector<16x1xi32> to vector<16xi32>
        %gather3A_1403 = tpu.dynamic_gather %add3A_1393[%gather3A_1402] in [0] : vector<16xf32>, vector<16xi32> -> vector<16xf32>
        %add3A_1404 = arith.addf %add3A_1393, %gather3A_1403 : vector<16xf32>
        %eq3A_1405 = arith.constant 0 : i32
        %eq3A_1406 = vector.broadcast %eq3A_1405 : i32 to vector<16xi32>
        %eq3A_1407 = arith.cmpi eq, %iota3A, %eq3A_1406 : vector<16xi32>
        %select_n3A_1408 = arith.select %eq3A_1407, %add3A_1404, %broadcast_in_dim3A_135 : vector<16xi1>, vector<16xf32>
        %mul3A_1409 = arith.constant 40 : i32
        %mul3A_1410 = arith.muli %scan3A_117, %mul3A_1409 : i32
        %add3A_1411 = arith.constant 17 : i32
        %add3A_1412 = arith.addi %mul3A_1410, %add3A_1411 : i32
        %get3A_1413 = arith.index_cast %add3A_1412 : i32 to index
        %get3A_1414 = arith.constant 0 : index
        %get3A_1415 = tpu.vector_load %arg10[%get3A_1413, %get3A_1414] {strides = array<i32>} : memref<640x64xf32, #tpu.memory_space<vmem>>, vector<1x16xf32>,
        %get3A_1416 = vector.shape_cast %get3A_1415 : vector<1x16xf32> to vector<16xf32>
        %mul3A_1417 = arith.mulf %get3A_1416, %get3A_120 : vector<16xf32>
        %get3A_1418 = arith.index_cast %add3A_1412 : i32 to index
        %get3A_1419 = arith.constant 16 : index
        %get3A_1420 = tpu.vector_load %arg10[%get3A_1418, %get3A_1419] {strides = array<i32>} : memref<640x64xf32, #tpu.memory_space<vmem>>, vector<1x16xf32>,
        %get3A_1421 = vector.shape_cast %get3A_1420 : vector<1x16xf32> to vector<16xf32>
        %mul3A_1422 = arith.mulf %get3A_1421, %get3A_124 : vector<16xf32>
        %add3A_1423 = arith.addf %mul3A_1417, %mul3A_1422 : vector<16xf32>
        %get3A_1424 = arith.index_cast %add3A_1412 : i32 to index
        %get3A_1425 = arith.constant 32 : index
        %get3A_1426 = tpu.vector_load %arg10[%get3A_1424, %get3A_1425] {strides = array<i32>} : memref<640x64xf32, #tpu.memory_space<vmem>>, vector<1x16xf32>,
        %get3A_1427 = vector.shape_cast %get3A_1426 : vector<1x16xf32> to vector<16xf32>
        %mul3A_1428 = arith.mulf %get3A_1427, %get3A_128 : vector<16xf32>
        %add3A_1429 = arith.addf %add3A_1423, %mul3A_1428 : vector<16xf32>
        %get3A_1430 = arith.index_cast %add3A_1412 : i32 to index
        %get3A_1431 = arith.constant 48 : index
        %get3A_1432 = tpu.vector_load %arg10[%get3A_1430, %get3A_1431] {strides = array<i32>} : memref<640x64xf32, #tpu.memory_space<vmem>>, vector<1x16xf32>,
        %get3A_1433 = vector.shape_cast %get3A_1432 : vector<1x16xf32> to vector<16xf32>
        %mul3A_1434 = arith.mulf %get3A_1433, %get3A_132 : vector<16xf32>
        %add3A_1435 = arith.addf %add3A_1429, %mul3A_1434 : vector<16xf32>
        %lt3A_1436 = arith.constant 0 : i32
        %lt3A_1437 = vector.broadcast %lt3A_1436 : i32 to vector<16xi32>
        %lt3A_1438 = arith.cmpi slt, %xor3A_99, %lt3A_1437 : vector<16xi32>
        %add3A_1439 = arith.constant 16 : i32
        %add3A_1440 = vector.broadcast %add3A_1439 : i32 to vector<16xi32>
        %add3A_1441 = arith.addi %xor3A_99, %add3A_1440 : vector<16xi32>
        %select_n3A_1442 = arith.select %lt3A_1438, %add3A_1441, %xor3A_99 : vector<16xi1>, vector<16xi32>
        %broadcast_in_dim3A_1443 = vector.shape_cast %select_n3A_1442 : vector<16xi32> to vector<16x1xi32>
        %gather3A_1444 = vector.shape_cast %broadcast_in_dim3A_1443 : vector<16x1xi32> to vector<16xi32>
        %gather3A_1445 = tpu.dynamic_gather %add3A_1435[%gather3A_1444] in [0] : vector<16xf32>, vector<16xi32> -> vector<16xf32>
        %add3A_1446 = arith.addf %add3A_1435, %gather3A_1445 : vector<16xf32>
        %lt3A_1447 = arith.constant 0 : i32
        %lt3A_1448 = vector.broadcast %lt3A_1447 : i32 to vector<16xi32>
        %lt3A_1449 = arith.cmpi slt, %xor3A_102, %lt3A_1448 : vector<16xi32>
        %add3A_1450 = arith.constant 16 : i32
        %add3A_1451 = vector.broadcast %add3A_1450 : i32 to vector<16xi32>
        %add3A_1452 = arith.addi %xor3A_102, %add3A_1451 : vector<16xi32>
        %select_n3A_1453 = arith.select %lt3A_1449, %add3A_1452, %xor3A_102 : vector<16xi1>, vector<16xi32>
        %broadcast_in_dim3A_1454 = vector.shape_cast %select_n3A_1453 : vector<16xi32> to vector<16x1xi32>
        %gather3A_1455 = vector.shape_cast %broadcast_in_dim3A_1454 : vector<16x1xi32> to vector<16xi32>
        %gather3A_1456 = tpu.dynamic_gather %add3A_1446[%gather3A_1455] in [0] : vector<16xf32>, vector<16xi32> -> vector<16xf32>
        %add3A_1457 = arith.addf %add3A_1446, %gather3A_1456 : vector<16xf32>
        %lt3A_1458 = arith.constant 0 : i32
        %lt3A_1459 = vector.broadcast %lt3A_1458 : i32 to vector<16xi32>
        %lt3A_1460 = arith.cmpi slt, %xor3A_105, %lt3A_1459 : vector<16xi32>
        %add3A_1461 = arith.constant 16 : i32
        %add3A_1462 = vector.broadcast %add3A_1461 : i32 to vector<16xi32>
        %add3A_1463 = arith.addi %xor3A_105, %add3A_1462 : vector<16xi32>
        %select_n3A_1464 = arith.select %lt3A_1460, %add3A_1463, %xor3A_105 : vector<16xi1>, vector<16xi32>
        %broadcast_in_dim3A_1465 = vector.shape_cast %select_n3A_1464 : vector<16xi32> to vector<16x1xi32>
        %gather3A_1466 = vector.shape_cast %broadcast_in_dim3A_1465 : vector<16x1xi32> to vector<16xi32>
        %gather3A_1467 = tpu.dynamic_gather %add3A_1457[%gather3A_1466] in [0] : vector<16xf32>, vector<16xi32> -> vector<16xf32>
        %add3A_1468 = arith.addf %add3A_1457, %gather3A_1467 : vector<16xf32>
        %lt3A_1469 = arith.constant 0 : i32
        %lt3A_1470 = vector.broadcast %lt3A_1469 : i32 to vector<16xi32>
        %lt3A_1471 = arith.cmpi slt, %xor3A_108, %lt3A_1470 : vector<16xi32>
        %add3A_1472 = arith.constant 16 : i32
        %add3A_1473 = vector.broadcast %add3A_1472 : i32 to vector<16xi32>
        %add3A_1474 = arith.addi %xor3A_108, %add3A_1473 : vector<16xi32>
        %select_n3A_1475 = arith.select %lt3A_1471, %add3A_1474, %xor3A_108 : vector<16xi1>, vector<16xi32>
        %broadcast_in_dim3A_1476 = vector.shape_cast %select_n3A_1475 : vector<16xi32> to vector<16x1xi32>
        %gather3A_1477 = vector.shape_cast %broadcast_in_dim3A_1476 : vector<16x1xi32> to vector<16xi32>
        %gather3A_1478 = tpu.dynamic_gather %add3A_1468[%gather3A_1477] in [0] : vector<16xf32>, vector<16xi32> -> vector<16xf32>
        %add3A_1479 = arith.addf %add3A_1468, %gather3A_1478 : vector<16xf32>
        %eq3A_1480 = arith.constant 1 : i32
        %eq3A_1481 = vector.broadcast %eq3A_1480 : i32 to vector<16xi32>
        %eq3A_1482 = arith.cmpi eq, %iota3A, %eq3A_1481 : vector<16xi32>
        %select_n3A_1483 = arith.select %eq3A_1482, %add3A_1479, %select_n3A_1408 : vector<16xi1>, vector<16xf32>
        %mul3A_1484 = arith.constant 40 : i32
        %mul3A_1485 = arith.muli %scan3A_117, %mul3A_1484 : i32
        %add3A_1486 = arith.constant 18 : i32
        %add3A_1487 = arith.addi %mul3A_1485, %add3A_1486 : i32
        %get3A_1488 = arith.index_cast %add3A_1487 : i32 to index
        %get3A_1489 = arith.constant 0 : index
        %get3A_1490 = tpu.vector_load %arg10[%get3A_1488, %get3A_1489] {strides = array<i32>} : memref<640x64xf32, #tpu.memory_space<vmem>>, vector<1x16xf32>,
        %get3A_1491 = vector.shape_cast %get3A_1490 : vector<1x16xf32> to vector<16xf32>
        %mul3A_1492 = arith.mulf %get3A_1491, %get3A_120 : vector<16xf32>
        %get3A_1493 = arith.index_cast %add3A_1487 : i32 to index
        %get3A_1494 = arith.constant 16 : index
        %get3A_1495 = tpu.vector_load %arg10[%get3A_1493, %get3A_1494] {strides = array<i32>} : memref<640x64xf32, #tpu.memory_space<vmem>>, vector<1x16xf32>,
        %get3A_1496 = vector.shape_cast %get3A_1495 : vector<1x16xf32> to vector<16xf32>
        %mul3A_1497 = arith.mulf %get3A_1496, %get3A_124 : vector<16xf32>
        %add3A_1498 = arith.addf %mul3A_1492, %mul3A_1497 : vector<16xf32>
        %get3A_1499 = arith.index_cast %add3A_1487 : i32 to index
        %get3A_1500 = arith.constant 32 : index
        %get3A_1501 = tpu.vector_load %arg10[%get3A_1499, %get3A_1500] {strides = array<i32>} : memref<640x64xf32, #tpu.memory_space<vmem>>, vector<1x16xf32>,
        %get3A_1502 = vector.shape_cast %get3A_1501 : vector<1x16xf32> to vector<16xf32>
        %mul3A_1503 = arith.mulf %get3A_1502, %get3A_128 : vector<16xf32>
        %add3A_1504 = arith.addf %add3A_1498, %mul3A_1503 : vector<16xf32>
        %get3A_1505 = arith.index_cast %add3A_1487 : i32 to index
        %get3A_1506 = arith.constant 48 : index
        %get3A_1507 = tpu.vector_load %arg10[%get3A_1505, %get3A_1506] {strides = array<i32>} : memref<640x64xf32, #tpu.memory_space<vmem>>, vector<1x16xf32>,
        %get3A_1508 = vector.shape_cast %get3A_1507 : vector<1x16xf32> to vector<16xf32>
        %mul3A_1509 = arith.mulf %get3A_1508, %get3A_132 : vector<16xf32>
        %add3A_1510 = arith.addf %add3A_1504, %mul3A_1509 : vector<16xf32>
        %lt3A_1511 = arith.constant 0 : i32
        %lt3A_1512 = vector.broadcast %lt3A_1511 : i32 to vector<16xi32>
        %lt3A_1513 = arith.cmpi slt, %xor3A_99, %lt3A_1512 : vector<16xi32>
        %add3A_1514 = arith.constant 16 : i32
        %add3A_1515 = vector.broadcast %add3A_1514 : i32 to vector<16xi32>
        %add3A_1516 = arith.addi %xor3A_99, %add3A_1515 : vector<16xi32>
        %select_n3A_1517 = arith.select %lt3A_1513, %add3A_1516, %xor3A_99 : vector<16xi1>, vector<16xi32>
        %broadcast_in_dim3A_1518 = vector.shape_cast %select_n3A_1517 : vector<16xi32> to vector<16x1xi32>
        %gather3A_1519 = vector.shape_cast %broadcast_in_dim3A_1518 : vector<16x1xi32> to vector<16xi32>
        %gather3A_1520 = tpu.dynamic_gather %add3A_1510[%gather3A_1519] in [0] : vector<16xf32>, vector<16xi32> -> vector<16xf32>
        %add3A_1521 = arith.addf %add3A_1510, %gather3A_1520 : vector<16xf32>
        %lt3A_1522 = arith.constant 0 : i32
        %lt3A_1523 = vector.broadcast %lt3A_1522 : i32 to vector<16xi32>
        %lt3A_1524 = arith.cmpi slt, %xor3A_102, %lt3A_1523 : vector<16xi32>
        %add3A_1525 = arith.constant 16 : i32
        %add3A_1526 = vector.broadcast %add3A_1525 : i32 to vector<16xi32>
        %add3A_1527 = arith.addi %xor3A_102, %add3A_1526 : vector<16xi32>
        %select_n3A_1528 = arith.select %lt3A_1524, %add3A_1527, %xor3A_102 : vector<16xi1>, vector<16xi32>
        %broadcast_in_dim3A_1529 = vector.shape_cast %select_n3A_1528 : vector<16xi32> to vector<16x1xi32>
        %gather3A_1530 = vector.shape_cast %broadcast_in_dim3A_1529 : vector<16x1xi32> to vector<16xi32>
        %gather3A_1531 = tpu.dynamic_gather %add3A_1521[%gather3A_1530] in [0] : vector<16xf32>, vector<16xi32> -> vector<16xf32>
        %add3A_1532 = arith.addf %add3A_1521, %gather3A_1531 : vector<16xf32>
        %lt3A_1533 = arith.constant 0 : i32
        %lt3A_1534 = vector.broadcast %lt3A_1533 : i32 to vector<16xi32>
        %lt3A_1535 = arith.cmpi slt, %xor3A_105, %lt3A_1534 : vector<16xi32>
        %add3A_1536 = arith.constant 16 : i32
        %add3A_1537 = vector.broadcast %add3A_1536 : i32 to vector<16xi32>
        %add3A_1538 = arith.addi %xor3A_105, %add3A_1537 : vector<16xi32>
        %select_n3A_1539 = arith.select %lt3A_1535, %add3A_1538, %xor3A_105 : vector<16xi1>, vector<16xi32>
        %broadcast_in_dim3A_1540 = vector.shape_cast %select_n3A_1539 : vector<16xi32> to vector<16x1xi32>
        %gather3A_1541 = vector.shape_cast %broadcast_in_dim3A_1540 : vector<16x1xi32> to vector<16xi32>
        %gather3A_1542 = tpu.dynamic_gather %add3A_1532[%gather3A_1541] in [0] : vector<16xf32>, vector<16xi32> -> vector<16xf32>
        %add3A_1543 = arith.addf %add3A_1532, %gather3A_1542 : vector<16xf32>
        %lt3A_1544 = arith.constant 0 : i32
        %lt3A_1545 = vector.broadcast %lt3A_1544 : i32 to vector<16xi32>
        %lt3A_1546 = arith.cmpi slt, %xor3A_108, %lt3A_1545 : vector<16xi32>
        %add3A_1547 = arith.constant 16 : i32
        %add3A_1548 = vector.broadcast %add3A_1547 : i32 to vector<16xi32>
        %add3A_1549 = arith.addi %xor3A_108, %add3A_1548 : vector<16xi32>
        %select_n3A_1550 = arith.select %lt3A_1546, %add3A_1549, %xor3A_108 : vector<16xi1>, vector<16xi32>
        %broadcast_in_dim3A_1551 = vector.shape_cast %select_n3A_1550 : vector<16xi32> to vector<16x1xi32>
        %gather3A_1552 = vector.shape_cast %broadcast_in_dim3A_1551 : vector<16x1xi32> to vector<16xi32>
        %gather3A_1553 = tpu.dynamic_gather %add3A_1543[%gather3A_1552] in [0] : vector<16xf32>, vector<16xi32> -> vector<16xf32>
        %add3A_1554 = arith.addf %add3A_1543, %gather3A_1553 : vector<16xf32>
        %eq3A_1555 = arith.constant 2 : i32
        %eq3A_1556 = vector.broadcast %eq3A_1555 : i32 to vector<16xi32>
        %eq3A_1557 = arith.cmpi eq, %iota3A, %eq3A_1556 : vector<16xi32>
        %select_n3A_1558 = arith.select %eq3A_1557, %add3A_1554, %select_n3A_1483 : vector<16xi1>, vector<16xf32>
        %mul3A_1559 = arith.constant 40 : i32
        %mul3A_1560 = arith.muli %scan3A_117, %mul3A_1559 : i32
        %add3A_1561 = arith.constant 19 : i32
        %add3A_1562 = arith.addi %mul3A_1560, %add3A_1561 : i32
        %get3A_1563 = arith.index_cast %add3A_1562 : i32 to index
        %get3A_1564 = arith.constant 0 : index
        %get3A_1565 = tpu.vector_load %arg10[%get3A_1563, %get3A_1564] {strides = array<i32>} : memref<640x64xf32, #tpu.memory_space<vmem>>, vector<1x16xf32>,
        %get3A_1566 = vector.shape_cast %get3A_1565 : vector<1x16xf32> to vector<16xf32>
        %mul3A_1567 = arith.mulf %get3A_1566, %get3A_120 : vector<16xf32>
        %get3A_1568 = arith.index_cast %add3A_1562 : i32 to index
        %get3A_1569 = arith.constant 16 : index
        %get3A_1570 = tpu.vector_load %arg10[%get3A_1568, %get3A_1569] {strides = array<i32>} : memref<640x64xf32, #tpu.memory_space<vmem>>, vector<1x16xf32>,
        %get3A_1571 = vector.shape_cast %get3A_1570 : vector<1x16xf32> to vector<16xf32>
        %mul3A_1572 = arith.mulf %get3A_1571, %get3A_124 : vector<16xf32>
        %add3A_1573 = arith.addf %mul3A_1567, %mul3A_1572 : vector<16xf32>
        %get3A_1574 = arith.index_cast %add3A_1562 : i32 to index
        %get3A_1575 = arith.constant 32 : index
        %get3A_1576 = tpu.vector_load %arg10[%get3A_1574, %get3A_1575] {strides = array<i32>} : memref<640x64xf32, #tpu.memory_space<vmem>>, vector<1x16xf32>,
        %get3A_1577 = vector.shape_cast %get3A_1576 : vector<1x16xf32> to vector<16xf32>
        %mul3A_1578 = arith.mulf %get3A_1577, %get3A_128 : vector<16xf32>
        %add3A_1579 = arith.addf %add3A_1573, %mul3A_1578 : vector<16xf32>
        %get3A_1580 = arith.index_cast %add3A_1562 : i32 to index
        %get3A_1581 = arith.constant 48 : index
        %get3A_1582 = tpu.vector_load %arg10[%get3A_1580, %get3A_1581] {strides = array<i32>} : memref<640x64xf32, #tpu.memory_space<vmem>>, vector<1x16xf32>,
        %get3A_1583 = vector.shape_cast %get3A_1582 : vector<1x16xf32> to vector<16xf32>
        %mul3A_1584 = arith.mulf %get3A_1583, %get3A_132 : vector<16xf32>
        %add3A_1585 = arith.addf %add3A_1579, %mul3A_1584 : vector<16xf32>
        %lt3A_1586 = arith.constant 0 : i32
        %lt3A_1587 = vector.broadcast %lt3A_1586 : i32 to vector<16xi32>
        %lt3A_1588 = arith.cmpi slt, %xor3A_99, %lt3A_1587 : vector<16xi32>
        %add3A_1589 = arith.constant 16 : i32
        %add3A_1590 = vector.broadcast %add3A_1589 : i32 to vector<16xi32>
        %add3A_1591 = arith.addi %xor3A_99, %add3A_1590 : vector<16xi32>
        %select_n3A_1592 = arith.select %lt3A_1588, %add3A_1591, %xor3A_99 : vector<16xi1>, vector<16xi32>
        %broadcast_in_dim3A_1593 = vector.shape_cast %select_n3A_1592 : vector<16xi32> to vector<16x1xi32>
        %gather3A_1594 = vector.shape_cast %broadcast_in_dim3A_1593 : vector<16x1xi32> to vector<16xi32>
        %gather3A_1595 = tpu.dynamic_gather %add3A_1585[%gather3A_1594] in [0] : vector<16xf32>, vector<16xi32> -> vector<16xf32>
        %add3A_1596 = arith.addf %add3A_1585, %gather3A_1595 : vector<16xf32>
        %lt3A_1597 = arith.constant 0 : i32
        %lt3A_1598 = vector.broadcast %lt3A_1597 : i32 to vector<16xi32>
        %lt3A_1599 = arith.cmpi slt, %xor3A_102, %lt3A_1598 : vector<16xi32>
        %add3A_1600 = arith.constant 16 : i32
        %add3A_1601 = vector.broadcast %add3A_1600 : i32 to vector<16xi32>
        %add3A_1602 = arith.addi %xor3A_102, %add3A_1601 : vector<16xi32>
        %select_n3A_1603 = arith.select %lt3A_1599, %add3A_1602, %xor3A_102 : vector<16xi1>, vector<16xi32>
        %broadcast_in_dim3A_1604 = vector.shape_cast %select_n3A_1603 : vector<16xi32> to vector<16x1xi32>
        %gather3A_1605 = vector.shape_cast %broadcast_in_dim3A_1604 : vector<16x1xi32> to vector<16xi32>
        %gather3A_1606 = tpu.dynamic_gather %add3A_1596[%gather3A_1605] in [0] : vector<16xf32>, vector<16xi32> -> vector<16xf32>
        %add3A_1607 = arith.addf %add3A_1596, %gather3A_1606 : vector<16xf32>
        %lt3A_1608 = arith.constant 0 : i32
        %lt3A_1609 = vector.broadcast %lt3A_1608 : i32 to vector<16xi32>
        %lt3A_1610 = arith.cmpi slt, %xor3A_105, %lt3A_1609 : vector<16xi32>
        %add3A_1611 = arith.constant 16 : i32
        %add3A_1612 = vector.broadcast %add3A_1611 : i32 to vector<16xi32>
        %add3A_1613 = arith.addi %xor3A_105, %add3A_1612 : vector<16xi32>
        %select_n3A_1614 = arith.select %lt3A_1610, %add3A_1613, %xor3A_105 : vector<16xi1>, vector<16xi32>
        %broadcast_in_dim3A_1615 = vector.shape_cast %select_n3A_1614 : vector<16xi32> to vector<16x1xi32>
        %gather3A_1616 = vector.shape_cast %broadcast_in_dim3A_1615 : vector<16x1xi32> to vector<16xi32>
        %gather3A_1617 = tpu.dynamic_gather %add3A_1607[%gather3A_1616] in [0] : vector<16xf32>, vector<16xi32> -> vector<16xf32>
        %add3A_1618 = arith.addf %add3A_1607, %gather3A_1617 : vector<16xf32>
        %lt3A_1619 = arith.constant 0 : i32
        %lt3A_1620 = vector.broadcast %lt3A_1619 : i32 to vector<16xi32>
        %lt3A_1621 = arith.cmpi slt, %xor3A_108, %lt3A_1620 : vector<16xi32>
        %add3A_1622 = arith.constant 16 : i32
        %add3A_1623 = vector.broadcast %add3A_1622 : i32 to vector<16xi32>
        %add3A_1624 = arith.addi %xor3A_108, %add3A_1623 : vector<16xi32>
        %select_n3A_1625 = arith.select %lt3A_1621, %add3A_1624, %xor3A_108 : vector<16xi1>, vector<16xi32>
        %broadcast_in_dim3A_1626 = vector.shape_cast %select_n3A_1625 : vector<16xi32> to vector<16x1xi32>
        %gather3A_1627 = vector.shape_cast %broadcast_in_dim3A_1626 : vector<16x1xi32> to vector<16xi32>
        %gather3A_1628 = tpu.dynamic_gather %add3A_1618[%gather3A_1627] in [0] : vector<16xf32>, vector<16xi32> -> vector<16xf32>
        %add3A_1629 = arith.addf %add3A_1618, %gather3A_1628 : vector<16xf32>
        %eq3A_1630 = arith.constant 3 : i32
        %eq3A_1631 = vector.broadcast %eq3A_1630 : i32 to vector<16xi32>
        %eq3A_1632 = arith.cmpi eq, %iota3A, %eq3A_1631 : vector<16xi32>
        %select_n3A_1633 = arith.select %eq3A_1632, %add3A_1629, %select_n3A_1558 : vector<16xi1>, vector<16xf32>
        %mul3A_1634 = arith.constant 40 : i32
        %mul3A_1635 = arith.muli %scan3A_117, %mul3A_1634 : i32
        %add3A_1636 = arith.constant 20 : i32
        %add3A_1637 = arith.addi %mul3A_1635, %add3A_1636 : i32
        %get3A_1638 = arith.index_cast %add3A_1637 : i32 to index
        %get3A_1639 = arith.constant 0 : index
        %get3A_1640 = tpu.vector_load %arg10[%get3A_1638, %get3A_1639] {strides = array<i32>} : memref<640x64xf32, #tpu.memory_space<vmem>>, vector<1x16xf32>,
        %get3A_1641 = vector.shape_cast %get3A_1640 : vector<1x16xf32> to vector<16xf32>
        %mul3A_1642 = arith.mulf %get3A_1641, %get3A_120 : vector<16xf32>
        %get3A_1643 = arith.index_cast %add3A_1637 : i32 to index
        %get3A_1644 = arith.constant 16 : index
        %get3A_1645 = tpu.vector_load %arg10[%get3A_1643, %get3A_1644] {strides = array<i32>} : memref<640x64xf32, #tpu.memory_space<vmem>>, vector<1x16xf32>,
        %get3A_1646 = vector.shape_cast %get3A_1645 : vector<1x16xf32> to vector<16xf32>
        %mul3A_1647 = arith.mulf %get3A_1646, %get3A_124 : vector<16xf32>
        %add3A_1648 = arith.addf %mul3A_1642, %mul3A_1647 : vector<16xf32>
        %get3A_1649 = arith.index_cast %add3A_1637 : i32 to index
        %get3A_1650 = arith.constant 32 : index
        %get3A_1651 = tpu.vector_load %arg10[%get3A_1649, %get3A_1650] {strides = array<i32>} : memref<640x64xf32, #tpu.memory_space<vmem>>, vector<1x16xf32>,
        %get3A_1652 = vector.shape_cast %get3A_1651 : vector<1x16xf32> to vector<16xf32>
        %mul3A_1653 = arith.mulf %get3A_1652, %get3A_128 : vector<16xf32>
        %add3A_1654 = arith.addf %add3A_1648, %mul3A_1653 : vector<16xf32>
        %get3A_1655 = arith.index_cast %add3A_1637 : i32 to index
        %get3A_1656 = arith.constant 48 : index
        %get3A_1657 = tpu.vector_load %arg10[%get3A_1655, %get3A_1656] {strides = array<i32>} : memref<640x64xf32, #tpu.memory_space<vmem>>, vector<1x16xf32>,
        %get3A_1658 = vector.shape_cast %get3A_1657 : vector<1x16xf32> to vector<16xf32>
        %mul3A_1659 = arith.mulf %get3A_1658, %get3A_132 : vector<16xf32>
        %add3A_1660 = arith.addf %add3A_1654, %mul3A_1659 : vector<16xf32>
        %lt3A_1661 = arith.constant 0 : i32
        %lt3A_1662 = vector.broadcast %lt3A_1661 : i32 to vector<16xi32>
        %lt3A_1663 = arith.cmpi slt, %xor3A_99, %lt3A_1662 : vector<16xi32>
        %add3A_1664 = arith.constant 16 : i32
        %add3A_1665 = vector.broadcast %add3A_1664 : i32 to vector<16xi32>
        %add3A_1666 = arith.addi %xor3A_99, %add3A_1665 : vector<16xi32>
        %select_n3A_1667 = arith.select %lt3A_1663, %add3A_1666, %xor3A_99 : vector<16xi1>, vector<16xi32>
        %broadcast_in_dim3A_1668 = vector.shape_cast %select_n3A_1667 : vector<16xi32> to vector<16x1xi32>
        %gather3A_1669 = vector.shape_cast %broadcast_in_dim3A_1668 : vector<16x1xi32> to vector<16xi32>
        %gather3A_1670 = tpu.dynamic_gather %add3A_1660[%gather3A_1669] in [0] : vector<16xf32>, vector<16xi32> -> vector<16xf32>
        %add3A_1671 = arith.addf %add3A_1660, %gather3A_1670 : vector<16xf32>
        %lt3A_1672 = arith.constant 0 : i32
        %lt3A_1673 = vector.broadcast %lt3A_1672 : i32 to vector<16xi32>
        %lt3A_1674 = arith.cmpi slt, %xor3A_102, %lt3A_1673 : vector<16xi32>
        %add3A_1675 = arith.constant 16 : i32
        %add3A_1676 = vector.broadcast %add3A_1675 : i32 to vector<16xi32>
        %add3A_1677 = arith.addi %xor3A_102, %add3A_1676 : vector<16xi32>
        %select_n3A_1678 = arith.select %lt3A_1674, %add3A_1677, %xor3A_102 : vector<16xi1>, vector<16xi32>
        %broadcast_in_dim3A_1679 = vector.shape_cast %select_n3A_1678 : vector<16xi32> to vector<16x1xi32>
        %gather3A_1680 = vector.shape_cast %broadcast_in_dim3A_1679 : vector<16x1xi32> to vector<16xi32>
        %gather3A_1681 = tpu.dynamic_gather %add3A_1671[%gather3A_1680] in [0] : vector<16xf32>, vector<16xi32> -> vector<16xf32>
        %add3A_1682 = arith.addf %add3A_1671, %gather3A_1681 : vector<16xf32>
        %lt3A_1683 = arith.constant 0 : i32
        %lt3A_1684 = vector.broadcast %lt3A_1683 : i32 to vector<16xi32>
        %lt3A_1685 = arith.cmpi slt, %xor3A_105, %lt3A_1684 : vector<16xi32>
        %add3A_1686 = arith.constant 16 : i32
        %add3A_1687 = vector.broadcast %add3A_1686 : i32 to vector<16xi32>
        %add3A_1688 = arith.addi %xor3A_105, %add3A_1687 : vector<16xi32>
        %select_n3A_1689 = arith.select %lt3A_1685, %add3A_1688, %xor3A_105 : vector<16xi1>, vector<16xi32>
        %broadcast_in_dim3A_1690 = vector.shape_cast %select_n3A_1689 : vector<16xi32> to vector<16x1xi32>
        %gather3A_1691 = vector.shape_cast %broadcast_in_dim3A_1690 : vector<16x1xi32> to vector<16xi32>
        %gather3A_1692 = tpu.dynamic_gather %add3A_1682[%gather3A_1691] in [0] : vector<16xf32>, vector<16xi32> -> vector<16xf32>
        %add3A_1693 = arith.addf %add3A_1682, %gather3A_1692 : vector<16xf32>
        %lt3A_1694 = arith.constant 0 : i32
        %lt3A_1695 = vector.broadcast %lt3A_1694 : i32 to vector<16xi32>
        %lt3A_1696 = arith.cmpi slt, %xor3A_108, %lt3A_1695 : vector<16xi32>
        %add3A_1697 = arith.constant 16 : i32
        %add3A_1698 = vector.broadcast %add3A_1697 : i32 to vector<16xi32>
        %add3A_1699 = arith.addi %xor3A_108, %add3A_1698 : vector<16xi32>
        %select_n3A_1700 = arith.select %lt3A_1696, %add3A_1699, %xor3A_108 : vector<16xi1>, vector<16xi32>
        %broadcast_in_dim3A_1701 = vector.shape_cast %select_n3A_1700 : vector<16xi32> to vector<16x1xi32>
        %gather3A_1702 = vector.shape_cast %broadcast_in_dim3A_1701 : vector<16x1xi32> to vector<16xi32>
        %gather3A_1703 = tpu.dynamic_gather %add3A_1693[%gather3A_1702] in [0] : vector<16xf32>, vector<16xi32> -> vector<16xf32>
        %add3A_1704 = arith.addf %add3A_1693, %gather3A_1703 : vector<16xf32>
        %eq3A_1705 = arith.constant 4 : i32
        %eq3A_1706 = vector.broadcast %eq3A_1705 : i32 to vector<16xi32>
        %eq3A_1707 = arith.cmpi eq, %iota3A, %eq3A_1706 : vector<16xi32>
        %select_n3A_1708 = arith.select %eq3A_1707, %add3A_1704, %select_n3A_1633 : vector<16xi1>, vector<16xf32>
        %mul3A_1709 = arith.constant 40 : i32
        %mul3A_1710 = arith.muli %scan3A_117, %mul3A_1709 : i32
        %add3A_1711 = arith.constant 21 : i32
        %add3A_1712 = arith.addi %mul3A_1710, %add3A_1711 : i32
        %get3A_1713 = arith.index_cast %add3A_1712 : i32 to index
        %get3A_1714 = arith.constant 0 : index
        %get3A_1715 = tpu.vector_load %arg10[%get3A_1713, %get3A_1714] {strides = array<i32>} : memref<640x64xf32, #tpu.memory_space<vmem>>, vector<1x16xf32>,
        %get3A_1716 = vector.shape_cast %get3A_1715 : vector<1x16xf32> to vector<16xf32>
        %mul3A_1717 = arith.mulf %get3A_1716, %get3A_120 : vector<16xf32>
        %get3A_1718 = arith.index_cast %add3A_1712 : i32 to index
        %get3A_1719 = arith.constant 16 : index
        %get3A_1720 = tpu.vector_load %arg10[%get3A_1718, %get3A_1719] {strides = array<i32>} : memref<640x64xf32, #tpu.memory_space<vmem>>, vector<1x16xf32>,
        %get3A_1721 = vector.shape_cast %get3A_1720 : vector<1x16xf32> to vector<16xf32>
        %mul3A_1722 = arith.mulf %get3A_1721, %get3A_124 : vector<16xf32>
        %add3A_1723 = arith.addf %mul3A_1717, %mul3A_1722 : vector<16xf32>
        %get3A_1724 = arith.index_cast %add3A_1712 : i32 to index
        %get3A_1725 = arith.constant 32 : index
        %get3A_1726 = tpu.vector_load %arg10[%get3A_1724, %get3A_1725] {strides = array<i32>} : memref<640x64xf32, #tpu.memory_space<vmem>>, vector<1x16xf32>,
        %get3A_1727 = vector.shape_cast %get3A_1726 : vector<1x16xf32> to vector<16xf32>
        %mul3A_1728 = arith.mulf %get3A_1727, %get3A_128 : vector<16xf32>
        %add3A_1729 = arith.addf %add3A_1723, %mul3A_1728 : vector<16xf32>
        %get3A_1730 = arith.index_cast %add3A_1712 : i32 to index
        %get3A_1731 = arith.constant 48 : index
        %get3A_1732 = tpu.vector_load %arg10[%get3A_1730, %get3A_1731] {strides = array<i32>} : memref<640x64xf32, #tpu.memory_space<vmem>>, vector<1x16xf32>,
        %get3A_1733 = vector.shape_cast %get3A_1732 : vector<1x16xf32> to vector<16xf32>
        %mul3A_1734 = arith.mulf %get3A_1733, %get3A_132 : vector<16xf32>
        %add3A_1735 = arith.addf %add3A_1729, %mul3A_1734 : vector<16xf32>
        %lt3A_1736 = arith.constant 0 : i32
        %lt3A_1737 = vector.broadcast %lt3A_1736 : i32 to vector<16xi32>
        %lt3A_1738 = arith.cmpi slt, %xor3A_99, %lt3A_1737 : vector<16xi32>
        %add3A_1739 = arith.constant 16 : i32
        %add3A_1740 = vector.broadcast %add3A_1739 : i32 to vector<16xi32>
        %add3A_1741 = arith.addi %xor3A_99, %add3A_1740 : vector<16xi32>
        %select_n3A_1742 = arith.select %lt3A_1738, %add3A_1741, %xor3A_99 : vector<16xi1>, vector<16xi32>
        %broadcast_in_dim3A_1743 = vector.shape_cast %select_n3A_1742 : vector<16xi32> to vector<16x1xi32>
        %gather3A_1744 = vector.shape_cast %broadcast_in_dim3A_1743 : vector<16x1xi32> to vector<16xi32>
        %gather3A_1745 = tpu.dynamic_gather %add3A_1735[%gather3A_1744] in [0] : vector<16xf32>, vector<16xi32> -> vector<16xf32>
        %add3A_1746 = arith.addf %add3A_1735, %gather3A_1745 : vector<16xf32>
        %lt3A_1747 = arith.constant 0 : i32
        %lt3A_1748 = vector.broadcast %lt3A_1747 : i32 to vector<16xi32>
        %lt3A_1749 = arith.cmpi slt, %xor3A_102, %lt3A_1748 : vector<16xi32>
        %add3A_1750 = arith.constant 16 : i32
        %add3A_1751 = vector.broadcast %add3A_1750 : i32 to vector<16xi32>
        %add3A_1752 = arith.addi %xor3A_102, %add3A_1751 : vector<16xi32>
        %select_n3A_1753 = arith.select %lt3A_1749, %add3A_1752, %xor3A_102 : vector<16xi1>, vector<16xi32>
        %broadcast_in_dim3A_1754 = vector.shape_cast %select_n3A_1753 : vector<16xi32> to vector<16x1xi32>
        %gather3A_1755 = vector.shape_cast %broadcast_in_dim3A_1754 : vector<16x1xi32> to vector<16xi32>
        %gather3A_1756 = tpu.dynamic_gather %add3A_1746[%gather3A_1755] in [0] : vector<16xf32>, vector<16xi32> -> vector<16xf32>
        %add3A_1757 = arith.addf %add3A_1746, %gather3A_1756 : vector<16xf32>
        %lt3A_1758 = arith.constant 0 : i32
        %lt3A_1759 = vector.broadcast %lt3A_1758 : i32 to vector<16xi32>
        %lt3A_1760 = arith.cmpi slt, %xor3A_105, %lt3A_1759 : vector<16xi32>
        %add3A_1761 = arith.constant 16 : i32
        %add3A_1762 = vector.broadcast %add3A_1761 : i32 to vector<16xi32>
        %add3A_1763 = arith.addi %xor3A_105, %add3A_1762 : vector<16xi32>
        %select_n3A_1764 = arith.select %lt3A_1760, %add3A_1763, %xor3A_105 : vector<16xi1>, vector<16xi32>
        %broadcast_in_dim3A_1765 = vector.shape_cast %select_n3A_1764 : vector<16xi32> to vector<16x1xi32>
        %gather3A_1766 = vector.shape_cast %broadcast_in_dim3A_1765 : vector<16x1xi32> to vector<16xi32>
        %gather3A_1767 = tpu.dynamic_gather %add3A_1757[%gather3A_1766] in [0] : vector<16xf32>, vector<16xi32> -> vector<16xf32>
        %add3A_1768 = arith.addf %add3A_1757, %gather3A_1767 : vector<16xf32>
        %lt3A_1769 = arith.constant 0 : i32
        %lt3A_1770 = vector.broadcast %lt3A_1769 : i32 to vector<16xi32>
        %lt3A_1771 = arith.cmpi slt, %xor3A_108, %lt3A_1770 : vector<16xi32>
        %add3A_1772 = arith.constant 16 : i32
        %add3A_1773 = vector.broadcast %add3A_1772 : i32 to vector<16xi32>
        %add3A_1774 = arith.addi %xor3A_108, %add3A_1773 : vector<16xi32>
        %select_n3A_1775 = arith.select %lt3A_1771, %add3A_1774, %xor3A_108 : vector<16xi1>, vector<16xi32>
        %broadcast_in_dim3A_1776 = vector.shape_cast %select_n3A_1775 : vector<16xi32> to vector<16x1xi32>
        %gather3A_1777 = vector.shape_cast %broadcast_in_dim3A_1776 : vector<16x1xi32> to vector<16xi32>
        %gather3A_1778 = tpu.dynamic_gather %add3A_1768[%gather3A_1777] in [0] : vector<16xf32>, vector<16xi32> -> vector<16xf32>
        %add3A_1779 = arith.addf %add3A_1768, %gather3A_1778 : vector<16xf32>
        %eq3A_1780 = arith.constant 5 : i32
        %eq3A_1781 = vector.broadcast %eq3A_1780 : i32 to vector<16xi32>
        %eq3A_1782 = arith.cmpi eq, %iota3A, %eq3A_1781 : vector<16xi32>
        %select_n3A_1783 = arith.select %eq3A_1782, %add3A_1779, %select_n3A_1708 : vector<16xi1>, vector<16xf32>
        %mul3A_1784 = arith.constant 40 : i32
        %mul3A_1785 = arith.muli %scan3A_117, %mul3A_1784 : i32
        %add3A_1786 = arith.constant 22 : i32
        %add3A_1787 = arith.addi %mul3A_1785, %add3A_1786 : i32
        %get3A_1788 = arith.index_cast %add3A_1787 : i32 to index
        %get3A_1789 = arith.constant 0 : index
        %get3A_1790 = tpu.vector_load %arg10[%get3A_1788, %get3A_1789] {strides = array<i32>} : memref<640x64xf32, #tpu.memory_space<vmem>>, vector<1x16xf32>,
        %get3A_1791 = vector.shape_cast %get3A_1790 : vector<1x16xf32> to vector<16xf32>
        %mul3A_1792 = arith.mulf %get3A_1791, %get3A_120 : vector<16xf32>
        %get3A_1793 = arith.index_cast %add3A_1787 : i32 to index
        %get3A_1794 = arith.constant 16 : index
        %get3A_1795 = tpu.vector_load %arg10[%get3A_1793, %get3A_1794] {strides = array<i32>} : memref<640x64xf32, #tpu.memory_space<vmem>>, vector<1x16xf32>,
        %get3A_1796 = vector.shape_cast %get3A_1795 : vector<1x16xf32> to vector<16xf32>
        %mul3A_1797 = arith.mulf %get3A_1796, %get3A_124 : vector<16xf32>
        %add3A_1798 = arith.addf %mul3A_1792, %mul3A_1797 : vector<16xf32>
        %get3A_1799 = arith.index_cast %add3A_1787 : i32 to index
        %get3A_1800 = arith.constant 32 : index
        %get3A_1801 = tpu.vector_load %arg10[%get3A_1799, %get3A_1800] {strides = array<i32>} : memref<640x64xf32, #tpu.memory_space<vmem>>, vector<1x16xf32>,
        %get3A_1802 = vector.shape_cast %get3A_1801 : vector<1x16xf32> to vector<16xf32>
        %mul3A_1803 = arith.mulf %get3A_1802, %get3A_128 : vector<16xf32>
        %add3A_1804 = arith.addf %add3A_1798, %mul3A_1803 : vector<16xf32>
        %get3A_1805 = arith.index_cast %add3A_1787 : i32 to index
        %get3A_1806 = arith.constant 48 : index
        %get3A_1807 = tpu.vector_load %arg10[%get3A_1805, %get3A_1806] {strides = array<i32>} : memref<640x64xf32, #tpu.memory_space<vmem>>, vector<1x16xf32>,
        %get3A_1808 = vector.shape_cast %get3A_1807 : vector<1x16xf32> to vector<16xf32>
        %mul3A_1809 = arith.mulf %get3A_1808, %get3A_132 : vector<16xf32>
        %add3A_1810 = arith.addf %add3A_1804, %mul3A_1809 : vector<16xf32>
        %lt3A_1811 = arith.constant 0 : i32
        %lt3A_1812 = vector.broadcast %lt3A_1811 : i32 to vector<16xi32>
        %lt3A_1813 = arith.cmpi slt, %xor3A_99, %lt3A_1812 : vector<16xi32>
        %add3A_1814 = arith.constant 16 : i32
        %add3A_1815 = vector.broadcast %add3A_1814 : i32 to vector<16xi32>
        %add3A_1816 = arith.addi %xor3A_99, %add3A_1815 : vector<16xi32>
        %select_n3A_1817 = arith.select %lt3A_1813, %add3A_1816, %xor3A_99 : vector<16xi1>, vector<16xi32>
        %broadcast_in_dim3A_1818 = vector.shape_cast %select_n3A_1817 : vector<16xi32> to vector<16x1xi32>
        %gather3A_1819 = vector.shape_cast %broadcast_in_dim3A_1818 : vector<16x1xi32> to vector<16xi32>
        %gather3A_1820 = tpu.dynamic_gather %add3A_1810[%gather3A_1819] in [0] : vector<16xf32>, vector<16xi32> -> vector<16xf32>
        %add3A_1821 = arith.addf %add3A_1810, %gather3A_1820 : vector<16xf32>
        %lt3A_1822 = arith.constant 0 : i32
        %lt3A_1823 = vector.broadcast %lt3A_1822 : i32 to vector<16xi32>
        %lt3A_1824 = arith.cmpi slt, %xor3A_102, %lt3A_1823 : vector<16xi32>
        %add3A_1825 = arith.constant 16 : i32
        %add3A_1826 = vector.broadcast %add3A_1825 : i32 to vector<16xi32>
        %add3A_1827 = arith.addi %xor3A_102, %add3A_1826 : vector<16xi32>
        %select_n3A_1828 = arith.select %lt3A_1824, %add3A_1827, %xor3A_102 : vector<16xi1>, vector<16xi32>
        %broadcast_in_dim3A_1829 = vector.shape_cast %select_n3A_1828 : vector<16xi32> to vector<16x1xi32>
        %gather3A_1830 = vector.shape_cast %broadcast_in_dim3A_1829 : vector<16x1xi32> to vector<16xi32>
        %gather3A_1831 = tpu.dynamic_gather %add3A_1821[%gather3A_1830] in [0] : vector<16xf32>, vector<16xi32> -> vector<16xf32>
        %add3A_1832 = arith.addf %add3A_1821, %gather3A_1831 : vector<16xf32>
        %lt3A_1833 = arith.constant 0 : i32
        %lt3A_1834 = vector.broadcast %lt3A_1833 : i32 to vector<16xi32>
        %lt3A_1835 = arith.cmpi slt, %xor3A_105, %lt3A_1834 : vector<16xi32>
        %add3A_1836 = arith.constant 16 : i32
        %add3A_1837 = vector.broadcast %add3A_1836 : i32 to vector<16xi32>
        %add3A_1838 = arith.addi %xor3A_105, %add3A_1837 : vector<16xi32>
        %select_n3A_1839 = arith.select %lt3A_1835, %add3A_1838, %xor3A_105 : vector<16xi1>, vector<16xi32>
        %broadcast_in_dim3A_1840 = vector.shape_cast %select_n3A_1839 : vector<16xi32> to vector<16x1xi32>
        %gather3A_1841 = vector.shape_cast %broadcast_in_dim3A_1840 : vector<16x1xi32> to vector<16xi32>
        %gather3A_1842 = tpu.dynamic_gather %add3A_1832[%gather3A_1841] in [0] : vector<16xf32>, vector<16xi32> -> vector<16xf32>
        %add3A_1843 = arith.addf %add3A_1832, %gather3A_1842 : vector<16xf32>
        %lt3A_1844 = arith.constant 0 : i32
        %lt3A_1845 = vector.broadcast %lt3A_1844 : i32 to vector<16xi32>
        %lt3A_1846 = arith.cmpi slt, %xor3A_108, %lt3A_1845 : vector<16xi32>
        %add3A_1847 = arith.constant 16 : i32
        %add3A_1848 = vector.broadcast %add3A_1847 : i32 to vector<16xi32>
        %add3A_1849 = arith.addi %xor3A_108, %add3A_1848 : vector<16xi32>
        %select_n3A_1850 = arith.select %lt3A_1846, %add3A_1849, %xor3A_108 : vector<16xi1>, vector<16xi32>
        %broadcast_in_dim3A_1851 = vector.shape_cast %select_n3A_1850 : vector<16xi32> to vector<16x1xi32>
        %gather3A_1852 = vector.shape_cast %broadcast_in_dim3A_1851 : vector<16x1xi32> to vector<16xi32>
        %gather3A_1853 = tpu.dynamic_gather %add3A_1843[%gather3A_1852] in [0] : vector<16xf32>, vector<16xi32> -> vector<16xf32>
        %add3A_1854 = arith.addf %add3A_1843, %gather3A_1853 : vector<16xf32>
        %eq3A_1855 = arith.constant 6 : i32
        %eq3A_1856 = vector.broadcast %eq3A_1855 : i32 to vector<16xi32>
        %eq3A_1857 = arith.cmpi eq, %iota3A, %eq3A_1856 : vector<16xi32>
        %select_n3A_1858 = arith.select %eq3A_1857, %add3A_1854, %select_n3A_1783 : vector<16xi1>, vector<16xf32>
        %mul3A_1859 = arith.constant 40 : i32
        %mul3A_1860 = arith.muli %scan3A_117, %mul3A_1859 : i32
        %add3A_1861 = arith.constant 23 : i32
        %add3A_1862 = arith.addi %mul3A_1860, %add3A_1861 : i32
        %get3A_1863 = arith.index_cast %add3A_1862 : i32 to index
        %get3A_1864 = arith.constant 0 : index
        %get3A_1865 = tpu.vector_load %arg10[%get3A_1863, %get3A_1864] {strides = array<i32>} : memref<640x64xf32, #tpu.memory_space<vmem>>, vector<1x16xf32>,
        %get3A_1866 = vector.shape_cast %get3A_1865 : vector<1x16xf32> to vector<16xf32>
        %mul3A_1867 = arith.mulf %get3A_1866, %get3A_120 : vector<16xf32>
        %get3A_1868 = arith.index_cast %add3A_1862 : i32 to index
        %get3A_1869 = arith.constant 16 : index
        %get3A_1870 = tpu.vector_load %arg10[%get3A_1868, %get3A_1869] {strides = array<i32>} : memref<640x64xf32, #tpu.memory_space<vmem>>, vector<1x16xf32>,
        %get3A_1871 = vector.shape_cast %get3A_1870 : vector<1x16xf32> to vector<16xf32>
        %mul3A_1872 = arith.mulf %get3A_1871, %get3A_124 : vector<16xf32>
        %add3A_1873 = arith.addf %mul3A_1867, %mul3A_1872 : vector<16xf32>
        %get3A_1874 = arith.index_cast %add3A_1862 : i32 to index
        %get3A_1875 = arith.constant 32 : index
        %get3A_1876 = tpu.vector_load %arg10[%get3A_1874, %get3A_1875] {strides = array<i32>} : memref<640x64xf32, #tpu.memory_space<vmem>>, vector<1x16xf32>,
        %get3A_1877 = vector.shape_cast %get3A_1876 : vector<1x16xf32> to vector<16xf32>
        %mul3A_1878 = arith.mulf %get3A_1877, %get3A_128 : vector<16xf32>
        %add3A_1879 = arith.addf %add3A_1873, %mul3A_1878 : vector<16xf32>
        %get3A_1880 = arith.index_cast %add3A_1862 : i32 to index
        %get3A_1881 = arith.constant 48 : index
        %get3A_1882 = tpu.vector_load %arg10[%get3A_1880, %get3A_1881] {strides = array<i32>} : memref<640x64xf32, #tpu.memory_space<vmem>>, vector<1x16xf32>,
        %get3A_1883 = vector.shape_cast %get3A_1882 : vector<1x16xf32> to vector<16xf32>
        %mul3A_1884 = arith.mulf %get3A_1883, %get3A_132 : vector<16xf32>
        %add3A_1885 = arith.addf %add3A_1879, %mul3A_1884 : vector<16xf32>
        %lt3A_1886 = arith.constant 0 : i32
        %lt3A_1887 = vector.broadcast %lt3A_1886 : i32 to vector<16xi32>
        %lt3A_1888 = arith.cmpi slt, %xor3A_99, %lt3A_1887 : vector<16xi32>
        %add3A_1889 = arith.constant 16 : i32
        %add3A_1890 = vector.broadcast %add3A_1889 : i32 to vector<16xi32>
        %add3A_1891 = arith.addi %xor3A_99, %add3A_1890 : vector<16xi32>
        %select_n3A_1892 = arith.select %lt3A_1888, %add3A_1891, %xor3A_99 : vector<16xi1>, vector<16xi32>
        %broadcast_in_dim3A_1893 = vector.shape_cast %select_n3A_1892 : vector<16xi32> to vector<16x1xi32>
        %gather3A_1894 = vector.shape_cast %broadcast_in_dim3A_1893 : vector<16x1xi32> to vector<16xi32>
        %gather3A_1895 = tpu.dynamic_gather %add3A_1885[%gather3A_1894] in [0] : vector<16xf32>, vector<16xi32> -> vector<16xf32>
        %add3A_1896 = arith.addf %add3A_1885, %gather3A_1895 : vector<16xf32>
        %lt3A_1897 = arith.constant 0 : i32
        %lt3A_1898 = vector.broadcast %lt3A_1897 : i32 to vector<16xi32>
        %lt3A_1899 = arith.cmpi slt, %xor3A_102, %lt3A_1898 : vector<16xi32>
        %add3A_1900 = arith.constant 16 : i32
        %add3A_1901 = vector.broadcast %add3A_1900 : i32 to vector<16xi32>
        %add3A_1902 = arith.addi %xor3A_102, %add3A_1901 : vector<16xi32>
        %select_n3A_1903 = arith.select %lt3A_1899, %add3A_1902, %xor3A_102 : vector<16xi1>, vector<16xi32>
        %broadcast_in_dim3A_1904 = vector.shape_cast %select_n3A_1903 : vector<16xi32> to vector<16x1xi32>
        %gather3A_1905 = vector.shape_cast %broadcast_in_dim3A_1904 : vector<16x1xi32> to vector<16xi32>
        %gather3A_1906 = tpu.dynamic_gather %add3A_1896[%gather3A_1905] in [0] : vector<16xf32>, vector<16xi32> -> vector<16xf32>
        %add3A_1907 = arith.addf %add3A_1896, %gather3A_1906 : vector<16xf32>
        %lt3A_1908 = arith.constant 0 : i32
        %lt3A_1909 = vector.broadcast %lt3A_1908 : i32 to vector<16xi32>
        %lt3A_1910 = arith.cmpi slt, %xor3A_105, %lt3A_1909 : vector<16xi32>
        %add3A_1911 = arith.constant 16 : i32
        %add3A_1912 = vector.broadcast %add3A_1911 : i32 to vector<16xi32>
        %add3A_1913 = arith.addi %xor3A_105, %add3A_1912 : vector<16xi32>
        %select_n3A_1914 = arith.select %lt3A_1910, %add3A_1913, %xor3A_105 : vector<16xi1>, vector<16xi32>
        %broadcast_in_dim3A_1915 = vector.shape_cast %select_n3A_1914 : vector<16xi32> to vector<16x1xi32>
        %gather3A_1916 = vector.shape_cast %broadcast_in_dim3A_1915 : vector<16x1xi32> to vector<16xi32>
        %gather3A_1917 = tpu.dynamic_gather %add3A_1907[%gather3A_1916] in [0] : vector<16xf32>, vector<16xi32> -> vector<16xf32>
        %add3A_1918 = arith.addf %add3A_1907, %gather3A_1917 : vector<16xf32>
        %lt3A_1919 = arith.constant 0 : i32
        %lt3A_1920 = vector.broadcast %lt3A_1919 : i32 to vector<16xi32>
        %lt3A_1921 = arith.cmpi slt, %xor3A_108, %lt3A_1920 : vector<16xi32>
        %add3A_1922 = arith.constant 16 : i32
        %add3A_1923 = vector.broadcast %add3A_1922 : i32 to vector<16xi32>
        %add3A_1924 = arith.addi %xor3A_108, %add3A_1923 : vector<16xi32>
        %select_n3A_1925 = arith.select %lt3A_1921, %add3A_1924, %xor3A_108 : vector<16xi1>, vector<16xi32>
        %broadcast_in_dim3A_1926 = vector.shape_cast %select_n3A_1925 : vector<16xi32> to vector<16x1xi32>
        %gather3A_1927 = vector.shape_cast %broadcast_in_dim3A_1926 : vector<16x1xi32> to vector<16xi32>
        %gather3A_1928 = tpu.dynamic_gather %add3A_1918[%gather3A_1927] in [0] : vector<16xf32>, vector<16xi32> -> vector<16xf32>
        %add3A_1929 = arith.addf %add3A_1918, %gather3A_1928 : vector<16xf32>
        %eq3A_1930 = arith.constant 7 : i32
        %eq3A_1931 = vector.broadcast %eq3A_1930 : i32 to vector<16xi32>
        %eq3A_1932 = arith.cmpi eq, %iota3A, %eq3A_1931 : vector<16xi32>
        %select_n3A_1933 = arith.select %eq3A_1932, %add3A_1929, %select_n3A_1858 : vector<16xi1>, vector<16xf32>
        %mul3A_1934 = arith.constant 40 : i32
        %mul3A_1935 = arith.muli %scan3A_117, %mul3A_1934 : i32
        %add3A_1936 = arith.constant 24 : i32
        %add3A_1937 = arith.addi %mul3A_1935, %add3A_1936 : i32
        %get3A_1938 = arith.index_cast %add3A_1937 : i32 to index
        %get3A_1939 = arith.constant 0 : index
        %get3A_1940 = tpu.vector_load %arg10[%get3A_1938, %get3A_1939] {strides = array<i32>} : memref<640x64xf32, #tpu.memory_space<vmem>>, vector<1x16xf32>,
        %get3A_1941 = vector.shape_cast %get3A_1940 : vector<1x16xf32> to vector<16xf32>
        %mul3A_1942 = arith.mulf %get3A_1941, %get3A_120 : vector<16xf32>
        %get3A_1943 = arith.index_cast %add3A_1937 : i32 to index
        %get3A_1944 = arith.constant 16 : index
        %get3A_1945 = tpu.vector_load %arg10[%get3A_1943, %get3A_1944] {strides = array<i32>} : memref<640x64xf32, #tpu.memory_space<vmem>>, vector<1x16xf32>,
        %get3A_1946 = vector.shape_cast %get3A_1945 : vector<1x16xf32> to vector<16xf32>
        %mul3A_1947 = arith.mulf %get3A_1946, %get3A_124 : vector<16xf32>
        %add3A_1948 = arith.addf %mul3A_1942, %mul3A_1947 : vector<16xf32>
        %get3A_1949 = arith.index_cast %add3A_1937 : i32 to index
        %get3A_1950 = arith.constant 32 : index
        %get3A_1951 = tpu.vector_load %arg10[%get3A_1949, %get3A_1950] {strides = array<i32>} : memref<640x64xf32, #tpu.memory_space<vmem>>, vector<1x16xf32>,
        %get3A_1952 = vector.shape_cast %get3A_1951 : vector<1x16xf32> to vector<16xf32>
        %mul3A_1953 = arith.mulf %get3A_1952, %get3A_128 : vector<16xf32>
        %add3A_1954 = arith.addf %add3A_1948, %mul3A_1953 : vector<16xf32>
        %get3A_1955 = arith.index_cast %add3A_1937 : i32 to index
        %get3A_1956 = arith.constant 48 : index
        %get3A_1957 = tpu.vector_load %arg10[%get3A_1955, %get3A_1956] {strides = array<i32>} : memref<640x64xf32, #tpu.memory_space<vmem>>, vector<1x16xf32>,
        %get3A_1958 = vector.shape_cast %get3A_1957 : vector<1x16xf32> to vector<16xf32>
        %mul3A_1959 = arith.mulf %get3A_1958, %get3A_132 : vector<16xf32>
        %add3A_1960 = arith.addf %add3A_1954, %mul3A_1959 : vector<16xf32>
        %lt3A_1961 = arith.constant 0 : i32
        %lt3A_1962 = vector.broadcast %lt3A_1961 : i32 to vector<16xi32>
        %lt3A_1963 = arith.cmpi slt, %xor3A_99, %lt3A_1962 : vector<16xi32>
        %add3A_1964 = arith.constant 16 : i32
        %add3A_1965 = vector.broadcast %add3A_1964 : i32 to vector<16xi32>
        %add3A_1966 = arith.addi %xor3A_99, %add3A_1965 : vector<16xi32>
        %select_n3A_1967 = arith.select %lt3A_1963, %add3A_1966, %xor3A_99 : vector<16xi1>, vector<16xi32>
        %broadcast_in_dim3A_1968 = vector.shape_cast %select_n3A_1967 : vector<16xi32> to vector<16x1xi32>
        %gather3A_1969 = vector.shape_cast %broadcast_in_dim3A_1968 : vector<16x1xi32> to vector<16xi32>
        %gather3A_1970 = tpu.dynamic_gather %add3A_1960[%gather3A_1969] in [0] : vector<16xf32>, vector<16xi32> -> vector<16xf32>
        %add3A_1971 = arith.addf %add3A_1960, %gather3A_1970 : vector<16xf32>
        %lt3A_1972 = arith.constant 0 : i32
        %lt3A_1973 = vector.broadcast %lt3A_1972 : i32 to vector<16xi32>
        %lt3A_1974 = arith.cmpi slt, %xor3A_102, %lt3A_1973 : vector<16xi32>
        %add3A_1975 = arith.constant 16 : i32
        %add3A_1976 = vector.broadcast %add3A_1975 : i32 to vector<16xi32>
        %add3A_1977 = arith.addi %xor3A_102, %add3A_1976 : vector<16xi32>
        %select_n3A_1978 = arith.select %lt3A_1974, %add3A_1977, %xor3A_102 : vector<16xi1>, vector<16xi32>
        %broadcast_in_dim3A_1979 = vector.shape_cast %select_n3A_1978 : vector<16xi32> to vector<16x1xi32>
        %gather3A_1980 = vector.shape_cast %broadcast_in_dim3A_1979 : vector<16x1xi32> to vector<16xi32>
        %gather3A_1981 = tpu.dynamic_gather %add3A_1971[%gather3A_1980] in [0] : vector<16xf32>, vector<16xi32> -> vector<16xf32>
        %add3A_1982 = arith.addf %add3A_1971, %gather3A_1981 : vector<16xf32>
        %lt3A_1983 = arith.constant 0 : i32
        %lt3A_1984 = vector.broadcast %lt3A_1983 : i32 to vector<16xi32>
        %lt3A_1985 = arith.cmpi slt, %xor3A_105, %lt3A_1984 : vector<16xi32>
        %add3A_1986 = arith.constant 16 : i32
        %add3A_1987 = vector.broadcast %add3A_1986 : i32 to vector<16xi32>
        %add3A_1988 = arith.addi %xor3A_105, %add3A_1987 : vector<16xi32>
        %select_n3A_1989 = arith.select %lt3A_1985, %add3A_1988, %xor3A_105 : vector<16xi1>, vector<16xi32>
        %broadcast_in_dim3A_1990 = vector.shape_cast %select_n3A_1989 : vector<16xi32> to vector<16x1xi32>
        %gather3A_1991 = vector.shape_cast %broadcast_in_dim3A_1990 : vector<16x1xi32> to vector<16xi32>
        %gather3A_1992 = tpu.dynamic_gather %add3A_1982[%gather3A_1991] in [0] : vector<16xf32>, vector<16xi32> -> vector<16xf32>
        %add3A_1993 = arith.addf %add3A_1982, %gather3A_1992 : vector<16xf32>
        %lt3A_1994 = arith.constant 0 : i32
        %lt3A_1995 = vector.broadcast %lt3A_1994 : i32 to vector<16xi32>
        %lt3A_1996 = arith.cmpi slt, %xor3A_108, %lt3A_1995 : vector<16xi32>
        %add3A_1997 = arith.constant 16 : i32
        %add3A_1998 = vector.broadcast %add3A_1997 : i32 to vector<16xi32>
        %add3A_1999 = arith.addi %xor3A_108, %add3A_1998 : vector<16xi32>
        %select_n3A_2000 = arith.select %lt3A_1996, %add3A_1999, %xor3A_108 : vector<16xi1>, vector<16xi32>
        %broadcast_in_dim3A_2001 = vector.shape_cast %select_n3A_2000 : vector<16xi32> to vector<16x1xi32>
        %gather3A_2002 = vector.shape_cast %broadcast_in_dim3A_2001 : vector<16x1xi32> to vector<16xi32>
        %gather3A_2003 = tpu.dynamic_gather %add3A_1993[%gather3A_2002] in [0] : vector<16xf32>, vector<16xi32> -> vector<16xf32>
        %add3A_2004 = arith.addf %add3A_1993, %gather3A_2003 : vector<16xf32>
        %eq3A_2005 = arith.constant 8 : i32
        %eq3A_2006 = vector.broadcast %eq3A_2005 : i32 to vector<16xi32>
        %eq3A_2007 = arith.cmpi eq, %iota3A, %eq3A_2006 : vector<16xi32>
        %select_n3A_2008 = arith.select %eq3A_2007, %add3A_2004, %select_n3A_1933 : vector<16xi1>, vector<16xf32>
        %mul3A_2009 = arith.constant 40 : i32
        %mul3A_2010 = arith.muli %scan3A_117, %mul3A_2009 : i32
        %add3A_2011 = arith.constant 25 : i32
        %add3A_2012 = arith.addi %mul3A_2010, %add3A_2011 : i32
        %get3A_2013 = arith.index_cast %add3A_2012 : i32 to index
        %get3A_2014 = arith.constant 0 : index
        %get3A_2015 = tpu.vector_load %arg10[%get3A_2013, %get3A_2014] {strides = array<i32>} : memref<640x64xf32, #tpu.memory_space<vmem>>, vector<1x16xf32>,
        %get3A_2016 = vector.shape_cast %get3A_2015 : vector<1x16xf32> to vector<16xf32>
        %mul3A_2017 = arith.mulf %get3A_2016, %get3A_120 : vector<16xf32>
        %get3A_2018 = arith.index_cast %add3A_2012 : i32 to index
        %get3A_2019 = arith.constant 16 : index
        %get3A_2020 = tpu.vector_load %arg10[%get3A_2018, %get3A_2019] {strides = array<i32>} : memref<640x64xf32, #tpu.memory_space<vmem>>, vector<1x16xf32>,
        %get3A_2021 = vector.shape_cast %get3A_2020 : vector<1x16xf32> to vector<16xf32>
        %mul3A_2022 = arith.mulf %get3A_2021, %get3A_124 : vector<16xf32>
        %add3A_2023 = arith.addf %mul3A_2017, %mul3A_2022 : vector<16xf32>
        %get3A_2024 = arith.index_cast %add3A_2012 : i32 to index
        %get3A_2025 = arith.constant 32 : index
        %get3A_2026 = tpu.vector_load %arg10[%get3A_2024, %get3A_2025] {strides = array<i32>} : memref<640x64xf32, #tpu.memory_space<vmem>>, vector<1x16xf32>,
        %get3A_2027 = vector.shape_cast %get3A_2026 : vector<1x16xf32> to vector<16xf32>
        %mul3A_2028 = arith.mulf %get3A_2027, %get3A_128 : vector<16xf32>
        %add3A_2029 = arith.addf %add3A_2023, %mul3A_2028 : vector<16xf32>
        %get3A_2030 = arith.index_cast %add3A_2012 : i32 to index
        %get3A_2031 = arith.constant 48 : index
        %get3A_2032 = tpu.vector_load %arg10[%get3A_2030, %get3A_2031] {strides = array<i32>} : memref<640x64xf32, #tpu.memory_space<vmem>>, vector<1x16xf32>,
        %get3A_2033 = vector.shape_cast %get3A_2032 : vector<1x16xf32> to vector<16xf32>
        %mul3A_2034 = arith.mulf %get3A_2033, %get3A_132 : vector<16xf32>
        %add3A_2035 = arith.addf %add3A_2029, %mul3A_2034 : vector<16xf32>
        %lt3A_2036 = arith.constant 0 : i32
        %lt3A_2037 = vector.broadcast %lt3A_2036 : i32 to vector<16xi32>
        %lt3A_2038 = arith.cmpi slt, %xor3A_99, %lt3A_2037 : vector<16xi32>
        %add3A_2039 = arith.constant 16 : i32
        %add3A_2040 = vector.broadcast %add3A_2039 : i32 to vector<16xi32>
        %add3A_2041 = arith.addi %xor3A_99, %add3A_2040 : vector<16xi32>
        %select_n3A_2042 = arith.select %lt3A_2038, %add3A_2041, %xor3A_99 : vector<16xi1>, vector<16xi32>
        %broadcast_in_dim3A_2043 = vector.shape_cast %select_n3A_2042 : vector<16xi32> to vector<16x1xi32>
        %gather3A_2044 = vector.shape_cast %broadcast_in_dim3A_2043 : vector<16x1xi32> to vector<16xi32>
        %gather3A_2045 = tpu.dynamic_gather %add3A_2035[%gather3A_2044] in [0] : vector<16xf32>, vector<16xi32> -> vector<16xf32>
        %add3A_2046 = arith.addf %add3A_2035, %gather3A_2045 : vector<16xf32>
        %lt3A_2047 = arith.constant 0 : i32
        %lt3A_2048 = vector.broadcast %lt3A_2047 : i32 to vector<16xi32>
        %lt3A_2049 = arith.cmpi slt, %xor3A_102, %lt3A_2048 : vector<16xi32>
        %add3A_2050 = arith.constant 16 : i32
        %add3A_2051 = vector.broadcast %add3A_2050 : i32 to vector<16xi32>
        %add3A_2052 = arith.addi %xor3A_102, %add3A_2051 : vector<16xi32>
        %select_n3A_2053 = arith.select %lt3A_2049, %add3A_2052, %xor3A_102 : vector<16xi1>, vector<16xi32>
        %broadcast_in_dim3A_2054 = vector.shape_cast %select_n3A_2053 : vector<16xi32> to vector<16x1xi32>
        %gather3A_2055 = vector.shape_cast %broadcast_in_dim3A_2054 : vector<16x1xi32> to vector<16xi32>
        %gather3A_2056 = tpu.dynamic_gather %add3A_2046[%gather3A_2055] in [0] : vector<16xf32>, vector<16xi32> -> vector<16xf32>
        %add3A_2057 = arith.addf %add3A_2046, %gather3A_2056 : vector<16xf32>
        %lt3A_2058 = arith.constant 0 : i32
        %lt3A_2059 = vector.broadcast %lt3A_2058 : i32 to vector<16xi32>
        %lt3A_2060 = arith.cmpi slt, %xor3A_105, %lt3A_2059 : vector<16xi32>
        %add3A_2061 = arith.constant 16 : i32
        %add3A_2062 = vector.broadcast %add3A_2061 : i32 to vector<16xi32>
        %add3A_2063 = arith.addi %xor3A_105, %add3A_2062 : vector<16xi32>
        %select_n3A_2064 = arith.select %lt3A_2060, %add3A_2063, %xor3A_105 : vector<16xi1>, vector<16xi32>
        %broadcast_in_dim3A_2065 = vector.shape_cast %select_n3A_2064 : vector<16xi32> to vector<16x1xi32>
        %gather3A_2066 = vector.shape_cast %broadcast_in_dim3A_2065 : vector<16x1xi32> to vector<16xi32>
        %gather3A_2067 = tpu.dynamic_gather %add3A_2057[%gather3A_2066] in [0] : vector<16xf32>, vector<16xi32> -> vector<16xf32>
        %add3A_2068 = arith.addf %add3A_2057, %gather3A_2067 : vector<16xf32>
        %lt3A_2069 = arith.constant 0 : i32
        %lt3A_2070 = vector.broadcast %lt3A_2069 : i32 to vector<16xi32>
        %lt3A_2071 = arith.cmpi slt, %xor3A_108, %lt3A_2070 : vector<16xi32>
        %add3A_2072 = arith.constant 16 : i32
        %add3A_2073 = vector.broadcast %add3A_2072 : i32 to vector<16xi32>
        %add3A_2074 = arith.addi %xor3A_108, %add3A_2073 : vector<16xi32>
        %select_n3A_2075 = arith.select %lt3A_2071, %add3A_2074, %xor3A_108 : vector<16xi1>, vector<16xi32>
        %broadcast_in_dim3A_2076 = vector.shape_cast %select_n3A_2075 : vector<16xi32> to vector<16x1xi32>
        %gather3A_2077 = vector.shape_cast %broadcast_in_dim3A_2076 : vector<16x1xi32> to vector<16xi32>
        %gather3A_2078 = tpu.dynamic_gather %add3A_2068[%gather3A_2077] in [0] : vector<16xf32>, vector<16xi32> -> vector<16xf32>
        %add3A_2079 = arith.addf %add3A_2068, %gather3A_2078 : vector<16xf32>
        %eq3A_2080 = arith.constant 9 : i32
        %eq3A_2081 = vector.broadcast %eq3A_2080 : i32 to vector<16xi32>
        %eq3A_2082 = arith.cmpi eq, %iota3A, %eq3A_2081 : vector<16xi32>
        %select_n3A_2083 = arith.select %eq3A_2082, %add3A_2079, %select_n3A_2008 : vector<16xi1>, vector<16xf32>
        %mul3A_2084 = arith.constant 40 : i32
        %mul3A_2085 = arith.muli %scan3A_117, %mul3A_2084 : i32
        %add3A_2086 = arith.constant 26 : i32
        %add3A_2087 = arith.addi %mul3A_2085, %add3A_2086 : i32
        %get3A_2088 = arith.index_cast %add3A_2087 : i32 to index
        %get3A_2089 = arith.constant 0 : index
        %get3A_2090 = tpu.vector_load %arg10[%get3A_2088, %get3A_2089] {strides = array<i32>} : memref<640x64xf32, #tpu.memory_space<vmem>>, vector<1x16xf32>,
        %get3A_2091 = vector.shape_cast %get3A_2090 : vector<1x16xf32> to vector<16xf32>
        %mul3A_2092 = arith.mulf %get3A_2091, %get3A_120 : vector<16xf32>
        %get3A_2093 = arith.index_cast %add3A_2087 : i32 to index
        %get3A_2094 = arith.constant 16 : index
        %get3A_2095 = tpu.vector_load %arg10[%get3A_2093, %get3A_2094] {strides = array<i32>} : memref<640x64xf32, #tpu.memory_space<vmem>>, vector<1x16xf32>,
        %get3A_2096 = vector.shape_cast %get3A_2095 : vector<1x16xf32> to vector<16xf32>
        %mul3A_2097 = arith.mulf %get3A_2096, %get3A_124 : vector<16xf32>
        %add3A_2098 = arith.addf %mul3A_2092, %mul3A_2097 : vector<16xf32>
        %get3A_2099 = arith.index_cast %add3A_2087 : i32 to index
        %get3A_2100 = arith.constant 32 : index
        %get3A_2101 = tpu.vector_load %arg10[%get3A_2099, %get3A_2100] {strides = array<i32>} : memref<640x64xf32, #tpu.memory_space<vmem>>, vector<1x16xf32>,
        %get3A_2102 = vector.shape_cast %get3A_2101 : vector<1x16xf32> to vector<16xf32>
        %mul3A_2103 = arith.mulf %get3A_2102, %get3A_128 : vector<16xf32>
        %add3A_2104 = arith.addf %add3A_2098, %mul3A_2103 : vector<16xf32>
        %get3A_2105 = arith.index_cast %add3A_2087 : i32 to index
        %get3A_2106 = arith.constant 48 : index
        %get3A_2107 = tpu.vector_load %arg10[%get3A_2105, %get3A_2106] {strides = array<i32>} : memref<640x64xf32, #tpu.memory_space<vmem>>, vector<1x16xf32>,
        %get3A_2108 = vector.shape_cast %get3A_2107 : vector<1x16xf32> to vector<16xf32>
        %mul3A_2109 = arith.mulf %get3A_2108, %get3A_132 : vector<16xf32>
        %add3A_2110 = arith.addf %add3A_2104, %mul3A_2109 : vector<16xf32>
        %lt3A_2111 = arith.constant 0 : i32
        %lt3A_2112 = vector.broadcast %lt3A_2111 : i32 to vector<16xi32>
        %lt3A_2113 = arith.cmpi slt, %xor3A_99, %lt3A_2112 : vector<16xi32>
        %add3A_2114 = arith.constant 16 : i32
        %add3A_2115 = vector.broadcast %add3A_2114 : i32 to vector<16xi32>
        %add3A_2116 = arith.addi %xor3A_99, %add3A_2115 : vector<16xi32>
        %select_n3A_2117 = arith.select %lt3A_2113, %add3A_2116, %xor3A_99 : vector<16xi1>, vector<16xi32>
        %broadcast_in_dim3A_2118 = vector.shape_cast %select_n3A_2117 : vector<16xi32> to vector<16x1xi32>
        %gather3A_2119 = vector.shape_cast %broadcast_in_dim3A_2118 : vector<16x1xi32> to vector<16xi32>
        %gather3A_2120 = tpu.dynamic_gather %add3A_2110[%gather3A_2119] in [0] : vector<16xf32>, vector<16xi32> -> vector<16xf32>
        %add3A_2121 = arith.addf %add3A_2110, %gather3A_2120 : vector<16xf32>
        %lt3A_2122 = arith.constant 0 : i32
        %lt3A_2123 = vector.broadcast %lt3A_2122 : i32 to vector<16xi32>
        %lt3A_2124 = arith.cmpi slt, %xor3A_102, %lt3A_2123 : vector<16xi32>
        %add3A_2125 = arith.constant 16 : i32
        %add3A_2126 = vector.broadcast %add3A_2125 : i32 to vector<16xi32>
        %add3A_2127 = arith.addi %xor3A_102, %add3A_2126 : vector<16xi32>
        %select_n3A_2128 = arith.select %lt3A_2124, %add3A_2127, %xor3A_102 : vector<16xi1>, vector<16xi32>
        %broadcast_in_dim3A_2129 = vector.shape_cast %select_n3A_2128 : vector<16xi32> to vector<16x1xi32>
        %gather3A_2130 = vector.shape_cast %broadcast_in_dim3A_2129 : vector<16x1xi32> to vector<16xi32>
        %gather3A_2131 = tpu.dynamic_gather %add3A_2121[%gather3A_2130] in [0] : vector<16xf32>, vector<16xi32> -> vector<16xf32>
        %add3A_2132 = arith.addf %add3A_2121, %gather3A_2131 : vector<16xf32>
        %lt3A_2133 = arith.constant 0 : i32
        %lt3A_2134 = vector.broadcast %lt3A_2133 : i32 to vector<16xi32>
        %lt3A_2135 = arith.cmpi slt, %xor3A_105, %lt3A_2134 : vector<16xi32>
        %add3A_2136 = arith.constant 16 : i32
        %add3A_2137 = vector.broadcast %add3A_2136 : i32 to vector<16xi32>
        %add3A_2138 = arith.addi %xor3A_105, %add3A_2137 : vector<16xi32>
        %select_n3A_2139 = arith.select %lt3A_2135, %add3A_2138, %xor3A_105 : vector<16xi1>, vector<16xi32>
        %broadcast_in_dim3A_2140 = vector.shape_cast %select_n3A_2139 : vector<16xi32> to vector<16x1xi32>
        %gather3A_2141 = vector.shape_cast %broadcast_in_dim3A_2140 : vector<16x1xi32> to vector<16xi32>
        %gather3A_2142 = tpu.dynamic_gather %add3A_2132[%gather3A_2141] in [0] : vector<16xf32>, vector<16xi32> -> vector<16xf32>
        %add3A_2143 = arith.addf %add3A_2132, %gather3A_2142 : vector<16xf32>
        %lt3A_2144 = arith.constant 0 : i32
        %lt3A_2145 = vector.broadcast %lt3A_2144 : i32 to vector<16xi32>
        %lt3A_2146 = arith.cmpi slt, %xor3A_108, %lt3A_2145 : vector<16xi32>
        %add3A_2147 = arith.constant 16 : i32
        %add3A_2148 = vector.broadcast %add3A_2147 : i32 to vector<16xi32>
        %add3A_2149 = arith.addi %xor3A_108, %add3A_2148 : vector<16xi32>
        %select_n3A_2150 = arith.select %lt3A_2146, %add3A_2149, %xor3A_108 : vector<16xi1>, vector<16xi32>
        %broadcast_in_dim3A_2151 = vector.shape_cast %select_n3A_2150 : vector<16xi32> to vector<16x1xi32>
        %gather3A_2152 = vector.shape_cast %broadcast_in_dim3A_2151 : vector<16x1xi32> to vector<16xi32>
        %gather3A_2153 = tpu.dynamic_gather %add3A_2143[%gather3A_2152] in [0] : vector<16xf32>, vector<16xi32> -> vector<16xf32>
        %add3A_2154 = arith.addf %add3A_2143, %gather3A_2153 : vector<16xf32>
        %eq3A_2155 = arith.constant 10 : i32
        %eq3A_2156 = vector.broadcast %eq3A_2155 : i32 to vector<16xi32>
        %eq3A_2157 = arith.cmpi eq, %iota3A, %eq3A_2156 : vector<16xi32>
        %select_n3A_2158 = arith.select %eq3A_2157, %add3A_2154, %select_n3A_2083 : vector<16xi1>, vector<16xf32>
        %mul3A_2159 = arith.constant 40 : i32
        %mul3A_2160 = arith.muli %scan3A_117, %mul3A_2159 : i32
        %add3A_2161 = arith.constant 27 : i32
        %add3A_2162 = arith.addi %mul3A_2160, %add3A_2161 : i32
        %get3A_2163 = arith.index_cast %add3A_2162 : i32 to index
        %get3A_2164 = arith.constant 0 : index
        %get3A_2165 = tpu.vector_load %arg10[%get3A_2163, %get3A_2164] {strides = array<i32>} : memref<640x64xf32, #tpu.memory_space<vmem>>, vector<1x16xf32>,
        %get3A_2166 = vector.shape_cast %get3A_2165 : vector<1x16xf32> to vector<16xf32>
        %mul3A_2167 = arith.mulf %get3A_2166, %get3A_120 : vector<16xf32>
        %get3A_2168 = arith.index_cast %add3A_2162 : i32 to index
        %get3A_2169 = arith.constant 16 : index
        %get3A_2170 = tpu.vector_load %arg10[%get3A_2168, %get3A_2169] {strides = array<i32>} : memref<640x64xf32, #tpu.memory_space<vmem>>, vector<1x16xf32>,
        %get3A_2171 = vector.shape_cast %get3A_2170 : vector<1x16xf32> to vector<16xf32>
        %mul3A_2172 = arith.mulf %get3A_2171, %get3A_124 : vector<16xf32>
        %add3A_2173 = arith.addf %mul3A_2167, %mul3A_2172 : vector<16xf32>
        %get3A_2174 = arith.index_cast %add3A_2162 : i32 to index
        %get3A_2175 = arith.constant 32 : index
        %get3A_2176 = tpu.vector_load %arg10[%get3A_2174, %get3A_2175] {strides = array<i32>} : memref<640x64xf32, #tpu.memory_space<vmem>>, vector<1x16xf32>,
        %get3A_2177 = vector.shape_cast %get3A_2176 : vector<1x16xf32> to vector<16xf32>
        %mul3A_2178 = arith.mulf %get3A_2177, %get3A_128 : vector<16xf32>
        %add3A_2179 = arith.addf %add3A_2173, %mul3A_2178 : vector<16xf32>
        %get3A_2180 = arith.index_cast %add3A_2162 : i32 to index
        %get3A_2181 = arith.constant 48 : index
        %get3A_2182 = tpu.vector_load %arg10[%get3A_2180, %get3A_2181] {strides = array<i32>} : memref<640x64xf32, #tpu.memory_space<vmem>>, vector<1x16xf32>,
        %get3A_2183 = vector.shape_cast %get3A_2182 : vector<1x16xf32> to vector<16xf32>
        %mul3A_2184 = arith.mulf %get3A_2183, %get3A_132 : vector<16xf32>
        %add3A_2185 = arith.addf %add3A_2179, %mul3A_2184 : vector<16xf32>
        %lt3A_2186 = arith.constant 0 : i32
        %lt3A_2187 = vector.broadcast %lt3A_2186 : i32 to vector<16xi32>
        %lt3A_2188 = arith.cmpi slt, %xor3A_99, %lt3A_2187 : vector<16xi32>
        %add3A_2189 = arith.constant 16 : i32
        %add3A_2190 = vector.broadcast %add3A_2189 : i32 to vector<16xi32>
        %add3A_2191 = arith.addi %xor3A_99, %add3A_2190 : vector<16xi32>
        %select_n3A_2192 = arith.select %lt3A_2188, %add3A_2191, %xor3A_99 : vector<16xi1>, vector<16xi32>
        %broadcast_in_dim3A_2193 = vector.shape_cast %select_n3A_2192 : vector<16xi32> to vector<16x1xi32>
        %gather3A_2194 = vector.shape_cast %broadcast_in_dim3A_2193 : vector<16x1xi32> to vector<16xi32>
        %gather3A_2195 = tpu.dynamic_gather %add3A_2185[%gather3A_2194] in [0] : vector<16xf32>, vector<16xi32> -> vector<16xf32>
        %add3A_2196 = arith.addf %add3A_2185, %gather3A_2195 : vector<16xf32>
        %lt3A_2197 = arith.constant 0 : i32
        %lt3A_2198 = vector.broadcast %lt3A_2197 : i32 to vector<16xi32>
        %lt3A_2199 = arith.cmpi slt, %xor3A_102, %lt3A_2198 : vector<16xi32>
        %add3A_2200 = arith.constant 16 : i32
        %add3A_2201 = vector.broadcast %add3A_2200 : i32 to vector<16xi32>
        %add3A_2202 = arith.addi %xor3A_102, %add3A_2201 : vector<16xi32>
        %select_n3A_2203 = arith.select %lt3A_2199, %add3A_2202, %xor3A_102 : vector<16xi1>, vector<16xi32>
        %broadcast_in_dim3A_2204 = vector.shape_cast %select_n3A_2203 : vector<16xi32> to vector<16x1xi32>
        %gather3A_2205 = vector.shape_cast %broadcast_in_dim3A_2204 : vector<16x1xi32> to vector<16xi32>
        %gather3A_2206 = tpu.dynamic_gather %add3A_2196[%gather3A_2205] in [0] : vector<16xf32>, vector<16xi32> -> vector<16xf32>
        %add3A_2207 = arith.addf %add3A_2196, %gather3A_2206 : vector<16xf32>
        %lt3A_2208 = arith.constant 0 : i32
        %lt3A_2209 = vector.broadcast %lt3A_2208 : i32 to vector<16xi32>
        %lt3A_2210 = arith.cmpi slt, %xor3A_105, %lt3A_2209 : vector<16xi32>
        %add3A_2211 = arith.constant 16 : i32
        %add3A_2212 = vector.broadcast %add3A_2211 : i32 to vector<16xi32>
        %add3A_2213 = arith.addi %xor3A_105, %add3A_2212 : vector<16xi32>
        %select_n3A_2214 = arith.select %lt3A_2210, %add3A_2213, %xor3A_105 : vector<16xi1>, vector<16xi32>
        %broadcast_in_dim3A_2215 = vector.shape_cast %select_n3A_2214 : vector<16xi32> to vector<16x1xi32>
        %gather3A_2216 = vector.shape_cast %broadcast_in_dim3A_2215 : vector<16x1xi32> to vector<16xi32>
        %gather3A_2217 = tpu.dynamic_gather %add3A_2207[%gather3A_2216] in [0] : vector<16xf32>, vector<16xi32> -> vector<16xf32>
        %add3A_2218 = arith.addf %add3A_2207, %gather3A_2217 : vector<16xf32>
        %lt3A_2219 = arith.constant 0 : i32
        %lt3A_2220 = vector.broadcast %lt3A_2219 : i32 to vector<16xi32>
        %lt3A_2221 = arith.cmpi slt, %xor3A_108, %lt3A_2220 : vector<16xi32>
        %add3A_2222 = arith.constant 16 : i32
        %add3A_2223 = vector.broadcast %add3A_2222 : i32 to vector<16xi32>
        %add3A_2224 = arith.addi %xor3A_108, %add3A_2223 : vector<16xi32>
        %select_n3A_2225 = arith.select %lt3A_2221, %add3A_2224, %xor3A_108 : vector<16xi1>, vector<16xi32>
        %broadcast_in_dim3A_2226 = vector.shape_cast %select_n3A_2225 : vector<16xi32> to vector<16x1xi32>
        %gather3A_2227 = vector.shape_cast %broadcast_in_dim3A_2226 : vector<16x1xi32> to vector<16xi32>
        %gather3A_2228 = tpu.dynamic_gather %add3A_2218[%gather3A_2227] in [0] : vector<16xf32>, vector<16xi32> -> vector<16xf32>
        %add3A_2229 = arith.addf %add3A_2218, %gather3A_2228 : vector<16xf32>
        %eq3A_2230 = arith.constant 11 : i32
        %eq3A_2231 = vector.broadcast %eq3A_2230 : i32 to vector<16xi32>
        %eq3A_2232 = arith.cmpi eq, %iota3A, %eq3A_2231 : vector<16xi32>
        %select_n3A_2233 = arith.select %eq3A_2232, %add3A_2229, %select_n3A_2158 : vector<16xi1>, vector<16xf32>
        %mul3A_2234 = arith.constant 40 : i32
        %mul3A_2235 = arith.muli %scan3A_117, %mul3A_2234 : i32
        %add3A_2236 = arith.constant 28 : i32
        %add3A_2237 = arith.addi %mul3A_2235, %add3A_2236 : i32
        %get3A_2238 = arith.index_cast %add3A_2237 : i32 to index
        %get3A_2239 = arith.constant 0 : index
        %get3A_2240 = tpu.vector_load %arg10[%get3A_2238, %get3A_2239] {strides = array<i32>} : memref<640x64xf32, #tpu.memory_space<vmem>>, vector<1x16xf32>,
        %get3A_2241 = vector.shape_cast %get3A_2240 : vector<1x16xf32> to vector<16xf32>
        %mul3A_2242 = arith.mulf %get3A_2241, %get3A_120 : vector<16xf32>
        %get3A_2243 = arith.index_cast %add3A_2237 : i32 to index
        %get3A_2244 = arith.constant 16 : index
        %get3A_2245 = tpu.vector_load %arg10[%get3A_2243, %get3A_2244] {strides = array<i32>} : memref<640x64xf32, #tpu.memory_space<vmem>>, vector<1x16xf32>,
        %get3A_2246 = vector.shape_cast %get3A_2245 : vector<1x16xf32> to vector<16xf32>
        %mul3A_2247 = arith.mulf %get3A_2246, %get3A_124 : vector<16xf32>
        %add3A_2248 = arith.addf %mul3A_2242, %mul3A_2247 : vector<16xf32>
        %get3A_2249 = arith.index_cast %add3A_2237 : i32 to index
        %get3A_2250 = arith.constant 32 : index
        %get3A_2251 = tpu.vector_load %arg10[%get3A_2249, %get3A_2250] {strides = array<i32>} : memref<640x64xf32, #tpu.memory_space<vmem>>, vector<1x16xf32>,
        %get3A_2252 = vector.shape_cast %get3A_2251 : vector<1x16xf32> to vector<16xf32>
        %mul3A_2253 = arith.mulf %get3A_2252, %get3A_128 : vector<16xf32>
        %add3A_2254 = arith.addf %add3A_2248, %mul3A_2253 : vector<16xf32>
        %get3A_2255 = arith.index_cast %add3A_2237 : i32 to index
        %get3A_2256 = arith.constant 48 : index
        %get3A_2257 = tpu.vector_load %arg10[%get3A_2255, %get3A_2256] {strides = array<i32>} : memref<640x64xf32, #tpu.memory_space<vmem>>, vector<1x16xf32>,
        %get3A_2258 = vector.shape_cast %get3A_2257 : vector<1x16xf32> to vector<16xf32>
        %mul3A_2259 = arith.mulf %get3A_2258, %get3A_132 : vector<16xf32>
        %add3A_2260 = arith.addf %add3A_2254, %mul3A_2259 : vector<16xf32>
        %lt3A_2261 = arith.constant 0 : i32
        %lt3A_2262 = vector.broadcast %lt3A_2261 : i32 to vector<16xi32>
        %lt3A_2263 = arith.cmpi slt, %xor3A_99, %lt3A_2262 : vector<16xi32>
        %add3A_2264 = arith.constant 16 : i32
        %add3A_2265 = vector.broadcast %add3A_2264 : i32 to vector<16xi32>
        %add3A_2266 = arith.addi %xor3A_99, %add3A_2265 : vector<16xi32>
        %select_n3A_2267 = arith.select %lt3A_2263, %add3A_2266, %xor3A_99 : vector<16xi1>, vector<16xi32>
        %broadcast_in_dim3A_2268 = vector.shape_cast %select_n3A_2267 : vector<16xi32> to vector<16x1xi32>
        %gather3A_2269 = vector.shape_cast %broadcast_in_dim3A_2268 : vector<16x1xi32> to vector<16xi32>
        %gather3A_2270 = tpu.dynamic_gather %add3A_2260[%gather3A_2269] in [0] : vector<16xf32>, vector<16xi32> -> vector<16xf32>
        %add3A_2271 = arith.addf %add3A_2260, %gather3A_2270 : vector<16xf32>
        %lt3A_2272 = arith.constant 0 : i32
        %lt3A_2273 = vector.broadcast %lt3A_2272 : i32 to vector<16xi32>
        %lt3A_2274 = arith.cmpi slt, %xor3A_102, %lt3A_2273 : vector<16xi32>
        %add3A_2275 = arith.constant 16 : i32
        %add3A_2276 = vector.broadcast %add3A_2275 : i32 to vector<16xi32>
        %add3A_2277 = arith.addi %xor3A_102, %add3A_2276 : vector<16xi32>
        %select_n3A_2278 = arith.select %lt3A_2274, %add3A_2277, %xor3A_102 : vector<16xi1>, vector<16xi32>
        %broadcast_in_dim3A_2279 = vector.shape_cast %select_n3A_2278 : vector<16xi32> to vector<16x1xi32>
        %gather3A_2280 = vector.shape_cast %broadcast_in_dim3A_2279 : vector<16x1xi32> to vector<16xi32>
        %gather3A_2281 = tpu.dynamic_gather %add3A_2271[%gather3A_2280] in [0] : vector<16xf32>, vector<16xi32> -> vector<16xf32>
        %add3A_2282 = arith.addf %add3A_2271, %gather3A_2281 : vector<16xf32>
        %lt3A_2283 = arith.constant 0 : i32
        %lt3A_2284 = vector.broadcast %lt3A_2283 : i32 to vector<16xi32>
        %lt3A_2285 = arith.cmpi slt, %xor3A_105, %lt3A_2284 : vector<16xi32>
        %add3A_2286 = arith.constant 16 : i32
        %add3A_2287 = vector.broadcast %add3A_2286 : i32 to vector<16xi32>
        %add3A_2288 = arith.addi %xor3A_105, %add3A_2287 : vector<16xi32>
        %select_n3A_2289 = arith.select %lt3A_2285, %add3A_2288, %xor3A_105 : vector<16xi1>, vector<16xi32>
        %broadcast_in_dim3A_2290 = vector.shape_cast %select_n3A_2289 : vector<16xi32> to vector<16x1xi32>
        %gather3A_2291 = vector.shape_cast %broadcast_in_dim3A_2290 : vector<16x1xi32> to vector<16xi32>
        %gather3A_2292 = tpu.dynamic_gather %add3A_2282[%gather3A_2291] in [0] : vector<16xf32>, vector<16xi32> -> vector<16xf32>
        %add3A_2293 = arith.addf %add3A_2282, %gather3A_2292 : vector<16xf32>
        %lt3A_2294 = arith.constant 0 : i32
        %lt3A_2295 = vector.broadcast %lt3A_2294 : i32 to vector<16xi32>
        %lt3A_2296 = arith.cmpi slt, %xor3A_108, %lt3A_2295 : vector<16xi32>
        %add3A_2297 = arith.constant 16 : i32
        %add3A_2298 = vector.broadcast %add3A_2297 : i32 to vector<16xi32>
        %add3A_2299 = arith.addi %xor3A_108, %add3A_2298 : vector<16xi32>
        %select_n3A_2300 = arith.select %lt3A_2296, %add3A_2299, %xor3A_108 : vector<16xi1>, vector<16xi32>
        %broadcast_in_dim3A_2301 = vector.shape_cast %select_n3A_2300 : vector<16xi32> to vector<16x1xi32>
        %gather3A_2302 = vector.shape_cast %broadcast_in_dim3A_2301 : vector<16x1xi32> to vector<16xi32>
        %gather3A_2303 = tpu.dynamic_gather %add3A_2293[%gather3A_2302] in [0] : vector<16xf32>, vector<16xi32> -> vector<16xf32>
        %add3A_2304 = arith.addf %add3A_2293, %gather3A_2303 : vector<16xf32>
        %eq3A_2305 = arith.constant 12 : i32
        %eq3A_2306 = vector.broadcast %eq3A_2305 : i32 to vector<16xi32>
        %eq3A_2307 = arith.cmpi eq, %iota3A, %eq3A_2306 : vector<16xi32>
        %select_n3A_2308 = arith.select %eq3A_2307, %add3A_2304, %select_n3A_2233 : vector<16xi1>, vector<16xf32>
        %mul3A_2309 = arith.constant 40 : i32
        %mul3A_2310 = arith.muli %scan3A_117, %mul3A_2309 : i32
        %add3A_2311 = arith.constant 29 : i32
        %add3A_2312 = arith.addi %mul3A_2310, %add3A_2311 : i32
        %get3A_2313 = arith.index_cast %add3A_2312 : i32 to index
        %get3A_2314 = arith.constant 0 : index
        %get3A_2315 = tpu.vector_load %arg10[%get3A_2313, %get3A_2314] {strides = array<i32>} : memref<640x64xf32, #tpu.memory_space<vmem>>, vector<1x16xf32>,
        %get3A_2316 = vector.shape_cast %get3A_2315 : vector<1x16xf32> to vector<16xf32>
        %mul3A_2317 = arith.mulf %get3A_2316, %get3A_120 : vector<16xf32>
        %get3A_2318 = arith.index_cast %add3A_2312 : i32 to index
        %get3A_2319 = arith.constant 16 : index
        %get3A_2320 = tpu.vector_load %arg10[%get3A_2318, %get3A_2319] {strides = array<i32>} : memref<640x64xf32, #tpu.memory_space<vmem>>, vector<1x16xf32>,
        %get3A_2321 = vector.shape_cast %get3A_2320 : vector<1x16xf32> to vector<16xf32>
        %mul3A_2322 = arith.mulf %get3A_2321, %get3A_124 : vector<16xf32>
        %add3A_2323 = arith.addf %mul3A_2317, %mul3A_2322 : vector<16xf32>
        %get3A_2324 = arith.index_cast %add3A_2312 : i32 to index
        %get3A_2325 = arith.constant 32 : index
        %get3A_2326 = tpu.vector_load %arg10[%get3A_2324, %get3A_2325] {strides = array<i32>} : memref<640x64xf32, #tpu.memory_space<vmem>>, vector<1x16xf32>,
        %get3A_2327 = vector.shape_cast %get3A_2326 : vector<1x16xf32> to vector<16xf32>
        %mul3A_2328 = arith.mulf %get3A_2327, %get3A_128 : vector<16xf32>
        %add3A_2329 = arith.addf %add3A_2323, %mul3A_2328 : vector<16xf32>
        %get3A_2330 = arith.index_cast %add3A_2312 : i32 to index
        %get3A_2331 = arith.constant 48 : index
        %get3A_2332 = tpu.vector_load %arg10[%get3A_2330, %get3A_2331] {strides = array<i32>} : memref<640x64xf32, #tpu.memory_space<vmem>>, vector<1x16xf32>,
        %get3A_2333 = vector.shape_cast %get3A_2332 : vector<1x16xf32> to vector<16xf32>
        %mul3A_2334 = arith.mulf %get3A_2333, %get3A_132 : vector<16xf32>
        %add3A_2335 = arith.addf %add3A_2329, %mul3A_2334 : vector<16xf32>
        %lt3A_2336 = arith.constant 0 : i32
        %lt3A_2337 = vector.broadcast %lt3A_2336 : i32 to vector<16xi32>
        %lt3A_2338 = arith.cmpi slt, %xor3A_99, %lt3A_2337 : vector<16xi32>
        %add3A_2339 = arith.constant 16 : i32
        %add3A_2340 = vector.broadcast %add3A_2339 : i32 to vector<16xi32>
        %add3A_2341 = arith.addi %xor3A_99, %add3A_2340 : vector<16xi32>
        %select_n3A_2342 = arith.select %lt3A_2338, %add3A_2341, %xor3A_99 : vector<16xi1>, vector<16xi32>
        %broadcast_in_dim3A_2343 = vector.shape_cast %select_n3A_2342 : vector<16xi32> to vector<16x1xi32>
        %gather3A_2344 = vector.shape_cast %broadcast_in_dim3A_2343 : vector<16x1xi32> to vector<16xi32>
        %gather3A_2345 = tpu.dynamic_gather %add3A_2335[%gather3A_2344] in [0] : vector<16xf32>, vector<16xi32> -> vector<16xf32>
        %add3A_2346 = arith.addf %add3A_2335, %gather3A_2345 : vector<16xf32>
        %lt3A_2347 = arith.constant 0 : i32
        %lt3A_2348 = vector.broadcast %lt3A_2347 : i32 to vector<16xi32>
        %lt3A_2349 = arith.cmpi slt, %xor3A_102, %lt3A_2348 : vector<16xi32>
        %add3A_2350 = arith.constant 16 : i32
        %add3A_2351 = vector.broadcast %add3A_2350 : i32 to vector<16xi32>
        %add3A_2352 = arith.addi %xor3A_102, %add3A_2351 : vector<16xi32>
        %select_n3A_2353 = arith.select %lt3A_2349, %add3A_2352, %xor3A_102 : vector<16xi1>, vector<16xi32>
        %broadcast_in_dim3A_2354 = vector.shape_cast %select_n3A_2353 : vector<16xi32> to vector<16x1xi32>
        %gather3A_2355 = vector.shape_cast %broadcast_in_dim3A_2354 : vector<16x1xi32> to vector<16xi32>
        %gather3A_2356 = tpu.dynamic_gather %add3A_2346[%gather3A_2355] in [0] : vector<16xf32>, vector<16xi32> -> vector<16xf32>
        %add3A_2357 = arith.addf %add3A_2346, %gather3A_2356 : vector<16xf32>
        %lt3A_2358 = arith.constant 0 : i32
        %lt3A_2359 = vector.broadcast %lt3A_2358 : i32 to vector<16xi32>
        %lt3A_2360 = arith.cmpi slt, %xor3A_105, %lt3A_2359 : vector<16xi32>
        %add3A_2361 = arith.constant 16 : i32
        %add3A_2362 = vector.broadcast %add3A_2361 : i32 to vector<16xi32>
        %add3A_2363 = arith.addi %xor3A_105, %add3A_2362 : vector<16xi32>
        %select_n3A_2364 = arith.select %lt3A_2360, %add3A_2363, %xor3A_105 : vector<16xi1>, vector<16xi32>
        %broadcast_in_dim3A_2365 = vector.shape_cast %select_n3A_2364 : vector<16xi32> to vector<16x1xi32>
        %gather3A_2366 = vector.shape_cast %broadcast_in_dim3A_2365 : vector<16x1xi32> to vector<16xi32>
        %gather3A_2367 = tpu.dynamic_gather %add3A_2357[%gather3A_2366] in [0] : vector<16xf32>, vector<16xi32> -> vector<16xf32>
        %add3A_2368 = arith.addf %add3A_2357, %gather3A_2367 : vector<16xf32>
        %lt3A_2369 = arith.constant 0 : i32
        %lt3A_2370 = vector.broadcast %lt3A_2369 : i32 to vector<16xi32>
        %lt3A_2371 = arith.cmpi slt, %xor3A_108, %lt3A_2370 : vector<16xi32>
        %add3A_2372 = arith.constant 16 : i32
        %add3A_2373 = vector.broadcast %add3A_2372 : i32 to vector<16xi32>
        %add3A_2374 = arith.addi %xor3A_108, %add3A_2373 : vector<16xi32>
        %select_n3A_2375 = arith.select %lt3A_2371, %add3A_2374, %xor3A_108 : vector<16xi1>, vector<16xi32>
        %broadcast_in_dim3A_2376 = vector.shape_cast %select_n3A_2375 : vector<16xi32> to vector<16x1xi32>
        %gather3A_2377 = vector.shape_cast %broadcast_in_dim3A_2376 : vector<16x1xi32> to vector<16xi32>
        %gather3A_2378 = tpu.dynamic_gather %add3A_2368[%gather3A_2377] in [0] : vector<16xf32>, vector<16xi32> -> vector<16xf32>
        %add3A_2379 = arith.addf %add3A_2368, %gather3A_2378 : vector<16xf32>
        %eq3A_2380 = arith.constant 13 : i32
        %eq3A_2381 = vector.broadcast %eq3A_2380 : i32 to vector<16xi32>
        %eq3A_2382 = arith.cmpi eq, %iota3A, %eq3A_2381 : vector<16xi32>
        %select_n3A_2383 = arith.select %eq3A_2382, %add3A_2379, %select_n3A_2308 : vector<16xi1>, vector<16xf32>
        %mul3A_2384 = arith.constant 40 : i32
        %mul3A_2385 = arith.muli %scan3A_117, %mul3A_2384 : i32
        %add3A_2386 = arith.constant 30 : i32
        %add3A_2387 = arith.addi %mul3A_2385, %add3A_2386 : i32
        %get3A_2388 = arith.index_cast %add3A_2387 : i32 to index
        %get3A_2389 = arith.constant 0 : index
        %get3A_2390 = tpu.vector_load %arg10[%get3A_2388, %get3A_2389] {strides = array<i32>} : memref<640x64xf32, #tpu.memory_space<vmem>>, vector<1x16xf32>,
        %get3A_2391 = vector.shape_cast %get3A_2390 : vector<1x16xf32> to vector<16xf32>
        %mul3A_2392 = arith.mulf %get3A_2391, %get3A_120 : vector<16xf32>
        %get3A_2393 = arith.index_cast %add3A_2387 : i32 to index
        %get3A_2394 = arith.constant 16 : index
        %get3A_2395 = tpu.vector_load %arg10[%get3A_2393, %get3A_2394] {strides = array<i32>} : memref<640x64xf32, #tpu.memory_space<vmem>>, vector<1x16xf32>,
        %get3A_2396 = vector.shape_cast %get3A_2395 : vector<1x16xf32> to vector<16xf32>
        %mul3A_2397 = arith.mulf %get3A_2396, %get3A_124 : vector<16xf32>
        %add3A_2398 = arith.addf %mul3A_2392, %mul3A_2397 : vector<16xf32>
        %get3A_2399 = arith.index_cast %add3A_2387 : i32 to index
        %get3A_2400 = arith.constant 32 : index
        %get3A_2401 = tpu.vector_load %arg10[%get3A_2399, %get3A_2400] {strides = array<i32>} : memref<640x64xf32, #tpu.memory_space<vmem>>, vector<1x16xf32>,
        %get3A_2402 = vector.shape_cast %get3A_2401 : vector<1x16xf32> to vector<16xf32>
        %mul3A_2403 = arith.mulf %get3A_2402, %get3A_128 : vector<16xf32>
        %add3A_2404 = arith.addf %add3A_2398, %mul3A_2403 : vector<16xf32>
        %get3A_2405 = arith.index_cast %add3A_2387 : i32 to index
        %get3A_2406 = arith.constant 48 : index
        %get3A_2407 = tpu.vector_load %arg10[%get3A_2405, %get3A_2406] {strides = array<i32>} : memref<640x64xf32, #tpu.memory_space<vmem>>, vector<1x16xf32>,
        %get3A_2408 = vector.shape_cast %get3A_2407 : vector<1x16xf32> to vector<16xf32>
        %mul3A_2409 = arith.mulf %get3A_2408, %get3A_132 : vector<16xf32>
        %add3A_2410 = arith.addf %add3A_2404, %mul3A_2409 : vector<16xf32>
        %lt3A_2411 = arith.constant 0 : i32
        %lt3A_2412 = vector.broadcast %lt3A_2411 : i32 to vector<16xi32>
        %lt3A_2413 = arith.cmpi slt, %xor3A_99, %lt3A_2412 : vector<16xi32>
        %add3A_2414 = arith.constant 16 : i32
        %add3A_2415 = vector.broadcast %add3A_2414 : i32 to vector<16xi32>
        %add3A_2416 = arith.addi %xor3A_99, %add3A_2415 : vector<16xi32>
        %select_n3A_2417 = arith.select %lt3A_2413, %add3A_2416, %xor3A_99 : vector<16xi1>, vector<16xi32>
        %broadcast_in_dim3A_2418 = vector.shape_cast %select_n3A_2417 : vector<16xi32> to vector<16x1xi32>
        %gather3A_2419 = vector.shape_cast %broadcast_in_dim3A_2418 : vector<16x1xi32> to vector<16xi32>
        %gather3A_2420 = tpu.dynamic_gather %add3A_2410[%gather3A_2419] in [0] : vector<16xf32>, vector<16xi32> -> vector<16xf32>
        %add3A_2421 = arith.addf %add3A_2410, %gather3A_2420 : vector<16xf32>
        %lt3A_2422 = arith.constant 0 : i32
        %lt3A_2423 = vector.broadcast %lt3A_2422 : i32 to vector<16xi32>
        %lt3A_2424 = arith.cmpi slt, %xor3A_102, %lt3A_2423 : vector<16xi32>
        %add3A_2425 = arith.constant 16 : i32
        %add3A_2426 = vector.broadcast %add3A_2425 : i32 to vector<16xi32>
        %add3A_2427 = arith.addi %xor3A_102, %add3A_2426 : vector<16xi32>
        %select_n3A_2428 = arith.select %lt3A_2424, %add3A_2427, %xor3A_102 : vector<16xi1>, vector<16xi32>
        %broadcast_in_dim3A_2429 = vector.shape_cast %select_n3A_2428 : vector<16xi32> to vector<16x1xi32>
        %gather3A_2430 = vector.shape_cast %broadcast_in_dim3A_2429 : vector<16x1xi32> to vector<16xi32>
        %gather3A_2431 = tpu.dynamic_gather %add3A_2421[%gather3A_2430] in [0] : vector<16xf32>, vector<16xi32> -> vector<16xf32>
        %add3A_2432 = arith.addf %add3A_2421, %gather3A_2431 : vector<16xf32>
        %lt3A_2433 = arith.constant 0 : i32
        %lt3A_2434 = vector.broadcast %lt3A_2433 : i32 to vector<16xi32>
        %lt3A_2435 = arith.cmpi slt, %xor3A_105, %lt3A_2434 : vector<16xi32>
        %add3A_2436 = arith.constant 16 : i32
        %add3A_2437 = vector.broadcast %add3A_2436 : i32 to vector<16xi32>
        %add3A_2438 = arith.addi %xor3A_105, %add3A_2437 : vector<16xi32>
        %select_n3A_2439 = arith.select %lt3A_2435, %add3A_2438, %xor3A_105 : vector<16xi1>, vector<16xi32>
        %broadcast_in_dim3A_2440 = vector.shape_cast %select_n3A_2439 : vector<16xi32> to vector<16x1xi32>
        %gather3A_2441 = vector.shape_cast %broadcast_in_dim3A_2440 : vector<16x1xi32> to vector<16xi32>
        %gather3A_2442 = tpu.dynamic_gather %add3A_2432[%gather3A_2441] in [0] : vector<16xf32>, vector<16xi32> -> vector<16xf32>
        %add3A_2443 = arith.addf %add3A_2432, %gather3A_2442 : vector<16xf32>
        %lt3A_2444 = arith.constant 0 : i32
        %lt3A_2445 = vector.broadcast %lt3A_2444 : i32 to vector<16xi32>
        %lt3A_2446 = arith.cmpi slt, %xor3A_108, %lt3A_2445 : vector<16xi32>
        %add3A_2447 = arith.constant 16 : i32
        %add3A_2448 = vector.broadcast %add3A_2447 : i32 to vector<16xi32>
        %add3A_2449 = arith.addi %xor3A_108, %add3A_2448 : vector<16xi32>
        %select_n3A_2450 = arith.select %lt3A_2446, %add3A_2449, %xor3A_108 : vector<16xi1>, vector<16xi32>
        %broadcast_in_dim3A_2451 = vector.shape_cast %select_n3A_2450 : vector<16xi32> to vector<16x1xi32>
        %gather3A_2452 = vector.shape_cast %broadcast_in_dim3A_2451 : vector<16x1xi32> to vector<16xi32>
        %gather3A_2453 = tpu.dynamic_gather %add3A_2443[%gather3A_2452] in [0] : vector<16xf32>, vector<16xi32> -> vector<16xf32>
        %add3A_2454 = arith.addf %add3A_2443, %gather3A_2453 : vector<16xf32>
        %eq3A_2455 = arith.constant 14 : i32
        %eq3A_2456 = vector.broadcast %eq3A_2455 : i32 to vector<16xi32>
        %eq3A_2457 = arith.cmpi eq, %iota3A, %eq3A_2456 : vector<16xi32>
        %select_n3A_2458 = arith.select %eq3A_2457, %add3A_2454, %select_n3A_2383 : vector<16xi1>, vector<16xf32>
        %mul3A_2459 = arith.constant 40 : i32
        %mul3A_2460 = arith.muli %scan3A_117, %mul3A_2459 : i32
        %add3A_2461 = arith.constant 31 : i32
        %add3A_2462 = arith.addi %mul3A_2460, %add3A_2461 : i32
        %get3A_2463 = arith.index_cast %add3A_2462 : i32 to index
        %get3A_2464 = arith.constant 0 : index
        %get3A_2465 = tpu.vector_load %arg10[%get3A_2463, %get3A_2464] {strides = array<i32>} : memref<640x64xf32, #tpu.memory_space<vmem>>, vector<1x16xf32>,
        %get3A_2466 = vector.shape_cast %get3A_2465 : vector<1x16xf32> to vector<16xf32>
        %mul3A_2467 = arith.mulf %get3A_2466, %get3A_120 : vector<16xf32>
        %get3A_2468 = arith.index_cast %add3A_2462 : i32 to index
        %get3A_2469 = arith.constant 16 : index
        %get3A_2470 = tpu.vector_load %arg10[%get3A_2468, %get3A_2469] {strides = array<i32>} : memref<640x64xf32, #tpu.memory_space<vmem>>, vector<1x16xf32>,
        %get3A_2471 = vector.shape_cast %get3A_2470 : vector<1x16xf32> to vector<16xf32>
        %mul3A_2472 = arith.mulf %get3A_2471, %get3A_124 : vector<16xf32>
        %add3A_2473 = arith.addf %mul3A_2467, %mul3A_2472 : vector<16xf32>
        %get3A_2474 = arith.index_cast %add3A_2462 : i32 to index
        %get3A_2475 = arith.constant 32 : index
        %get3A_2476 = tpu.vector_load %arg10[%get3A_2474, %get3A_2475] {strides = array<i32>} : memref<640x64xf32, #tpu.memory_space<vmem>>, vector<1x16xf32>,
        %get3A_2477 = vector.shape_cast %get3A_2476 : vector<1x16xf32> to vector<16xf32>
        %mul3A_2478 = arith.mulf %get3A_2477, %get3A_128 : vector<16xf32>
        %add3A_2479 = arith.addf %add3A_2473, %mul3A_2478 : vector<16xf32>
        %get3A_2480 = arith.index_cast %add3A_2462 : i32 to index
        %get3A_2481 = arith.constant 48 : index
        %get3A_2482 = tpu.vector_load %arg10[%get3A_2480, %get3A_2481] {strides = array<i32>} : memref<640x64xf32, #tpu.memory_space<vmem>>, vector<1x16xf32>,
        %get3A_2483 = vector.shape_cast %get3A_2482 : vector<1x16xf32> to vector<16xf32>
        %mul3A_2484 = arith.mulf %get3A_2483, %get3A_132 : vector<16xf32>
        %add3A_2485 = arith.addf %add3A_2479, %mul3A_2484 : vector<16xf32>
        %lt3A_2486 = arith.constant 0 : i32
        %lt3A_2487 = vector.broadcast %lt3A_2486 : i32 to vector<16xi32>
        %lt3A_2488 = arith.cmpi slt, %xor3A_99, %lt3A_2487 : vector<16xi32>
        %add3A_2489 = arith.constant 16 : i32
        %add3A_2490 = vector.broadcast %add3A_2489 : i32 to vector<16xi32>
        %add3A_2491 = arith.addi %xor3A_99, %add3A_2490 : vector<16xi32>
        %select_n3A_2492 = arith.select %lt3A_2488, %add3A_2491, %xor3A_99 : vector<16xi1>, vector<16xi32>
        %broadcast_in_dim3A_2493 = vector.shape_cast %select_n3A_2492 : vector<16xi32> to vector<16x1xi32>
        %gather3A_2494 = vector.shape_cast %broadcast_in_dim3A_2493 : vector<16x1xi32> to vector<16xi32>
        %gather3A_2495 = tpu.dynamic_gather %add3A_2485[%gather3A_2494] in [0] : vector<16xf32>, vector<16xi32> -> vector<16xf32>
        %add3A_2496 = arith.addf %add3A_2485, %gather3A_2495 : vector<16xf32>
        %lt3A_2497 = arith.constant 0 : i32
        %lt3A_2498 = vector.broadcast %lt3A_2497 : i32 to vector<16xi32>
        %lt3A_2499 = arith.cmpi slt, %xor3A_102, %lt3A_2498 : vector<16xi32>
        %add3A_2500 = arith.constant 16 : i32
        %add3A_2501 = vector.broadcast %add3A_2500 : i32 to vector<16xi32>
        %add3A_2502 = arith.addi %xor3A_102, %add3A_2501 : vector<16xi32>
        %select_n3A_2503 = arith.select %lt3A_2499, %add3A_2502, %xor3A_102 : vector<16xi1>, vector<16xi32>
        %broadcast_in_dim3A_2504 = vector.shape_cast %select_n3A_2503 : vector<16xi32> to vector<16x1xi32>
        %gather3A_2505 = vector.shape_cast %broadcast_in_dim3A_2504 : vector<16x1xi32> to vector<16xi32>
        %gather3A_2506 = tpu.dynamic_gather %add3A_2496[%gather3A_2505] in [0] : vector<16xf32>, vector<16xi32> -> vector<16xf32>
        %add3A_2507 = arith.addf %add3A_2496, %gather3A_2506 : vector<16xf32>
        %lt3A_2508 = arith.constant 0 : i32
        %lt3A_2509 = vector.broadcast %lt3A_2508 : i32 to vector<16xi32>
        %lt3A_2510 = arith.cmpi slt, %xor3A_105, %lt3A_2509 : vector<16xi32>
        %add3A_2511 = arith.constant 16 : i32
        %add3A_2512 = vector.broadcast %add3A_2511 : i32 to vector<16xi32>
        %add3A_2513 = arith.addi %xor3A_105, %add3A_2512 : vector<16xi32>
        %select_n3A_2514 = arith.select %lt3A_2510, %add3A_2513, %xor3A_105 : vector<16xi1>, vector<16xi32>
        %broadcast_in_dim3A_2515 = vector.shape_cast %select_n3A_2514 : vector<16xi32> to vector<16x1xi32>
        %gather3A_2516 = vector.shape_cast %broadcast_in_dim3A_2515 : vector<16x1xi32> to vector<16xi32>
        %gather3A_2517 = tpu.dynamic_gather %add3A_2507[%gather3A_2516] in [0] : vector<16xf32>, vector<16xi32> -> vector<16xf32>
        %add3A_2518 = arith.addf %add3A_2507, %gather3A_2517 : vector<16xf32>
        %lt3A_2519 = arith.constant 0 : i32
        %lt3A_2520 = vector.broadcast %lt3A_2519 : i32 to vector<16xi32>
        %lt3A_2521 = arith.cmpi slt, %xor3A_108, %lt3A_2520 : vector<16xi32>
        %add3A_2522 = arith.constant 16 : i32
        %add3A_2523 = vector.broadcast %add3A_2522 : i32 to vector<16xi32>
        %add3A_2524 = arith.addi %xor3A_108, %add3A_2523 : vector<16xi32>
        %select_n3A_2525 = arith.select %lt3A_2521, %add3A_2524, %xor3A_108 : vector<16xi1>, vector<16xi32>
        %broadcast_in_dim3A_2526 = vector.shape_cast %select_n3A_2525 : vector<16xi32> to vector<16x1xi32>
        %gather3A_2527 = vector.shape_cast %broadcast_in_dim3A_2526 : vector<16x1xi32> to vector<16xi32>
        %gather3A_2528 = tpu.dynamic_gather %add3A_2518[%gather3A_2527] in [0] : vector<16xf32>, vector<16xi32> -> vector<16xf32>
        %add3A_2529 = arith.addf %add3A_2518, %gather3A_2528 : vector<16xf32>
        %eq3A_2530 = arith.constant 15 : i32
        %eq3A_2531 = vector.broadcast %eq3A_2530 : i32 to vector<16xi32>
        %eq3A_2532 = arith.cmpi eq, %iota3A, %eq3A_2531 : vector<16xi32>
        %select_n3A_2533 = arith.select %eq3A_2532, %add3A_2529, %select_n3A_2458 : vector<16xi1>, vector<16xf32>
        %mul3A_2534 = arith.constant 40 : i32
        %mul3A_2535 = arith.muli %scan3A_117, %mul3A_2534 : i32
        %add3A_2536 = arith.constant 32 : i32
        %add3A_2537 = arith.addi %mul3A_2535, %add3A_2536 : i32
        %get3A_2538 = arith.index_cast %add3A_2537 : i32 to index
        %get3A_2539 = arith.constant 0 : index
        %get3A_2540 = tpu.vector_load %arg10[%get3A_2538, %get3A_2539] {strides = array<i32>} : memref<640x64xf32, #tpu.memory_space<vmem>>, vector<1x16xf32>,
        %get3A_2541 = vector.shape_cast %get3A_2540 : vector<1x16xf32> to vector<16xf32>
        %mul3A_2542 = arith.mulf %get3A_2541, %get3A_120 : vector<16xf32>
        %get3A_2543 = arith.index_cast %add3A_2537 : i32 to index
        %get3A_2544 = arith.constant 16 : index
        %get3A_2545 = tpu.vector_load %arg10[%get3A_2543, %get3A_2544] {strides = array<i32>} : memref<640x64xf32, #tpu.memory_space<vmem>>, vector<1x16xf32>,
        %get3A_2546 = vector.shape_cast %get3A_2545 : vector<1x16xf32> to vector<16xf32>
        %mul3A_2547 = arith.mulf %get3A_2546, %get3A_124 : vector<16xf32>
        %add3A_2548 = arith.addf %mul3A_2542, %mul3A_2547 : vector<16xf32>
        %get3A_2549 = arith.index_cast %add3A_2537 : i32 to index
        %get3A_2550 = arith.constant 32 : index
        %get3A_2551 = tpu.vector_load %arg10[%get3A_2549, %get3A_2550] {strides = array<i32>} : memref<640x64xf32, #tpu.memory_space<vmem>>, vector<1x16xf32>,
        %get3A_2552 = vector.shape_cast %get3A_2551 : vector<1x16xf32> to vector<16xf32>
        %mul3A_2553 = arith.mulf %get3A_2552, %get3A_128 : vector<16xf32>
        %add3A_2554 = arith.addf %add3A_2548, %mul3A_2553 : vector<16xf32>
        %get3A_2555 = arith.index_cast %add3A_2537 : i32 to index
        %get3A_2556 = arith.constant 48 : index
        %get3A_2557 = tpu.vector_load %arg10[%get3A_2555, %get3A_2556] {strides = array<i32>} : memref<640x64xf32, #tpu.memory_space<vmem>>, vector<1x16xf32>,
        %get3A_2558 = vector.shape_cast %get3A_2557 : vector<1x16xf32> to vector<16xf32>
        %mul3A_2559 = arith.mulf %get3A_2558, %get3A_132 : vector<16xf32>
        %add3A_2560 = arith.addf %add3A_2554, %mul3A_2559 : vector<16xf32>
        %lt3A_2561 = arith.constant 0 : i32
        %lt3A_2562 = vector.broadcast %lt3A_2561 : i32 to vector<16xi32>
        %lt3A_2563 = arith.cmpi slt, %xor3A_99, %lt3A_2562 : vector<16xi32>
        %add3A_2564 = arith.constant 16 : i32
        %add3A_2565 = vector.broadcast %add3A_2564 : i32 to vector<16xi32>
        %add3A_2566 = arith.addi %xor3A_99, %add3A_2565 : vector<16xi32>
        %select_n3A_2567 = arith.select %lt3A_2563, %add3A_2566, %xor3A_99 : vector<16xi1>, vector<16xi32>
        %broadcast_in_dim3A_2568 = vector.shape_cast %select_n3A_2567 : vector<16xi32> to vector<16x1xi32>
        %gather3A_2569 = vector.shape_cast %broadcast_in_dim3A_2568 : vector<16x1xi32> to vector<16xi32>
        %gather3A_2570 = tpu.dynamic_gather %add3A_2560[%gather3A_2569] in [0] : vector<16xf32>, vector<16xi32> -> vector<16xf32>
        %add3A_2571 = arith.addf %add3A_2560, %gather3A_2570 : vector<16xf32>
        %lt3A_2572 = arith.constant 0 : i32
        %lt3A_2573 = vector.broadcast %lt3A_2572 : i32 to vector<16xi32>
        %lt3A_2574 = arith.cmpi slt, %xor3A_102, %lt3A_2573 : vector<16xi32>
        %add3A_2575 = arith.constant 16 : i32
        %add3A_2576 = vector.broadcast %add3A_2575 : i32 to vector<16xi32>
        %add3A_2577 = arith.addi %xor3A_102, %add3A_2576 : vector<16xi32>
        %select_n3A_2578 = arith.select %lt3A_2574, %add3A_2577, %xor3A_102 : vector<16xi1>, vector<16xi32>
        %broadcast_in_dim3A_2579 = vector.shape_cast %select_n3A_2578 : vector<16xi32> to vector<16x1xi32>
        %gather3A_2580 = vector.shape_cast %broadcast_in_dim3A_2579 : vector<16x1xi32> to vector<16xi32>
        %gather3A_2581 = tpu.dynamic_gather %add3A_2571[%gather3A_2580] in [0] : vector<16xf32>, vector<16xi32> -> vector<16xf32>
        %add3A_2582 = arith.addf %add3A_2571, %gather3A_2581 : vector<16xf32>
        %lt3A_2583 = arith.constant 0 : i32
        %lt3A_2584 = vector.broadcast %lt3A_2583 : i32 to vector<16xi32>
        %lt3A_2585 = arith.cmpi slt, %xor3A_105, %lt3A_2584 : vector<16xi32>
        %add3A_2586 = arith.constant 16 : i32
        %add3A_2587 = vector.broadcast %add3A_2586 : i32 to vector<16xi32>
        %add3A_2588 = arith.addi %xor3A_105, %add3A_2587 : vector<16xi32>
        %select_n3A_2589 = arith.select %lt3A_2585, %add3A_2588, %xor3A_105 : vector<16xi1>, vector<16xi32>
        %broadcast_in_dim3A_2590 = vector.shape_cast %select_n3A_2589 : vector<16xi32> to vector<16x1xi32>
        %gather3A_2591 = vector.shape_cast %broadcast_in_dim3A_2590 : vector<16x1xi32> to vector<16xi32>
        %gather3A_2592 = tpu.dynamic_gather %add3A_2582[%gather3A_2591] in [0] : vector<16xf32>, vector<16xi32> -> vector<16xf32>
        %add3A_2593 = arith.addf %add3A_2582, %gather3A_2592 : vector<16xf32>
        %lt3A_2594 = arith.constant 0 : i32
        %lt3A_2595 = vector.broadcast %lt3A_2594 : i32 to vector<16xi32>
        %lt3A_2596 = arith.cmpi slt, %xor3A_108, %lt3A_2595 : vector<16xi32>
        %add3A_2597 = arith.constant 16 : i32
        %add3A_2598 = vector.broadcast %add3A_2597 : i32 to vector<16xi32>
        %add3A_2599 = arith.addi %xor3A_108, %add3A_2598 : vector<16xi32>
        %select_n3A_2600 = arith.select %lt3A_2596, %add3A_2599, %xor3A_108 : vector<16xi1>, vector<16xi32>
        %broadcast_in_dim3A_2601 = vector.shape_cast %select_n3A_2600 : vector<16xi32> to vector<16x1xi32>
        %gather3A_2602 = vector.shape_cast %broadcast_in_dim3A_2601 : vector<16x1xi32> to vector<16xi32>
        %gather3A_2603 = tpu.dynamic_gather %add3A_2593[%gather3A_2602] in [0] : vector<16xf32>, vector<16xi32> -> vector<16xf32>
        %add3A_2604 = arith.addf %add3A_2593, %gather3A_2603 : vector<16xf32>
        %eq3A_2605 = arith.constant 0 : i32
        %eq3A_2606 = vector.broadcast %eq3A_2605 : i32 to vector<16xi32>
        %eq3A_2607 = arith.cmpi eq, %iota3A, %eq3A_2606 : vector<16xi32>
        %select_n3A_2608 = arith.select %eq3A_2607, %add3A_2604, %broadcast_in_dim3A_137 : vector<16xi1>, vector<16xf32>
        %mul3A_2609 = arith.constant 40 : i32
        %mul3A_2610 = arith.muli %scan3A_117, %mul3A_2609 : i32
        %add3A_2611 = arith.constant 33 : i32
        %add3A_2612 = arith.addi %mul3A_2610, %add3A_2611 : i32
        %get3A_2613 = arith.index_cast %add3A_2612 : i32 to index
        %get3A_2614 = arith.constant 0 : index
        %get3A_2615 = tpu.vector_load %arg10[%get3A_2613, %get3A_2614] {strides = array<i32>} : memref<640x64xf32, #tpu.memory_space<vmem>>, vector<1x16xf32>,
        %get3A_2616 = vector.shape_cast %get3A_2615 : vector<1x16xf32> to vector<16xf32>
        %mul3A_2617 = arith.mulf %get3A_2616, %get3A_120 : vector<16xf32>
        %get3A_2618 = arith.index_cast %add3A_2612 : i32 to index
        %get3A_2619 = arith.constant 16 : index
        %get3A_2620 = tpu.vector_load %arg10[%get3A_2618, %get3A_2619] {strides = array<i32>} : memref<640x64xf32, #tpu.memory_space<vmem>>, vector<1x16xf32>,
        %get3A_2621 = vector.shape_cast %get3A_2620 : vector<1x16xf32> to vector<16xf32>
        %mul3A_2622 = arith.mulf %get3A_2621, %get3A_124 : vector<16xf32>
        %add3A_2623 = arith.addf %mul3A_2617, %mul3A_2622 : vector<16xf32>
        %get3A_2624 = arith.index_cast %add3A_2612 : i32 to index
        %get3A_2625 = arith.constant 32 : index
        %get3A_2626 = tpu.vector_load %arg10[%get3A_2624, %get3A_2625] {strides = array<i32>} : memref<640x64xf32, #tpu.memory_space<vmem>>, vector<1x16xf32>,
        %get3A_2627 = vector.shape_cast %get3A_2626 : vector<1x16xf32> to vector<16xf32>
        %mul3A_2628 = arith.mulf %get3A_2627, %get3A_128 : vector<16xf32>
        %add3A_2629 = arith.addf %add3A_2623, %mul3A_2628 : vector<16xf32>
        %get3A_2630 = arith.index_cast %add3A_2612 : i32 to index
        %get3A_2631 = arith.constant 48 : index
        %get3A_2632 = tpu.vector_load %arg10[%get3A_2630, %get3A_2631] {strides = array<i32>} : memref<640x64xf32, #tpu.memory_space<vmem>>, vector<1x16xf32>,
        %get3A_2633 = vector.shape_cast %get3A_2632 : vector<1x16xf32> to vector<16xf32>
        %mul3A_2634 = arith.mulf %get3A_2633, %get3A_132 : vector<16xf32>
        %add3A_2635 = arith.addf %add3A_2629, %mul3A_2634 : vector<16xf32>
        %lt3A_2636 = arith.constant 0 : i32
        %lt3A_2637 = vector.broadcast %lt3A_2636 : i32 to vector<16xi32>
        %lt3A_2638 = arith.cmpi slt, %xor3A_99, %lt3A_2637 : vector<16xi32>
        %add3A_2639 = arith.constant 16 : i32
        %add3A_2640 = vector.broadcast %add3A_2639 : i32 to vector<16xi32>
        %add3A_2641 = arith.addi %xor3A_99, %add3A_2640 : vector<16xi32>
        %select_n3A_2642 = arith.select %lt3A_2638, %add3A_2641, %xor3A_99 : vector<16xi1>, vector<16xi32>
        %broadcast_in_dim3A_2643 = vector.shape_cast %select_n3A_2642 : vector<16xi32> to vector<16x1xi32>
        %gather3A_2644 = vector.shape_cast %broadcast_in_dim3A_2643 : vector<16x1xi32> to vector<16xi32>
        %gather3A_2645 = tpu.dynamic_gather %add3A_2635[%gather3A_2644] in [0] : vector<16xf32>, vector<16xi32> -> vector<16xf32>
        %add3A_2646 = arith.addf %add3A_2635, %gather3A_2645 : vector<16xf32>
        %lt3A_2647 = arith.constant 0 : i32
        %lt3A_2648 = vector.broadcast %lt3A_2647 : i32 to vector<16xi32>
        %lt3A_2649 = arith.cmpi slt, %xor3A_102, %lt3A_2648 : vector<16xi32>
        %add3A_2650 = arith.constant 16 : i32
        %add3A_2651 = vector.broadcast %add3A_2650 : i32 to vector<16xi32>
        %add3A_2652 = arith.addi %xor3A_102, %add3A_2651 : vector<16xi32>
        %select_n3A_2653 = arith.select %lt3A_2649, %add3A_2652, %xor3A_102 : vector<16xi1>, vector<16xi32>
        %broadcast_in_dim3A_2654 = vector.shape_cast %select_n3A_2653 : vector<16xi32> to vector<16x1xi32>
        %gather3A_2655 = vector.shape_cast %broadcast_in_dim3A_2654 : vector<16x1xi32> to vector<16xi32>
        %gather3A_2656 = tpu.dynamic_gather %add3A_2646[%gather3A_2655] in [0] : vector<16xf32>, vector<16xi32> -> vector<16xf32>
        %add3A_2657 = arith.addf %add3A_2646, %gather3A_2656 : vector<16xf32>
        %lt3A_2658 = arith.constant 0 : i32
        %lt3A_2659 = vector.broadcast %lt3A_2658 : i32 to vector<16xi32>
        %lt3A_2660 = arith.cmpi slt, %xor3A_105, %lt3A_2659 : vector<16xi32>
        %add3A_2661 = arith.constant 16 : i32
        %add3A_2662 = vector.broadcast %add3A_2661 : i32 to vector<16xi32>
        %add3A_2663 = arith.addi %xor3A_105, %add3A_2662 : vector<16xi32>
        %select_n3A_2664 = arith.select %lt3A_2660, %add3A_2663, %xor3A_105 : vector<16xi1>, vector<16xi32>
        %broadcast_in_dim3A_2665 = vector.shape_cast %select_n3A_2664 : vector<16xi32> to vector<16x1xi32>
        %gather3A_2666 = vector.shape_cast %broadcast_in_dim3A_2665 : vector<16x1xi32> to vector<16xi32>
        %gather3A_2667 = tpu.dynamic_gather %add3A_2657[%gather3A_2666] in [0] : vector<16xf32>, vector<16xi32> -> vector<16xf32>
        %add3A_2668 = arith.addf %add3A_2657, %gather3A_2667 : vector<16xf32>
        %lt3A_2669 = arith.constant 0 : i32
        %lt3A_2670 = vector.broadcast %lt3A_2669 : i32 to vector<16xi32>
        %lt3A_2671 = arith.cmpi slt, %xor3A_108, %lt3A_2670 : vector<16xi32>
        %add3A_2672 = arith.constant 16 : i32
        %add3A_2673 = vector.broadcast %add3A_2672 : i32 to vector<16xi32>
        %add3A_2674 = arith.addi %xor3A_108, %add3A_2673 : vector<16xi32>
        %select_n3A_2675 = arith.select %lt3A_2671, %add3A_2674, %xor3A_108 : vector<16xi1>, vector<16xi32>
        %broadcast_in_dim3A_2676 = vector.shape_cast %select_n3A_2675 : vector<16xi32> to vector<16x1xi32>
        %gather3A_2677 = vector.shape_cast %broadcast_in_dim3A_2676 : vector<16x1xi32> to vector<16xi32>
        %gather3A_2678 = tpu.dynamic_gather %add3A_2668[%gather3A_2677] in [0] : vector<16xf32>, vector<16xi32> -> vector<16xf32>
        %add3A_2679 = arith.addf %add3A_2668, %gather3A_2678 : vector<16xf32>
        %eq3A_2680 = arith.constant 1 : i32
        %eq3A_2681 = vector.broadcast %eq3A_2680 : i32 to vector<16xi32>
        %eq3A_2682 = arith.cmpi eq, %iota3A, %eq3A_2681 : vector<16xi32>
        %select_n3A_2683 = arith.select %eq3A_2682, %add3A_2679, %select_n3A_2608 : vector<16xi1>, vector<16xf32>
        %mul3A_2684 = arith.constant 40 : i32
        %mul3A_2685 = arith.muli %scan3A_117, %mul3A_2684 : i32
        %add3A_2686 = arith.constant 34 : i32
        %add3A_2687 = arith.addi %mul3A_2685, %add3A_2686 : i32
        %get3A_2688 = arith.index_cast %add3A_2687 : i32 to index
        %get3A_2689 = arith.constant 0 : index
        %get3A_2690 = tpu.vector_load %arg10[%get3A_2688, %get3A_2689] {strides = array<i32>} : memref<640x64xf32, #tpu.memory_space<vmem>>, vector<1x16xf32>,
        %get3A_2691 = vector.shape_cast %get3A_2690 : vector<1x16xf32> to vector<16xf32>
        %mul3A_2692 = arith.mulf %get3A_2691, %get3A_120 : vector<16xf32>
        %get3A_2693 = arith.index_cast %add3A_2687 : i32 to index
        %get3A_2694 = arith.constant 16 : index
        %get3A_2695 = tpu.vector_load %arg10[%get3A_2693, %get3A_2694] {strides = array<i32>} : memref<640x64xf32, #tpu.memory_space<vmem>>, vector<1x16xf32>,
        %get3A_2696 = vector.shape_cast %get3A_2695 : vector<1x16xf32> to vector<16xf32>
        %mul3A_2697 = arith.mulf %get3A_2696, %get3A_124 : vector<16xf32>
        %add3A_2698 = arith.addf %mul3A_2692, %mul3A_2697 : vector<16xf32>
        %get3A_2699 = arith.index_cast %add3A_2687 : i32 to index
        %get3A_2700 = arith.constant 32 : index
        %get3A_2701 = tpu.vector_load %arg10[%get3A_2699, %get3A_2700] {strides = array<i32>} : memref<640x64xf32, #tpu.memory_space<vmem>>, vector<1x16xf32>,
        %get3A_2702 = vector.shape_cast %get3A_2701 : vector<1x16xf32> to vector<16xf32>
        %mul3A_2703 = arith.mulf %get3A_2702, %get3A_128 : vector<16xf32>
        %add3A_2704 = arith.addf %add3A_2698, %mul3A_2703 : vector<16xf32>
        %get3A_2705 = arith.index_cast %add3A_2687 : i32 to index
        %get3A_2706 = arith.constant 48 : index
        %get3A_2707 = tpu.vector_load %arg10[%get3A_2705, %get3A_2706] {strides = array<i32>} : memref<640x64xf32, #tpu.memory_space<vmem>>, vector<1x16xf32>,
        %get3A_2708 = vector.shape_cast %get3A_2707 : vector<1x16xf32> to vector<16xf32>
        %mul3A_2709 = arith.mulf %get3A_2708, %get3A_132 : vector<16xf32>
        %add3A_2710 = arith.addf %add3A_2704, %mul3A_2709 : vector<16xf32>
        %lt3A_2711 = arith.constant 0 : i32
        %lt3A_2712 = vector.broadcast %lt3A_2711 : i32 to vector<16xi32>
        %lt3A_2713 = arith.cmpi slt, %xor3A_99, %lt3A_2712 : vector<16xi32>
        %add3A_2714 = arith.constant 16 : i32
        %add3A_2715 = vector.broadcast %add3A_2714 : i32 to vector<16xi32>
        %add3A_2716 = arith.addi %xor3A_99, %add3A_2715 : vector<16xi32>
        %select_n3A_2717 = arith.select %lt3A_2713, %add3A_2716, %xor3A_99 : vector<16xi1>, vector<16xi32>
        %broadcast_in_dim3A_2718 = vector.shape_cast %select_n3A_2717 : vector<16xi32> to vector<16x1xi32>
        %gather3A_2719 = vector.shape_cast %broadcast_in_dim3A_2718 : vector<16x1xi32> to vector<16xi32>
        %gather3A_2720 = tpu.dynamic_gather %add3A_2710[%gather3A_2719] in [0] : vector<16xf32>, vector<16xi32> -> vector<16xf32>
        %add3A_2721 = arith.addf %add3A_2710, %gather3A_2720 : vector<16xf32>
        %lt3A_2722 = arith.constant 0 : i32
        %lt3A_2723 = vector.broadcast %lt3A_2722 : i32 to vector<16xi32>
        %lt3A_2724 = arith.cmpi slt, %xor3A_102, %lt3A_2723 : vector<16xi32>
        %add3A_2725 = arith.constant 16 : i32
        %add3A_2726 = vector.broadcast %add3A_2725 : i32 to vector<16xi32>
        %add3A_2727 = arith.addi %xor3A_102, %add3A_2726 : vector<16xi32>
        %select_n3A_2728 = arith.select %lt3A_2724, %add3A_2727, %xor3A_102 : vector<16xi1>, vector<16xi32>
        %broadcast_in_dim3A_2729 = vector.shape_cast %select_n3A_2728 : vector<16xi32> to vector<16x1xi32>
        %gather3A_2730 = vector.shape_cast %broadcast_in_dim3A_2729 : vector<16x1xi32> to vector<16xi32>
        %gather3A_2731 = tpu.dynamic_gather %add3A_2721[%gather3A_2730] in [0] : vector<16xf32>, vector<16xi32> -> vector<16xf32>
        %add3A_2732 = arith.addf %add3A_2721, %gather3A_2731 : vector<16xf32>
        %lt3A_2733 = arith.constant 0 : i32
        %lt3A_2734 = vector.broadcast %lt3A_2733 : i32 to vector<16xi32>
        %lt3A_2735 = arith.cmpi slt, %xor3A_105, %lt3A_2734 : vector<16xi32>
        %add3A_2736 = arith.constant 16 : i32
        %add3A_2737 = vector.broadcast %add3A_2736 : i32 to vector<16xi32>
        %add3A_2738 = arith.addi %xor3A_105, %add3A_2737 : vector<16xi32>
        %select_n3A_2739 = arith.select %lt3A_2735, %add3A_2738, %xor3A_105 : vector<16xi1>, vector<16xi32>
        %broadcast_in_dim3A_2740 = vector.shape_cast %select_n3A_2739 : vector<16xi32> to vector<16x1xi32>
        %gather3A_2741 = vector.shape_cast %broadcast_in_dim3A_2740 : vector<16x1xi32> to vector<16xi32>
        %gather3A_2742 = tpu.dynamic_gather %add3A_2732[%gather3A_2741] in [0] : vector<16xf32>, vector<16xi32> -> vector<16xf32>
        %add3A_2743 = arith.addf %add3A_2732, %gather3A_2742 : vector<16xf32>
        %lt3A_2744 = arith.constant 0 : i32
        %lt3A_2745 = vector.broadcast %lt3A_2744 : i32 to vector<16xi32>
        %lt3A_2746 = arith.cmpi slt, %xor3A_108, %lt3A_2745 : vector<16xi32>
        %add3A_2747 = arith.constant 16 : i32
        %add3A_2748 = vector.broadcast %add3A_2747 : i32 to vector<16xi32>
        %add3A_2749 = arith.addi %xor3A_108, %add3A_2748 : vector<16xi32>
        %select_n3A_2750 = arith.select %lt3A_2746, %add3A_2749, %xor3A_108 : vector<16xi1>, vector<16xi32>
        %broadcast_in_dim3A_2751 = vector.shape_cast %select_n3A_2750 : vector<16xi32> to vector<16x1xi32>
        %gather3A_2752 = vector.shape_cast %broadcast_in_dim3A_2751 : vector<16x1xi32> to vector<16xi32>
        %gather3A_2753 = tpu.dynamic_gather %add3A_2743[%gather3A_2752] in [0] : vector<16xf32>, vector<16xi32> -> vector<16xf32>
        %add3A_2754 = arith.addf %add3A_2743, %gather3A_2753 : vector<16xf32>
        %eq3A_2755 = arith.constant 2 : i32
        %eq3A_2756 = vector.broadcast %eq3A_2755 : i32 to vector<16xi32>
        %eq3A_2757 = arith.cmpi eq, %iota3A, %eq3A_2756 : vector<16xi32>
        %select_n3A_2758 = arith.select %eq3A_2757, %add3A_2754, %select_n3A_2683 : vector<16xi1>, vector<16xf32>
        %mul3A_2759 = arith.constant 40 : i32
        %mul3A_2760 = arith.muli %scan3A_117, %mul3A_2759 : i32
        %add3A_2761 = arith.constant 35 : i32
        %add3A_2762 = arith.addi %mul3A_2760, %add3A_2761 : i32
        %get3A_2763 = arith.index_cast %add3A_2762 : i32 to index
        %get3A_2764 = arith.constant 0 : index
        %get3A_2765 = tpu.vector_load %arg10[%get3A_2763, %get3A_2764] {strides = array<i32>} : memref<640x64xf32, #tpu.memory_space<vmem>>, vector<1x16xf32>,
        %get3A_2766 = vector.shape_cast %get3A_2765 : vector<1x16xf32> to vector<16xf32>
        %mul3A_2767 = arith.mulf %get3A_2766, %get3A_120 : vector<16xf32>
        %get3A_2768 = arith.index_cast %add3A_2762 : i32 to index
        %get3A_2769 = arith.constant 16 : index
        %get3A_2770 = tpu.vector_load %arg10[%get3A_2768, %get3A_2769] {strides = array<i32>} : memref<640x64xf32, #tpu.memory_space<vmem>>, vector<1x16xf32>,
        %get3A_2771 = vector.shape_cast %get3A_2770 : vector<1x16xf32> to vector<16xf32>
        %mul3A_2772 = arith.mulf %get3A_2771, %get3A_124 : vector<16xf32>
        %add3A_2773 = arith.addf %mul3A_2767, %mul3A_2772 : vector<16xf32>
        %get3A_2774 = arith.index_cast %add3A_2762 : i32 to index
        %get3A_2775 = arith.constant 32 : index
        %get3A_2776 = tpu.vector_load %arg10[%get3A_2774, %get3A_2775] {strides = array<i32>} : memref<640x64xf32, #tpu.memory_space<vmem>>, vector<1x16xf32>,
        %get3A_2777 = vector.shape_cast %get3A_2776 : vector<1x16xf32> to vector<16xf32>
        %mul3A_2778 = arith.mulf %get3A_2777, %get3A_128 : vector<16xf32>
        %add3A_2779 = arith.addf %add3A_2773, %mul3A_2778 : vector<16xf32>
        %get3A_2780 = arith.index_cast %add3A_2762 : i32 to index
        %get3A_2781 = arith.constant 48 : index
        %get3A_2782 = tpu.vector_load %arg10[%get3A_2780, %get3A_2781] {strides = array<i32>} : memref<640x64xf32, #tpu.memory_space<vmem>>, vector<1x16xf32>,
        %get3A_2783 = vector.shape_cast %get3A_2782 : vector<1x16xf32> to vector<16xf32>
        %mul3A_2784 = arith.mulf %get3A_2783, %get3A_132 : vector<16xf32>
        %add3A_2785 = arith.addf %add3A_2779, %mul3A_2784 : vector<16xf32>
        %lt3A_2786 = arith.constant 0 : i32
        %lt3A_2787 = vector.broadcast %lt3A_2786 : i32 to vector<16xi32>
        %lt3A_2788 = arith.cmpi slt, %xor3A_99, %lt3A_2787 : vector<16xi32>
        %add3A_2789 = arith.constant 16 : i32
        %add3A_2790 = vector.broadcast %add3A_2789 : i32 to vector<16xi32>
        %add3A_2791 = arith.addi %xor3A_99, %add3A_2790 : vector<16xi32>
        %select_n3A_2792 = arith.select %lt3A_2788, %add3A_2791, %xor3A_99 : vector<16xi1>, vector<16xi32>
        %broadcast_in_dim3A_2793 = vector.shape_cast %select_n3A_2792 : vector<16xi32> to vector<16x1xi32>
        %gather3A_2794 = vector.shape_cast %broadcast_in_dim3A_2793 : vector<16x1xi32> to vector<16xi32>
        %gather3A_2795 = tpu.dynamic_gather %add3A_2785[%gather3A_2794] in [0] : vector<16xf32>, vector<16xi32> -> vector<16xf32>
        %add3A_2796 = arith.addf %add3A_2785, %gather3A_2795 : vector<16xf32>
        %lt3A_2797 = arith.constant 0 : i32
        %lt3A_2798 = vector.broadcast %lt3A_2797 : i32 to vector<16xi32>
        %lt3A_2799 = arith.cmpi slt, %xor3A_102, %lt3A_2798 : vector<16xi32>
        %add3A_2800 = arith.constant 16 : i32
        %add3A_2801 = vector.broadcast %add3A_2800 : i32 to vector<16xi32>
        %add3A_2802 = arith.addi %xor3A_102, %add3A_2801 : vector<16xi32>
        %select_n3A_2803 = arith.select %lt3A_2799, %add3A_2802, %xor3A_102 : vector<16xi1>, vector<16xi32>
        %broadcast_in_dim3A_2804 = vector.shape_cast %select_n3A_2803 : vector<16xi32> to vector<16x1xi32>
        %gather3A_2805 = vector.shape_cast %broadcast_in_dim3A_2804 : vector<16x1xi32> to vector<16xi32>
        %gather3A_2806 = tpu.dynamic_gather %add3A_2796[%gather3A_2805] in [0] : vector<16xf32>, vector<16xi32> -> vector<16xf32>
        %add3A_2807 = arith.addf %add3A_2796, %gather3A_2806 : vector<16xf32>
        %lt3A_2808 = arith.constant 0 : i32
        %lt3A_2809 = vector.broadcast %lt3A_2808 : i32 to vector<16xi32>
        %lt3A_2810 = arith.cmpi slt, %xor3A_105, %lt3A_2809 : vector<16xi32>
        %add3A_2811 = arith.constant 16 : i32
        %add3A_2812 = vector.broadcast %add3A_2811 : i32 to vector<16xi32>
        %add3A_2813 = arith.addi %xor3A_105, %add3A_2812 : vector<16xi32>
        %select_n3A_2814 = arith.select %lt3A_2810, %add3A_2813, %xor3A_105 : vector<16xi1>, vector<16xi32>
        %broadcast_in_dim3A_2815 = vector.shape_cast %select_n3A_2814 : vector<16xi32> to vector<16x1xi32>
        %gather3A_2816 = vector.shape_cast %broadcast_in_dim3A_2815 : vector<16x1xi32> to vector<16xi32>
        %gather3A_2817 = tpu.dynamic_gather %add3A_2807[%gather3A_2816] in [0] : vector<16xf32>, vector<16xi32> -> vector<16xf32>
        %add3A_2818 = arith.addf %add3A_2807, %gather3A_2817 : vector<16xf32>
        %lt3A_2819 = arith.constant 0 : i32
        %lt3A_2820 = vector.broadcast %lt3A_2819 : i32 to vector<16xi32>
        %lt3A_2821 = arith.cmpi slt, %xor3A_108, %lt3A_2820 : vector<16xi32>
        %add3A_2822 = arith.constant 16 : i32
        %add3A_2823 = vector.broadcast %add3A_2822 : i32 to vector<16xi32>
        %add3A_2824 = arith.addi %xor3A_108, %add3A_2823 : vector<16xi32>
        %select_n3A_2825 = arith.select %lt3A_2821, %add3A_2824, %xor3A_108 : vector<16xi1>, vector<16xi32>
        %broadcast_in_dim3A_2826 = vector.shape_cast %select_n3A_2825 : vector<16xi32> to vector<16x1xi32>
        %gather3A_2827 = vector.shape_cast %broadcast_in_dim3A_2826 : vector<16x1xi32> to vector<16xi32>
        %gather3A_2828 = tpu.dynamic_gather %add3A_2818[%gather3A_2827] in [0] : vector<16xf32>, vector<16xi32> -> vector<16xf32>
        %add3A_2829 = arith.addf %add3A_2818, %gather3A_2828 : vector<16xf32>
        %eq3A_2830 = arith.constant 3 : i32
        %eq3A_2831 = vector.broadcast %eq3A_2830 : i32 to vector<16xi32>
        %eq3A_2832 = arith.cmpi eq, %iota3A, %eq3A_2831 : vector<16xi32>
        %select_n3A_2833 = arith.select %eq3A_2832, %add3A_2829, %select_n3A_2758 : vector<16xi1>, vector<16xf32>
        %mul3A_2834 = arith.constant 40 : i32
        %mul3A_2835 = arith.muli %scan3A_117, %mul3A_2834 : i32
        %add3A_2836 = arith.constant 36 : i32
        %add3A_2837 = arith.addi %mul3A_2835, %add3A_2836 : i32
        %get3A_2838 = arith.index_cast %add3A_2837 : i32 to index
        %get3A_2839 = arith.constant 0 : index
        %get3A_2840 = tpu.vector_load %arg10[%get3A_2838, %get3A_2839] {strides = array<i32>} : memref<640x64xf32, #tpu.memory_space<vmem>>, vector<1x16xf32>,
        %get3A_2841 = vector.shape_cast %get3A_2840 : vector<1x16xf32> to vector<16xf32>
        %mul3A_2842 = arith.mulf %get3A_2841, %get3A_120 : vector<16xf32>
        %get3A_2843 = arith.index_cast %add3A_2837 : i32 to index
        %get3A_2844 = arith.constant 16 : index
        %get3A_2845 = tpu.vector_load %arg10[%get3A_2843, %get3A_2844] {strides = array<i32>} : memref<640x64xf32, #tpu.memory_space<vmem>>, vector<1x16xf32>,
        %get3A_2846 = vector.shape_cast %get3A_2845 : vector<1x16xf32> to vector<16xf32>
        %mul3A_2847 = arith.mulf %get3A_2846, %get3A_124 : vector<16xf32>
        %add3A_2848 = arith.addf %mul3A_2842, %mul3A_2847 : vector<16xf32>
        %get3A_2849 = arith.index_cast %add3A_2837 : i32 to index
        %get3A_2850 = arith.constant 32 : index
        %get3A_2851 = tpu.vector_load %arg10[%get3A_2849, %get3A_2850] {strides = array<i32>} : memref<640x64xf32, #tpu.memory_space<vmem>>, vector<1x16xf32>,
        %get3A_2852 = vector.shape_cast %get3A_2851 : vector<1x16xf32> to vector<16xf32>
        %mul3A_2853 = arith.mulf %get3A_2852, %get3A_128 : vector<16xf32>
        %add3A_2854 = arith.addf %add3A_2848, %mul3A_2853 : vector<16xf32>
        %get3A_2855 = arith.index_cast %add3A_2837 : i32 to index
        %get3A_2856 = arith.constant 48 : index
        %get3A_2857 = tpu.vector_load %arg10[%get3A_2855, %get3A_2856] {strides = array<i32>} : memref<640x64xf32, #tpu.memory_space<vmem>>, vector<1x16xf32>,
        %get3A_2858 = vector.shape_cast %get3A_2857 : vector<1x16xf32> to vector<16xf32>
        %mul3A_2859 = arith.mulf %get3A_2858, %get3A_132 : vector<16xf32>
        %add3A_2860 = arith.addf %add3A_2854, %mul3A_2859 : vector<16xf32>
        %lt3A_2861 = arith.constant 0 : i32
        %lt3A_2862 = vector.broadcast %lt3A_2861 : i32 to vector<16xi32>
        %lt3A_2863 = arith.cmpi slt, %xor3A_99, %lt3A_2862 : vector<16xi32>
        %add3A_2864 = arith.constant 16 : i32
        %add3A_2865 = vector.broadcast %add3A_2864 : i32 to vector<16xi32>
        %add3A_2866 = arith.addi %xor3A_99, %add3A_2865 : vector<16xi32>
        %select_n3A_2867 = arith.select %lt3A_2863, %add3A_2866, %xor3A_99 : vector<16xi1>, vector<16xi32>
        %broadcast_in_dim3A_2868 = vector.shape_cast %select_n3A_2867 : vector<16xi32> to vector<16x1xi32>
        %gather3A_2869 = vector.shape_cast %broadcast_in_dim3A_2868 : vector<16x1xi32> to vector<16xi32>
        %gather3A_2870 = tpu.dynamic_gather %add3A_2860[%gather3A_2869] in [0] : vector<16xf32>, vector<16xi32> -> vector<16xf32>
        %add3A_2871 = arith.addf %add3A_2860, %gather3A_2870 : vector<16xf32>
        %lt3A_2872 = arith.constant 0 : i32
        %lt3A_2873 = vector.broadcast %lt3A_2872 : i32 to vector<16xi32>
        %lt3A_2874 = arith.cmpi slt, %xor3A_102, %lt3A_2873 : vector<16xi32>
        %add3A_2875 = arith.constant 16 : i32
        %add3A_2876 = vector.broadcast %add3A_2875 : i32 to vector<16xi32>
        %add3A_2877 = arith.addi %xor3A_102, %add3A_2876 : vector<16xi32>
        %select_n3A_2878 = arith.select %lt3A_2874, %add3A_2877, %xor3A_102 : vector<16xi1>, vector<16xi32>
        %broadcast_in_dim3A_2879 = vector.shape_cast %select_n3A_2878 : vector<16xi32> to vector<16x1xi32>
        %gather3A_2880 = vector.shape_cast %broadcast_in_dim3A_2879 : vector<16x1xi32> to vector<16xi32>
        %gather3A_2881 = tpu.dynamic_gather %add3A_2871[%gather3A_2880] in [0] : vector<16xf32>, vector<16xi32> -> vector<16xf32>
        %add3A_2882 = arith.addf %add3A_2871, %gather3A_2881 : vector<16xf32>
        %lt3A_2883 = arith.constant 0 : i32
        %lt3A_2884 = vector.broadcast %lt3A_2883 : i32 to vector<16xi32>
        %lt3A_2885 = arith.cmpi slt, %xor3A_105, %lt3A_2884 : vector<16xi32>
        %add3A_2886 = arith.constant 16 : i32
        %add3A_2887 = vector.broadcast %add3A_2886 : i32 to vector<16xi32>
        %add3A_2888 = arith.addi %xor3A_105, %add3A_2887 : vector<16xi32>
        %select_n3A_2889 = arith.select %lt3A_2885, %add3A_2888, %xor3A_105 : vector<16xi1>, vector<16xi32>
        %broadcast_in_dim3A_2890 = vector.shape_cast %select_n3A_2889 : vector<16xi32> to vector<16x1xi32>
        %gather3A_2891 = vector.shape_cast %broadcast_in_dim3A_2890 : vector<16x1xi32> to vector<16xi32>
        %gather3A_2892 = tpu.dynamic_gather %add3A_2882[%gather3A_2891] in [0] : vector<16xf32>, vector<16xi32> -> vector<16xf32>
        %add3A_2893 = arith.addf %add3A_2882, %gather3A_2892 : vector<16xf32>
        %lt3A_2894 = arith.constant 0 : i32
        %lt3A_2895 = vector.broadcast %lt3A_2894 : i32 to vector<16xi32>
        %lt3A_2896 = arith.cmpi slt, %xor3A_108, %lt3A_2895 : vector<16xi32>
        %add3A_2897 = arith.constant 16 : i32
        %add3A_2898 = vector.broadcast %add3A_2897 : i32 to vector<16xi32>
        %add3A_2899 = arith.addi %xor3A_108, %add3A_2898 : vector<16xi32>
        %select_n3A_2900 = arith.select %lt3A_2896, %add3A_2899, %xor3A_108 : vector<16xi1>, vector<16xi32>
        %broadcast_in_dim3A_2901 = vector.shape_cast %select_n3A_2900 : vector<16xi32> to vector<16x1xi32>
        %gather3A_2902 = vector.shape_cast %broadcast_in_dim3A_2901 : vector<16x1xi32> to vector<16xi32>
        %gather3A_2903 = tpu.dynamic_gather %add3A_2893[%gather3A_2902] in [0] : vector<16xf32>, vector<16xi32> -> vector<16xf32>
        %add3A_2904 = arith.addf %add3A_2893, %gather3A_2903 : vector<16xf32>
        %eq3A_2905 = arith.constant 4 : i32
        %eq3A_2906 = vector.broadcast %eq3A_2905 : i32 to vector<16xi32>
        %eq3A_2907 = arith.cmpi eq, %iota3A, %eq3A_2906 : vector<16xi32>
        %select_n3A_2908 = arith.select %eq3A_2907, %add3A_2904, %select_n3A_2833 : vector<16xi1>, vector<16xf32>
        %mul3A_2909 = arith.constant 40 : i32
        %mul3A_2910 = arith.muli %scan3A_117, %mul3A_2909 : i32
        %add3A_2911 = arith.constant 37 : i32
        %add3A_2912 = arith.addi %mul3A_2910, %add3A_2911 : i32
        %get3A_2913 = arith.index_cast %add3A_2912 : i32 to index
        %get3A_2914 = arith.constant 0 : index
        %get3A_2915 = tpu.vector_load %arg10[%get3A_2913, %get3A_2914] {strides = array<i32>} : memref<640x64xf32, #tpu.memory_space<vmem>>, vector<1x16xf32>,
        %get3A_2916 = vector.shape_cast %get3A_2915 : vector<1x16xf32> to vector<16xf32>
        %mul3A_2917 = arith.mulf %get3A_2916, %get3A_120 : vector<16xf32>
        %get3A_2918 = arith.index_cast %add3A_2912 : i32 to index
        %get3A_2919 = arith.constant 16 : index
        %get3A_2920 = tpu.vector_load %arg10[%get3A_2918, %get3A_2919] {strides = array<i32>} : memref<640x64xf32, #tpu.memory_space<vmem>>, vector<1x16xf32>,
        %get3A_2921 = vector.shape_cast %get3A_2920 : vector<1x16xf32> to vector<16xf32>
        %mul3A_2922 = arith.mulf %get3A_2921, %get3A_124 : vector<16xf32>
        %add3A_2923 = arith.addf %mul3A_2917, %mul3A_2922 : vector<16xf32>
        %get3A_2924 = arith.index_cast %add3A_2912 : i32 to index
        %get3A_2925 = arith.constant 32 : index
        %get3A_2926 = tpu.vector_load %arg10[%get3A_2924, %get3A_2925] {strides = array<i32>} : memref<640x64xf32, #tpu.memory_space<vmem>>, vector<1x16xf32>,
        %get3A_2927 = vector.shape_cast %get3A_2926 : vector<1x16xf32> to vector<16xf32>
        %mul3A_2928 = arith.mulf %get3A_2927, %get3A_128 : vector<16xf32>
        %add3A_2929 = arith.addf %add3A_2923, %mul3A_2928 : vector<16xf32>
        %get3A_2930 = arith.index_cast %add3A_2912 : i32 to index
        %get3A_2931 = arith.constant 48 : index
        %get3A_2932 = tpu.vector_load %arg10[%get3A_2930, %get3A_2931] {strides = array<i32>} : memref<640x64xf32, #tpu.memory_space<vmem>>, vector<1x16xf32>,
        %get3A_2933 = vector.shape_cast %get3A_2932 : vector<1x16xf32> to vector<16xf32>
        %mul3A_2934 = arith.mulf %get3A_2933, %get3A_132 : vector<16xf32>
        %add3A_2935 = arith.addf %add3A_2929, %mul3A_2934 : vector<16xf32>
        %lt3A_2936 = arith.constant 0 : i32
        %lt3A_2937 = vector.broadcast %lt3A_2936 : i32 to vector<16xi32>
        %lt3A_2938 = arith.cmpi slt, %xor3A_99, %lt3A_2937 : vector<16xi32>
        %add3A_2939 = arith.constant 16 : i32
        %add3A_2940 = vector.broadcast %add3A_2939 : i32 to vector<16xi32>
        %add3A_2941 = arith.addi %xor3A_99, %add3A_2940 : vector<16xi32>
        %select_n3A_2942 = arith.select %lt3A_2938, %add3A_2941, %xor3A_99 : vector<16xi1>, vector<16xi32>
        %broadcast_in_dim3A_2943 = vector.shape_cast %select_n3A_2942 : vector<16xi32> to vector<16x1xi32>
        %gather3A_2944 = vector.shape_cast %broadcast_in_dim3A_2943 : vector<16x1xi32> to vector<16xi32>
        %gather3A_2945 = tpu.dynamic_gather %add3A_2935[%gather3A_2944] in [0] : vector<16xf32>, vector<16xi32> -> vector<16xf32>
        %add3A_2946 = arith.addf %add3A_2935, %gather3A_2945 : vector<16xf32>
        %lt3A_2947 = arith.constant 0 : i32
        %lt3A_2948 = vector.broadcast %lt3A_2947 : i32 to vector<16xi32>
        %lt3A_2949 = arith.cmpi slt, %xor3A_102, %lt3A_2948 : vector<16xi32>
        %add3A_2950 = arith.constant 16 : i32
        %add3A_2951 = vector.broadcast %add3A_2950 : i32 to vector<16xi32>
        %add3A_2952 = arith.addi %xor3A_102, %add3A_2951 : vector<16xi32>
        %select_n3A_2953 = arith.select %lt3A_2949, %add3A_2952, %xor3A_102 : vector<16xi1>, vector<16xi32>
        %broadcast_in_dim3A_2954 = vector.shape_cast %select_n3A_2953 : vector<16xi32> to vector<16x1xi32>
        %gather3A_2955 = vector.shape_cast %broadcast_in_dim3A_2954 : vector<16x1xi32> to vector<16xi32>
        %gather3A_2956 = tpu.dynamic_gather %add3A_2946[%gather3A_2955] in [0] : vector<16xf32>, vector<16xi32> -> vector<16xf32>
        %add3A_2957 = arith.addf %add3A_2946, %gather3A_2956 : vector<16xf32>
        %lt3A_2958 = arith.constant 0 : i32
        %lt3A_2959 = vector.broadcast %lt3A_2958 : i32 to vector<16xi32>
        %lt3A_2960 = arith.cmpi slt, %xor3A_105, %lt3A_2959 : vector<16xi32>
        %add3A_2961 = arith.constant 16 : i32
        %add3A_2962 = vector.broadcast %add3A_2961 : i32 to vector<16xi32>
        %add3A_2963 = arith.addi %xor3A_105, %add3A_2962 : vector<16xi32>
        %select_n3A_2964 = arith.select %lt3A_2960, %add3A_2963, %xor3A_105 : vector<16xi1>, vector<16xi32>
        %broadcast_in_dim3A_2965 = vector.shape_cast %select_n3A_2964 : vector<16xi32> to vector<16x1xi32>
        %gather3A_2966 = vector.shape_cast %broadcast_in_dim3A_2965 : vector<16x1xi32> to vector<16xi32>
        %gather3A_2967 = tpu.dynamic_gather %add3A_2957[%gather3A_2966] in [0] : vector<16xf32>, vector<16xi32> -> vector<16xf32>
        %add3A_2968 = arith.addf %add3A_2957, %gather3A_2967 : vector<16xf32>
        %lt3A_2969 = arith.constant 0 : i32
        %lt3A_2970 = vector.broadcast %lt3A_2969 : i32 to vector<16xi32>
        %lt3A_2971 = arith.cmpi slt, %xor3A_108, %lt3A_2970 : vector<16xi32>
        %add3A_2972 = arith.constant 16 : i32
        %add3A_2973 = vector.broadcast %add3A_2972 : i32 to vector<16xi32>
        %add3A_2974 = arith.addi %xor3A_108, %add3A_2973 : vector<16xi32>
        %select_n3A_2975 = arith.select %lt3A_2971, %add3A_2974, %xor3A_108 : vector<16xi1>, vector<16xi32>
        %broadcast_in_dim3A_2976 = vector.shape_cast %select_n3A_2975 : vector<16xi32> to vector<16x1xi32>
        %gather3A_2977 = vector.shape_cast %broadcast_in_dim3A_2976 : vector<16x1xi32> to vector<16xi32>
        %gather3A_2978 = tpu.dynamic_gather %add3A_2968[%gather3A_2977] in [0] : vector<16xf32>, vector<16xi32> -> vector<16xf32>
        %add3A_2979 = arith.addf %add3A_2968, %gather3A_2978 : vector<16xf32>
        %eq3A_2980 = arith.constant 5 : i32
        %eq3A_2981 = vector.broadcast %eq3A_2980 : i32 to vector<16xi32>
        %eq3A_2982 = arith.cmpi eq, %iota3A, %eq3A_2981 : vector<16xi32>
        %select_n3A_2983 = arith.select %eq3A_2982, %add3A_2979, %select_n3A_2908 : vector<16xi1>, vector<16xf32>
        %mul3A_2984 = arith.constant 40 : i32
        %mul3A_2985 = arith.muli %scan3A_117, %mul3A_2984 : i32
        %add3A_2986 = arith.constant 38 : i32
        %add3A_2987 = arith.addi %mul3A_2985, %add3A_2986 : i32
        %get3A_2988 = arith.index_cast %add3A_2987 : i32 to index
        %get3A_2989 = arith.constant 0 : index
        %get3A_2990 = tpu.vector_load %arg10[%get3A_2988, %get3A_2989] {strides = array<i32>} : memref<640x64xf32, #tpu.memory_space<vmem>>, vector<1x16xf32>,
        %get3A_2991 = vector.shape_cast %get3A_2990 : vector<1x16xf32> to vector<16xf32>
        %mul3A_2992 = arith.mulf %get3A_2991, %get3A_120 : vector<16xf32>
        %get3A_2993 = arith.index_cast %add3A_2987 : i32 to index
        %get3A_2994 = arith.constant 16 : index
        %get3A_2995 = tpu.vector_load %arg10[%get3A_2993, %get3A_2994] {strides = array<i32>} : memref<640x64xf32, #tpu.memory_space<vmem>>, vector<1x16xf32>,
        %get3A_2996 = vector.shape_cast %get3A_2995 : vector<1x16xf32> to vector<16xf32>
        %mul3A_2997 = arith.mulf %get3A_2996, %get3A_124 : vector<16xf32>
        %add3A_2998 = arith.addf %mul3A_2992, %mul3A_2997 : vector<16xf32>
        %get3A_2999 = arith.index_cast %add3A_2987 : i32 to index
        %get3A_3000 = arith.constant 32 : index
        %get3A_3001 = tpu.vector_load %arg10[%get3A_2999, %get3A_3000] {strides = array<i32>} : memref<640x64xf32, #tpu.memory_space<vmem>>, vector<1x16xf32>,
        %get3A_3002 = vector.shape_cast %get3A_3001 : vector<1x16xf32> to vector<16xf32>
        %mul3A_3003 = arith.mulf %get3A_3002, %get3A_128 : vector<16xf32>
        %add3A_3004 = arith.addf %add3A_2998, %mul3A_3003 : vector<16xf32>
        %get3A_3005 = arith.index_cast %add3A_2987 : i32 to index
        %get3A_3006 = arith.constant 48 : index
        %get3A_3007 = tpu.vector_load %arg10[%get3A_3005, %get3A_3006] {strides = array<i32>} : memref<640x64xf32, #tpu.memory_space<vmem>>, vector<1x16xf32>,
        %get3A_3008 = vector.shape_cast %get3A_3007 : vector<1x16xf32> to vector<16xf32>
        %mul3A_3009 = arith.mulf %get3A_3008, %get3A_132 : vector<16xf32>
        %add3A_3010 = arith.addf %add3A_3004, %mul3A_3009 : vector<16xf32>
        %lt3A_3011 = arith.constant 0 : i32
        %lt3A_3012 = vector.broadcast %lt3A_3011 : i32 to vector<16xi32>
        %lt3A_3013 = arith.cmpi slt, %xor3A_99, %lt3A_3012 : vector<16xi32>
        %add3A_3014 = arith.constant 16 : i32
        %add3A_3015 = vector.broadcast %add3A_3014 : i32 to vector<16xi32>
        %add3A_3016 = arith.addi %xor3A_99, %add3A_3015 : vector<16xi32>
        %select_n3A_3017 = arith.select %lt3A_3013, %add3A_3016, %xor3A_99 : vector<16xi1>, vector<16xi32>
        %broadcast_in_dim3A_3018 = vector.shape_cast %select_n3A_3017 : vector<16xi32> to vector<16x1xi32>
        %gather3A_3019 = vector.shape_cast %broadcast_in_dim3A_3018 : vector<16x1xi32> to vector<16xi32>
        %gather3A_3020 = tpu.dynamic_gather %add3A_3010[%gather3A_3019] in [0] : vector<16xf32>, vector<16xi32> -> vector<16xf32>
        %add3A_3021 = arith.addf %add3A_3010, %gather3A_3020 : vector<16xf32>
        %lt3A_3022 = arith.constant 0 : i32
        %lt3A_3023 = vector.broadcast %lt3A_3022 : i32 to vector<16xi32>
        %lt3A_3024 = arith.cmpi slt, %xor3A_102, %lt3A_3023 : vector<16xi32>
        %add3A_3025 = arith.constant 16 : i32
        %add3A_3026 = vector.broadcast %add3A_3025 : i32 to vector<16xi32>
        %add3A_3027 = arith.addi %xor3A_102, %add3A_3026 : vector<16xi32>
        %select_n3A_3028 = arith.select %lt3A_3024, %add3A_3027, %xor3A_102 : vector<16xi1>, vector<16xi32>
        %broadcast_in_dim3A_3029 = vector.shape_cast %select_n3A_3028 : vector<16xi32> to vector<16x1xi32>
        %gather3A_3030 = vector.shape_cast %broadcast_in_dim3A_3029 : vector<16x1xi32> to vector<16xi32>
        %gather3A_3031 = tpu.dynamic_gather %add3A_3021[%gather3A_3030] in [0] : vector<16xf32>, vector<16xi32> -> vector<16xf32>
        %add3A_3032 = arith.addf %add3A_3021, %gather3A_3031 : vector<16xf32>
        %lt3A_3033 = arith.constant 0 : i32
        %lt3A_3034 = vector.broadcast %lt3A_3033 : i32 to vector<16xi32>
        %lt3A_3035 = arith.cmpi slt, %xor3A_105, %lt3A_3034 : vector<16xi32>
        %add3A_3036 = arith.constant 16 : i32
        %add3A_3037 = vector.broadcast %add3A_3036 : i32 to vector<16xi32>
        %add3A_3038 = arith.addi %xor3A_105, %add3A_3037 : vector<16xi32>
        %select_n3A_3039 = arith.select %lt3A_3035, %add3A_3038, %xor3A_105 : vector<16xi1>, vector<16xi32>
        %broadcast_in_dim3A_3040 = vector.shape_cast %select_n3A_3039 : vector<16xi32> to vector<16x1xi32>
        %gather3A_3041 = vector.shape_cast %broadcast_in_dim3A_3040 : vector<16x1xi32> to vector<16xi32>
        %gather3A_3042 = tpu.dynamic_gather %add3A_3032[%gather3A_3041] in [0] : vector<16xf32>, vector<16xi32> -> vector<16xf32>
        %add3A_3043 = arith.addf %add3A_3032, %gather3A_3042 : vector<16xf32>
        %lt3A_3044 = arith.constant 0 : i32
        %lt3A_3045 = vector.broadcast %lt3A_3044 : i32 to vector<16xi32>
        %lt3A_3046 = arith.cmpi slt, %xor3A_108, %lt3A_3045 : vector<16xi32>
        %add3A_3047 = arith.constant 16 : i32
        %add3A_3048 = vector.broadcast %add3A_3047 : i32 to vector<16xi32>
        %add3A_3049 = arith.addi %xor3A_108, %add3A_3048 : vector<16xi32>
        %select_n3A_3050 = arith.select %lt3A_3046, %add3A_3049, %xor3A_108 : vector<16xi1>, vector<16xi32>
        %broadcast_in_dim3A_3051 = vector.shape_cast %select_n3A_3050 : vector<16xi32> to vector<16x1xi32>
        %gather3A_3052 = vector.shape_cast %broadcast_in_dim3A_3051 : vector<16x1xi32> to vector<16xi32>
        %gather3A_3053 = tpu.dynamic_gather %add3A_3043[%gather3A_3052] in [0] : vector<16xf32>, vector<16xi32> -> vector<16xf32>
        %add3A_3054 = arith.addf %add3A_3043, %gather3A_3053 : vector<16xf32>
        %eq3A_3055 = arith.constant 6 : i32
        %eq3A_3056 = vector.broadcast %eq3A_3055 : i32 to vector<16xi32>
        %eq3A_3057 = arith.cmpi eq, %iota3A, %eq3A_3056 : vector<16xi32>
        %select_n3A_3058 = arith.select %eq3A_3057, %add3A_3054, %select_n3A_2983 : vector<16xi1>, vector<16xf32>
        %mul3A_3059 = arith.constant 40 : i32
        %mul3A_3060 = arith.muli %scan3A_117, %mul3A_3059 : i32
        %add3A_3061 = arith.constant 39 : i32
        %add3A_3062 = arith.addi %mul3A_3060, %add3A_3061 : i32
        %get3A_3063 = arith.index_cast %add3A_3062 : i32 to index
        %get3A_3064 = arith.constant 0 : index
        %get3A_3065 = tpu.vector_load %arg10[%get3A_3063, %get3A_3064] {strides = array<i32>} : memref<640x64xf32, #tpu.memory_space<vmem>>, vector<1x16xf32>,
        %get3A_3066 = vector.shape_cast %get3A_3065 : vector<1x16xf32> to vector<16xf32>
        %mul3A_3067 = arith.mulf %get3A_3066, %get3A_120 : vector<16xf32>
        %get3A_3068 = arith.index_cast %add3A_3062 : i32 to index
        %get3A_3069 = arith.constant 16 : index
        %get3A_3070 = tpu.vector_load %arg10[%get3A_3068, %get3A_3069] {strides = array<i32>} : memref<640x64xf32, #tpu.memory_space<vmem>>, vector<1x16xf32>,
        %get3A_3071 = vector.shape_cast %get3A_3070 : vector<1x16xf32> to vector<16xf32>
        %mul3A_3072 = arith.mulf %get3A_3071, %get3A_124 : vector<16xf32>
        %add3A_3073 = arith.addf %mul3A_3067, %mul3A_3072 : vector<16xf32>
        %get3A_3074 = arith.index_cast %add3A_3062 : i32 to index
        %get3A_3075 = arith.constant 32 : index
        %get3A_3076 = tpu.vector_load %arg10[%get3A_3074, %get3A_3075] {strides = array<i32>} : memref<640x64xf32, #tpu.memory_space<vmem>>, vector<1x16xf32>,
        %get3A_3077 = vector.shape_cast %get3A_3076 : vector<1x16xf32> to vector<16xf32>
        %mul3A_3078 = arith.mulf %get3A_3077, %get3A_128 : vector<16xf32>
        %add3A_3079 = arith.addf %add3A_3073, %mul3A_3078 : vector<16xf32>
        %get3A_3080 = arith.index_cast %add3A_3062 : i32 to index
        %get3A_3081 = arith.constant 48 : index
        %get3A_3082 = tpu.vector_load %arg10[%get3A_3080, %get3A_3081] {strides = array<i32>} : memref<640x64xf32, #tpu.memory_space<vmem>>, vector<1x16xf32>,
        %get3A_3083 = vector.shape_cast %get3A_3082 : vector<1x16xf32> to vector<16xf32>
        %mul3A_3084 = arith.mulf %get3A_3083, %get3A_132 : vector<16xf32>
        %add3A_3085 = arith.addf %add3A_3079, %mul3A_3084 : vector<16xf32>
        %lt3A_3086 = arith.constant 0 : i32
        %lt3A_3087 = vector.broadcast %lt3A_3086 : i32 to vector<16xi32>
        %lt3A_3088 = arith.cmpi slt, %xor3A_99, %lt3A_3087 : vector<16xi32>
        %add3A_3089 = arith.constant 16 : i32
        %add3A_3090 = vector.broadcast %add3A_3089 : i32 to vector<16xi32>
        %add3A_3091 = arith.addi %xor3A_99, %add3A_3090 : vector<16xi32>
        %select_n3A_3092 = arith.select %lt3A_3088, %add3A_3091, %xor3A_99 : vector<16xi1>, vector<16xi32>
        %broadcast_in_dim3A_3093 = vector.shape_cast %select_n3A_3092 : vector<16xi32> to vector<16x1xi32>
        %gather3A_3094 = vector.shape_cast %broadcast_in_dim3A_3093 : vector<16x1xi32> to vector<16xi32>
        %gather3A_3095 = tpu.dynamic_gather %add3A_3085[%gather3A_3094] in [0] : vector<16xf32>, vector<16xi32> -> vector<16xf32>
        %add3A_3096 = arith.addf %add3A_3085, %gather3A_3095 : vector<16xf32>
        %lt3A_3097 = arith.constant 0 : i32
        %lt3A_3098 = vector.broadcast %lt3A_3097 : i32 to vector<16xi32>
        %lt3A_3099 = arith.cmpi slt, %xor3A_102, %lt3A_3098 : vector<16xi32>
        %add3A_3100 = arith.constant 16 : i32
        %add3A_3101 = vector.broadcast %add3A_3100 : i32 to vector<16xi32>
        %add3A_3102 = arith.addi %xor3A_102, %add3A_3101 : vector<16xi32>
        %select_n3A_3103 = arith.select %lt3A_3099, %add3A_3102, %xor3A_102 : vector<16xi1>, vector<16xi32>
        %broadcast_in_dim3A_3104 = vector.shape_cast %select_n3A_3103 : vector<16xi32> to vector<16x1xi32>
        %gather3A_3105 = vector.shape_cast %broadcast_in_dim3A_3104 : vector<16x1xi32> to vector<16xi32>
        %gather3A_3106 = tpu.dynamic_gather %add3A_3096[%gather3A_3105] in [0] : vector<16xf32>, vector<16xi32> -> vector<16xf32>
        %add3A_3107 = arith.addf %add3A_3096, %gather3A_3106 : vector<16xf32>
        %lt3A_3108 = arith.constant 0 : i32
        %lt3A_3109 = vector.broadcast %lt3A_3108 : i32 to vector<16xi32>
        %lt3A_3110 = arith.cmpi slt, %xor3A_105, %lt3A_3109 : vector<16xi32>
        %add3A_3111 = arith.constant 16 : i32
        %add3A_3112 = vector.broadcast %add3A_3111 : i32 to vector<16xi32>
        %add3A_3113 = arith.addi %xor3A_105, %add3A_3112 : vector<16xi32>
        %select_n3A_3114 = arith.select %lt3A_3110, %add3A_3113, %xor3A_105 : vector<16xi1>, vector<16xi32>
        %broadcast_in_dim3A_3115 = vector.shape_cast %select_n3A_3114 : vector<16xi32> to vector<16x1xi32>
        %gather3A_3116 = vector.shape_cast %broadcast_in_dim3A_3115 : vector<16x1xi32> to vector<16xi32>
        %gather3A_3117 = tpu.dynamic_gather %add3A_3107[%gather3A_3116] in [0] : vector<16xf32>, vector<16xi32> -> vector<16xf32>
        %add3A_3118 = arith.addf %add3A_3107, %gather3A_3117 : vector<16xf32>
        %lt3A_3119 = arith.constant 0 : i32
        %lt3A_3120 = vector.broadcast %lt3A_3119 : i32 to vector<16xi32>
        %lt3A_3121 = arith.cmpi slt, %xor3A_108, %lt3A_3120 : vector<16xi32>
        %add3A_3122 = arith.constant 16 : i32
        %add3A_3123 = vector.broadcast %add3A_3122 : i32 to vector<16xi32>
        %add3A_3124 = arith.addi %xor3A_108, %add3A_3123 : vector<16xi32>
        %select_n3A_3125 = arith.select %lt3A_3121, %add3A_3124, %xor3A_108 : vector<16xi1>, vector<16xi32>
        %broadcast_in_dim3A_3126 = vector.shape_cast %select_n3A_3125 : vector<16xi32> to vector<16x1xi32>
        %gather3A_3127 = vector.shape_cast %broadcast_in_dim3A_3126 : vector<16x1xi32> to vector<16xi32>
        %gather3A_3128 = tpu.dynamic_gather %add3A_3118[%gather3A_3127] in [0] : vector<16xf32>, vector<16xi32> -> vector<16xf32>
        %add3A_3129 = arith.addf %add3A_3118, %gather3A_3128 : vector<16xf32>
        %eq3A_3130 = arith.constant 7 : i32
        %eq3A_3131 = vector.broadcast %eq3A_3130 : i32 to vector<16xi32>
        %eq3A_3132 = arith.cmpi eq, %iota3A, %eq3A_3131 : vector<16xi32>
        %select_n3A_3133 = arith.select %eq3A_3132, %add3A_3129, %select_n3A_3058 : vector<16xi1>, vector<16xf32>
        %swap3A = arith.index_cast %scan3A_117 : i32 to index
        %swap3A_3134 = arith.constant 0 : index
        %swap3A_3135 = tpu.vector_load %arg11[%swap3A, %swap3A_3134] {strides = array<i32>} : memref<16x48xf32, #tpu.memory_space<vmem>>, vector<1x16xf32>,
        %swap3A_3136 = vector.shape_cast %swap3A_3135 : vector<1x16xf32> to vector<16xf32>
        %swap3A_3137 = vector.shape_cast %select_n3A_1333 : vector<16xf32> to vector<1x16xf32>
        tpu.vector_store %arg11[%swap3A, %swap3A_3134], %swap3A_3137 {strides = array<i32>} : memref<16x48xf32, #tpu.memory_space<vmem>>, vector<1x16xf32>,
        %swap3A_3138 = arith.index_cast %scan3A_117 : i32 to index
        %swap3A_3139 = arith.constant 16 : index
        %swap3A_3140 = tpu.vector_load %arg11[%swap3A_3138, %swap3A_3139] {strides = array<i32>} : memref<16x48xf32, #tpu.memory_space<vmem>>, vector<1x16xf32>,
        %swap3A_3141 = vector.shape_cast %swap3A_3140 : vector<1x16xf32> to vector<16xf32>
        %swap3A_3142 = vector.shape_cast %select_n3A_2533 : vector<16xf32> to vector<1x16xf32>
        tpu.vector_store %arg11[%swap3A_3138, %swap3A_3139], %swap3A_3142 {strides = array<i32>} : memref<16x48xf32, #tpu.memory_space<vmem>>, vector<1x16xf32>,
        %swap3A_3143 = arith.index_cast %scan3A_117 : i32 to index
        %swap3A_3144 = arith.constant 32 : index
        %swap3A_3145 = tpu.vector_load %arg11[%swap3A_3143, %swap3A_3144] {strides = array<i32>} : memref<16x48xf32, #tpu.memory_space<vmem>>, vector<1x16xf32>,
        %swap3A_3146 = vector.shape_cast %swap3A_3145 : vector<1x16xf32> to vector<16xf32>
        %swap3A_3147 = vector.shape_cast %select_n3A_3133 : vector<16xf32> to vector<1x16xf32>
        tpu.vector_store %arg11[%swap3A_3143, %swap3A_3144], %swap3A_3147 {strides = array<i32>} : memref<16x48xf32, #tpu.memory_space<vmem>>, vector<1x16xf32>,
      }
      %scan3A_114 = arith.constant 16 : i32
      %mul3A_115 = arith.constant 16 : i32
      %mul3A_116 = arith.muli %add3A_9, %mul3A_115 : i32
      "tpu.region"() ({
        %run_scoped3A = tpu.sem_alloc : memref<!tpu.dma_semaphore, #tpu.memory_space<semaphore_mem>>
        %dma_start3A_117 = arith.constant 0 : i32
        %dma_start3A_118 = tpu.memref_slice %arg6[%mul3A_116, %dma_start3A_117] : memref<16384x48xf32, #tpu.memory_space<hbm>> -> memref<16x48xf32, #tpu.memory_space<hbm>>
        %dma_start3A_119 = arith.constant 0 : i32
        %dma_start3A_120 = tpu.memref_slice %arg6[%mul3A_116, %dma_start3A_119] : memref<16384x48xf32, #tpu.memory_space<hbm>> -> memref<16x48xf32, #tpu.memory_space<hbm>>
        tpu.enqueue_dma source(%arg11 : memref<16x48xf32, #tpu.memory_space<vmem>>) target(%dma_start3A_120 : memref<16x48xf32, #tpu.memory_space<hbm>>) target_semaphore(%run_scoped3A : memref<!tpu.dma_semaphore, #tpu.memory_space<semaphore_mem>>)
        %dma_wait3A_121 = arith.constant 0 : i32
        %dma_wait3A_122 = tpu.memref_slice %arg6[%mul3A_116, %dma_wait3A_121] : memref<16384x48xf32, #tpu.memory_space<hbm>> -> memref<16x48xf32, #tpu.memory_space<hbm>>
        %dma_wait3A_123 = arith.constant 0 : i32
        %dma_wait3A_124 = tpu.memref_slice %arg6[%mul3A_116, %dma_wait3A_123] : memref<16384x48xf32, #tpu.memory_space<hbm>> -> memref<16x48xf32, #tpu.memory_space<hbm>>
        tpu.wait_dma2 semaphore(%run_scoped3A : memref<!tpu.dma_semaphore, #tpu.memory_space<semaphore_mem>>) src(%arg11 : memref<16x48xf32, #tpu.memory_space<vmem>>) dst(%dma_wait3A_124 : memref<16x48xf32, #tpu.memory_space<hbm>>)
        tpu.yield
      }) : () -> ()
    }
    %scan3A_5 = arith.constant 32 : i32
    return
  }
}

module attributes {stable_mosaic.version = 14 : i64} {
  func.func @_loss_body(%arg0: i32, %arg1: memref<2048x48xf32, #tpu.memory_space<vmem>>, %arg2: memref<2048x40xi32, #tpu.memory_space<vmem>>, %arg3: memref<1x1xf32, #tpu.memory_space<smem>>) attributes {dimension_semantics = [#tpu.dimension_semantics<arbitrary>], iteration_bounds = array<i64: 8>, scalar_prefetch = 0 : i64, scratch_operands = 0 : i64, tpu.core_type = #tpu.core_type<tc>, window_params = [{transform_indices = @transform_0, window_bounds = array<i64: 2048, 48>}, {transform_indices = @transform_1, window_bounds = array<i64: 2048, 40>}, {transform_indices = @transform_2, window_bounds = array<i64: 1, 1>}]} {
    %eq3A = arith.constant 0 : i32
    %eq3A_0 = arith.cmpi eq, %arg0, %eq3A : i32
    %convert_element_type3A = arith.extui %eq3A_0 : i1 to i32
    %cond3A = arith.constant 0 : i32
    %cond3A_1 = arith.cmpi ne, %convert_element_type3A, %cond3A : i32
    scf.if %cond3A_1 {
      %swap3A_48 = arith.constant 0.000000e+00 : f32
      %swap3A_49 = arith.constant 0 : index
      %swap3A_50 = arith.constant 0 : index
      %swap3A_51 = memref.load %arg3[%swap3A_49, %swap3A_50] : memref<1x1xf32, #tpu.memory_space<smem>>
      memref.store %swap3A_48, %arg3[%swap3A_49, %swap3A_50] : memref<1x1xf32, #tpu.memory_space<smem>>
    } else {
    }
    %get3A = arith.constant 0 : index
    %get3A_2 = arith.constant 0 : index
    %get3A_3 = vector.load %arg2[%get3A, %get3A_2] : memref<2048x40xi32, #tpu.memory_space<vmem>>, vector<2048x40xi32>
    %ne3A = arith.constant 0 : i32
    %ne3A_4 = vector.broadcast %ne3A : i32 to vector<2048x40xi32>
    %ne3A_5 = arith.cmpi ne, %get3A_3, %ne3A_4 : vector<2048x40xi32>
    %convert_element_type3A_6 = arith.extui %ne3A_5 : vector<2048x40xi1> to vector<2048x40xi32>
    %convert_element_type3A_7 = arith.sitofp %convert_element_type3A_6 : vector<2048x40xi32> to vector<2048x40xf32>
    %get3A_8 = arith.constant 0 : index
    %get3A_9 = arith.constant 0 : index
    %get3A_10 = vector.load %arg1[%get3A_8, %get3A_9] : memref<2048x48xf32, #tpu.memory_space<vmem>>, vector<2048x40xf32>
    %mul3A = arith.mulf %get3A_10, %convert_element_type3A_7 : vector<2048x40xf32>
    %slice3A = vector.extract_strided_slice %mul3A {offsets = [0, 0], sizes = [2048, 20], strides = [1, 1]} : vector<2048x40xf32> to vector<2048x20xf32>
    %logistic3A = arith.negf %slice3A : vector<2048x20xf32>
    %logistic3A_11 = math.exp %logistic3A : vector<2048x20xf32>
    %logistic3A_12 = arith.constant 1.000000e+00 : f32
    %logistic3A_13 = vector.broadcast %logistic3A_12 : f32 to vector<2048x20xf32>
    %logistic3A_14 = arith.addf %logistic3A_13, %logistic3A_11 : vector<2048x20xf32>
    %logistic3A_15 = arith.divf %logistic3A_13, %logistic3A_14 : vector<2048x20xf32>
    %log3A = math.log %logistic3A_15 : vector<2048x20xf32>
    %slice3A_16 = vector.extract_strided_slice %mul3A {offsets = [0, 20], sizes = [2048, 20], strides = [1, 1]} : vector<2048x40xf32> to vector<2048x20xf32>
    %neg3A = arith.constant 0.000000e+00 : f32
    %neg3A_17 = vector.broadcast %neg3A : f32 to vector<2048x20xf32>
    %neg3A_18 = arith.subf %neg3A_17, %slice3A_16 : vector<2048x20xf32>
    %logistic3A_19 = arith.negf %neg3A_18 : vector<2048x20xf32>
    %logistic3A_20 = math.exp %logistic3A_19 : vector<2048x20xf32>
    %logistic3A_21 = arith.constant 1.000000e+00 : f32
    %logistic3A_22 = vector.broadcast %logistic3A_21 : f32 to vector<2048x20xf32>
    %logistic3A_23 = arith.addf %logistic3A_22, %logistic3A_20 : vector<2048x20xf32>
    %logistic3A_24 = arith.divf %logistic3A_22, %logistic3A_23 : vector<2048x20xf32>
    %log3A_25 = math.log %logistic3A_24 : vector<2048x20xf32>
    %get3A_26 = arith.constant 0 : index
    %get3A_27 = arith.constant 0 : index
    %get3A_28 = memref.load %arg3[%get3A_26, %get3A_27] : memref<1x1xf32, #tpu.memory_space<smem>>
    %reduce_sum3A = vector.shape_cast %log3A : vector<2048x20xf32> to vector<1x2048x20xf32>
    %reduce_sum3A_29 = arith.constant dense<0.000000e+00> : vector<1xf32>
    %reduce_sum3A_30 = vector.multi_reduction <add>, %reduce_sum3A, %reduce_sum3A_29 [1, 2] : vector<1x2048x20xf32> to vector<1xf32>
    %reduce_sum3A_31 = vector.shape_cast %reduce_sum3A_30 : vector<1xf32> to vector<1x1x1xf32>
    %reduce_sum3A_32 = vector.extract %reduce_sum3A_31[0, 0, 0] : f32 from vector<1x1x1xf32>
    %div3A = arith.constant 2.000000e+01 : f32
    %div3A_33 = arith.divf %reduce_sum3A_32, %div3A : f32
    %reduce_sum3A_34 = vector.shape_cast %log3A_25 : vector<2048x20xf32> to vector<1x2048x20xf32>
    %reduce_sum3A_35 = arith.constant dense<0.000000e+00> : vector<1xf32>
    %reduce_sum3A_36 = vector.multi_reduction <add>, %reduce_sum3A_34, %reduce_sum3A_35 [1, 2] : vector<1x2048x20xf32> to vector<1xf32>
    %reduce_sum3A_37 = vector.shape_cast %reduce_sum3A_36 : vector<1xf32> to vector<1x1x1xf32>
    %reduce_sum3A_38 = vector.extract %reduce_sum3A_37[0, 0, 0] : f32 from vector<1x1x1xf32>
    %div3A_39 = arith.constant 2.000000e+01 : f32
    %div3A_40 = arith.divf %reduce_sum3A_38, %div3A_39 : f32
    %add3A = arith.addf %div3A_33, %div3A_40 : f32
    %neg3A_41 = arith.constant 0.000000e+00 : f32
    %neg3A_42 = arith.subf %neg3A_41, %add3A : f32
    %div3A_43 = arith.constant 1.638400e+04 : f32
    %div3A_44 = arith.divf %neg3A_42, %div3A_43 : f32
    %add3A_45 = arith.addf %get3A_28, %div3A_44 : f32
    %swap3A = arith.constant 0 : index
    %swap3A_46 = arith.constant 0 : index
    %swap3A_47 = memref.load %arg3[%swap3A, %swap3A_46] : memref<1x1xf32, #tpu.memory_space<smem>>
    memref.store %add3A_45, %arg3[%swap3A, %swap3A_46] : memref<1x1xf32, #tpu.memory_space<smem>>
    return
  }
  func.func @transform_0(%arg0: i32) -> (i32, i32) {
    %c0_i32 = arith.constant 0 : i32
    %c0_i32_0 = arith.constant 0 : i32
    return %arg0, %c0_i32 : i32, i32
  }
  func.func @transform_1(%arg0: i32) -> (i32, i32) {
    %c0_i32 = arith.constant 0 : i32
    %c0_i32_0 = arith.constant 0 : i32
    return %arg0, %c0_i32 : i32, i32
  }
  func.func @transform_2(%arg0: i32) -> (i32, i32) {
    %c0_i32 = arith.constant 0 : i32
    %c0_i32_0 = arith.constant 0 : i32
    %c0_i32_1 = arith.constant 0 : i32
    return %c0_i32, %c0_i32_0 : i32, i32
  }
}

</mosaic_0001>

<sc_bundles>
// kernel: kernel.4.cloned.1.call-start
scs
__scs_entry_jumppad:
0x0: {  	(pc) =	sbr.rel $0x88, $3  }
0x1: {  	(tag) =	ssettag $0x0;
	lr =	simm.s32 $0x1  }
0x2: {  	[smem:$0x3F9C] =	sst lr;
	_ =	strace $0xD0000000  }
0x3: {  	_ = 	snop  }
0x4: {  	_ = 	snop  }
0x5: {  	_ = 	snop  }
0x6: {  	_ = 	snop  }
0x7: {  	_ = 	snop  }
__scs_overlays_trampoline_lowered:
0x8: {  	[smem:$0x3FAB] =	sst s0  }
0x9: {  	[smem:$0x3FAC] =	sst s1  }
0xa: {  	[smem:$0x3FAD] =	sst s2  }
0xb: {  	[smem:$0x3FAE] =	sst s3  }
0xc: {  	[smem:$0x3FAF] =	sst s4  }
0xd: {  	[smem:$0x3FB0] =	sst s5  }
0xe: {  	[smem:$0x3FB1] =	sst s6  }
0xf: {  	[smem:$0x3FB2] =	sst s7  }
0x10: {  	[smem:$0x3FB3] =	sst s8  }
0x11: {  	[smem:$0x3FB4] =	sst s9;
	s0 =	simm.s32 @!p0 $0x0  }
0x12: {  	s1 =	sld [smem:$0x3F9A];
	s0 =	simm.s32 @p0 $0x1  }
0x13: {  	[smem:$0x3FB5] =	sst s0;
	s0 =	simm.s32 @!p1 $0x0  }
0x14: {  	s2 =	sld [smem:$0x3F99];
	s0 =	simm.s32 @p1 $0x1  }
0x15: {  	[smem:$0x3FB6] =	sst s0;
	s0 =	simm.s32 @!p2 $0x0  }
0x16: {  	s3 =	sld [smem:$0x3FDB];
	s0 =	simm.s32 @p2 $0x1  }
0x17: {  	s4 =	simm.s32 $0x1BF5;
	[smem:$0x3FB8] =	sst s0  }
0x18: {  	s0 =	sld [smem:$0x3F9B];
	_ =	swait.ge [sflag:s4], $0x0  }
0x19: {  	s7 =	sld [smem:$0x3F9C]  }
0x1a: {  	s8 =	sadd.s32 $0xFFFFE003, lr  }
0x1b: {  	s9 =	sadd.s32 $0xFFFFFEF7, lr;
	s5 =	simm.s32 $0xFFFFFFFF;
	p2 =	slt.u32 s8, $0xFFFFF086  }
0x1c: {  	p1 =	slt.u32 s9, $0xF7A;
	s5 =	simm.s32 @!p2 $0x0  }
0x1d: {  	s5 =	simm.s32 @p1 $0x1;
	p0 =	seq.s32 s7, s2  }
0x1e: {  	s7 =	smul.u32 @!p0 $0xF7A, s2;
	p2 =	seq.s32 @!p0 s5, $0x0  }
0x1f: {  	s9 =	smul.u32 $0xF7A, s1;
	s8 =	simm.s32 @!p0 $0x1BF5;
	p2 =	por !p2, p0  }
0x20: {  	[sflag:s8] =	ssyncset.s32 @!p0 $0xFFFFF086;
	s6 =	sadd.s32 @!p0 s3, s7;
	s7 =	simm.s32 @!p0 $0x108  }
0x21: {  	s3 =	sadd.s32 s3, s9;
	s6 =	sadd.s32 @!p0 $0x88, s6;
	s7 =	simm.s32 @p2 $0x1082  }
0x22: {  	[simem:s7], [sflag:s8] =	dma.local @!p0 [hbm:s6], $0xF7A  }
0x23: {  	s9 =	sor.u32 $0xD0000000, s2;
	s6 =	simm.s32 $0x108;
	_ =	swait.ge @!p0 [sflag:s8], $0x0  }
0x24: {  	s3 =	sadd.s32 $0x88, s3;
	s6 =	simm.s32 @!p1 $0x1082;
	[sflag:s4] =	ssyncset.s32 $0xFFFFF086  }
0x25: {  	[simem:s6], [sflag:s4] =	dma.local [hbm:s3], $0xF7A  }
0x26: {  	[smem:$0x3F9C] =	sst s1;
	(tag) =	ssettag s2;
	_ =	strace s9  }
0x27: {  	s1 =	sld [smem:$0x3FAC]  }
0x28: {  	s2 =	sld [smem:$0x3FAD]  }
0x29: {  	s4 =	sld [smem:$0x3FAF]  }
0x2a: {  	p0 =	seq.s32 s5, $0x0;
	s5 =	sld [smem:$0x3FB0]  }
0x2b: {  	s6 =	sld [smem:$0x3FB1]  }
0x2c: {  	s7 =	sld [smem:$0x3FB2]  }
0x2d: {  	s3 =	simm.s32 $0x108;
	s8 =	sld [smem:$0x3FB3]  }
0x2e: {  	s3 =	simm.s32 @!p0 $0x1082;
	s9 =	sld [smem:$0x3FB4]  }
0x2f: {  	lr =	sadd.s32 s0, s3;
	s0 =	sld [smem:$0x3FAB]  }
0x30: {  	s3 =	sld [smem:$0x3FAE]  }
0x31: {  	[smem:$0x3FB7] =	sst s10  }
0x32: {  	s10 =	sld [smem:$0x3FB5];
	_ =	sdelay $0x3  }
0x33: {  	p0 =	seq.s32 s10, $0x1;
	s10 =	sld [smem:$0x3FB7];
	_ =	sdelay $0x3  }
0x34: {  	[smem:$0x3FB7] =	sst s10  }
0x35: {  	s10 =	sld [smem:$0x3FB6];
	_ =	sdelay $0x3  }
0x36: {  	p1 =	seq.s32 s10, $0x1;
	s10 =	sld [smem:$0x3FB7];
	_ =	sdelay $0x3  }
0x37: {  	[smem:$0x3FB7] =	sst s10  }
0x38: {  	s10 =	sld [smem:$0x3FB8]  }
0x39: {  	_ = 	snop;
	(pc) =	sbr.ind lr, $3  }
0x3a: {  	_ = 	snop  }
0x3b: {  	_ = 	snop  }
0x3c: {  	p2 =	seq.s32 s10, $0x1;
	s10 =	sld [smem:$0x3FB7]  }
0x3d: {  	_ =	shalt  }
0x3e: {  	_ =	shalt  }
0x3f: {  	_ =	shalt  }
0x40: {  	_ =	shalt  }
0x41: {  	_ =	shalt  }
0x42: {  	_ =	shalt  }
0x43: {  	_ =	shalt  }
0x44: {  	_ =	shalt  }
0x45: {  	_ =	shalt  }
0x46: {  	_ =	shalt  }
0x47: {  	_ =	shalt  }
0x48: {  	_ =	shalt  }
0x49: {  	_ =	shalt  }
0x4a: {  	_ =	shalt  }
0x4b: {  	_ =	shalt  }
0x4c: {  	_ =	shalt  }
0x4d: {  	_ =	shalt  }
0x4e: {  	_ =	shalt  }
0x4f: {  	_ =	shalt  }
0x50: {  	_ =	shalt  }
0x51: {  	_ =	shalt  }
0x52: {  	_ =	shalt  }
0x53: {  	_ =	shalt  }
0x54: {  	_ =	shalt  }
0x55: {  	_ =	shalt  }
0x56: {  	_ =	shalt  }
0x57: {  	_ =	shalt  }
0x58: {  	_ =	shalt  }
0x59: {  	_ =	shalt  }
0x5a: {  	_ =	shalt  }
0x5b: {  	_ =	shalt  }
0x5c: {  	_ =	shalt  }
0x5d: {  	_ =	shalt  }
0x5e: {  	_ =	shalt  }
0x5f: {  	_ =	shalt  }
0x60: {  	_ =	shalt  }
0x61: {  	_ =	shalt  }
0x62: {  	_ =	shalt  }
0x63: {  	_ =	shalt  }
0x64: {  	_ =	shalt  }
0x65: {  	_ =	shalt  }
0x66: {  	_ =	shalt  }
0x67: {  	_ =	shalt  }
0x68: {  	_ =	shalt  }
0x69: {  	_ =	shalt  }
0x6a: {  	_ =	shalt  }
0x6b: {  	_ =	shalt  }
0x6c: {  	_ =	shalt  }
0x6d: {  	_ =	shalt  }
0x6e: {  	_ =	shalt  }
0x6f: {  	_ =	shalt  }
0x70: {  	_ =	shalt  }
0x71: {  	_ =	shalt  }
0x72: {  	_ =	shalt  }
0x73: {  	_ =	shalt  }
0x74: {  	_ =	shalt  }
0x75: {  	_ =	shalt  }
0x76: {  	_ =	shalt  }
0x77: {  	_ =	shalt  }
0x78: {  	_ =	shalt  }
0x79: {  	_ =	shalt  }
0x7a: {  	_ =	shalt  }
0x7b: {  	_ =	shalt  }
0x7c: {  	_ =	shalt  }
0x7d: {  	_ =	shalt  }
0x7e: {  	_ =	shalt  }
0x7f: {  	_ =	shalt  }
0x80: {  	_ =	shalt  }
0x81: {  	_ =	shalt  }
0x82: {  	_ =	shalt  }
0x83: {  	_ =	shalt  }
0x84: {  	_ =	shalt  }
0x85: {  	_ =	shalt  }
0x86: {  	_ =	shalt  }
0x87: {  	_ =	shalt  }
.Lfunc_end0:
.L_simem_size_0:
called_computation_lowered:
.L_overlay_start_0:
0x88: {  	s2 =	sld [smem:$0x3FD9]  }
0x89: {  	s3 =	sld [smem:$0x3FFE];
	_ =	sdelay $0x1  }
0x8a: {  	s1 =	srdreg.scid  }
0x8b: {  	s0 =	sand.u32 $0x1, s1  }
0x8c: {  	s17 =	sshll.u32 s0, $0xA;
	s2 =	sadd.s32 s3, s2  }
0x8d: {  	s2 =	sadd.s32 s2, s17  }
0x8e: {  	[smem:$0x3FC3] =	sst s2  }
0x8f: {  	_ = 	snop  }
0x90: {  	s2 =	sld [smem:$0x3FC9];
	(tm) =	ssettm $0x1  }
0x91: {  	s18 =	sld [smem:$0x3FFB];
	_ =	sdelay $0x3  }
0x92: {  	_ =	strace s18  }
0x93: {  	s3 =	sld [smem:$0x3FFC];
	_ =	sdelay $0x3  }
0x94: {  	_ =	strace s3  }
0x95: {  	s3 =	sld [smem:$0x3FFD];
	_ =	sdelay $0x3  }
0x96: {  	_ =	strace s3  }
0x97: {  	_ =	strace $0x8FFFFFFF  }
0x98: {  	s19 =	sld [smem:$0x3FDB];
	_ =	sdelay $0x1  }
0x99: {  	s4 =	simm.s32 $_scs_section_size  }
0x9a: {  	s5 =	simm.s32 $_size__tile_overlayer_lowered;
	s6 =	simm.s32 $_tile_overlayer_lowered  }
0x9b: {  	s22 =	simm.s32 $0x1BFF;
	s21 =	sshll.u32 s6, $0x1;
	s3 =	sadd.s32 s4, s19  }
0x9c: {  	s7 =	simm.s32 $0x0;
	s20 =	sshll.u32 s5, $0x1;
	s5 =	sadd.s32 s21, s3  }
0x9d: {  	[timem:s7], [sflag:s22] =	dma.local [hbm:s5], s20  }
0x9e: {  	_ =	swait.ge [sflag:s22], s20  }
0x9f: {  	s4 =	ssub.s32 $0x0, s20;
	[sflag:s22] =	ssyncset.done $0x0  }
0xa0: {  	[sflag:s22] =	ssyncadd.s32 s4;
	_ =	sdelay $0x1  }
0xa1: {  	s23 =	simm.s32 $0x1B8B  }
0xa2: {  	_ =	swait.ge [sflag:s23], $0x1  }
0xa3: {  	[sflag:s23] =	ssyncset.done $0x0  }
0xa4: {  	s25 =	simm.s32 $0x1B8E;
	s24 =	sld [smem:$0x3FFE];
	[sflag:s23] =	ssyncadd.s32 $0xFFFFFFFF  }
0xa5: {  	s26 =	simm.s32 $execute0_lowered;
	[smem:$0x3FD2] =	sst s25  }
0xa6: {  	s5 =	sshll.u32 s26, $0x1;
	_ =	strace $0x80000046;
	[dreg:$0x1] =	wrdreg $0xFFFFFFFF  }
0xa7: {  	s28 =	simm.s32 $_size_execute0_lowered;
	s3 =	sadd.s32 s3, s5;
	[dreg:$0x0] =	wrdreg $0x0  }
0xa8: {  	s5 =	sshll.u32 s28, $0x1;
	[dreg:$0x2] =	wrdreg s3  }
0xa9: {  	[dreg:$0x3] =	wrdreg s5  }
0xaa: {  	[dreg:$0x4] =	wrdreg $0xC0  }
0xab: {  	_ =	task [dreg:s7], $0x5FFFF  }
0xac: {  	[dreg:$0x1] =	wrdreg $0xFFFFFFFF  }
0xad: {  	[dreg:$0x0] =	wrdreg $0x60  }
0xae: {  	[dreg:$0x2] =	wrdreg s24  }
0xaf: {  	[dreg:$0x3] =	wrdreg s2  }
0xb0: {  	[dreg:$0x4] =	wrdreg $0x9  }
0xb1: {  	_ =	task.clear_ibuf [dreg:s7], $0x5FFFF;
	_ =	strace $0x90000046  }
0xb2: {  	s29 =	simm.s32 $0x9;
	_ =	strace $0x80000048  }
0xb3: {  	_ =	swait.ge [sflag:s29], $0x1  }
0xb4: {  	[sflag:s29] =	ssyncadd.s32 $0xFFFFFFFF  }
0xb5: {  	_ =	strace $0x90000048  }
0xb6: {  	_ =	sfence  }
0xb7: {  	s30 =	sld [smem:$0x0];
	_ =	sdelay $0x2  }
0xb8: {  	s31 =	sshll.u32 s1, $0xD;
	s1 =	sshrl.u32 s1, $0x2  }
0xb9: {  	s3 =	sand.u32 $0x4000, s31;
	s1 =	sadd.s32 s1, s30  }
0xba: {  	s0 =	sor.u32 s3, s0;
	s1 =	sshll.u32 s1, $0x11  }
0xbb: {  	s0 =	sor.u32 s1, s0  }
0xbc: {  	s0 =	sadd.s32 $0x8F2B, s0  }
0xbd: {  	[sflag:s0] =	ssyncadd.remote.s32 $0x1  }
0xbe: {  	_ =	sfence.sel $0xFFFF  }
0xbf: {  	[dreg:$0x0] =	wrdreg $0xFFFFFFFF;
	(pc) =	sbr.abs _section_cstart, $3  }
0xc0: {  	[dreg:$0x1] =	wrdreg $0xFFFFFFFF  }
0xc1: {  	_ =	task.clear_ibuf [dreg:s7], $0x2FFFF;
	_ =	strace $0x9FFFFFFF  }
0xc2: {  	(tm) =	ssettm $0x7FFFFFFF  }
0xc3: {  	_ =	shalt  }
tec
execute0_lowered:
.L_overlay_start_1:
0x0: {  	(tag) =	ssettag $0x1  }
0x1: {  	v0 =	vimm.s32 $0xEFCDAB89;
	v1 =	vimm.s32 $0x67452301  }
0x2: {  	v2 =	vimm.s32 $0xDCFE98BA;
	v3 =	vimm.s32 $0x54761032;
	v4 =	vimm.s32 $0xBA98FEDC  }
0x3: {  	v5 =	vimm.s32 $0x32107654;
	v6 =	vimm.s32 $0xFEDCBA98;
	v7 =	vimm.s32 $0x76543210  }
0x4: {  	s6 =	rddreg [dreg:$0x0];
	vm0 =	vmmov $0x1;
	vm1 =	vmmov $0x3;
	vm2 =	vmmov $0x7  }
0x5: {  	s1 =	rddreg [dreg:$0x1];
	vm3 =	vmmov $0xf;
	vm4 =	vmmov $0x1f;
	vm5 =	vmmov $0x3f  }
0x6: {  	s2 =	simm.s32 $0x0;
	s4 =	srdreg.scid;
	vm6 =	vmmov $0x7f;
	s11 =	simm.s32 $0x280;
	vm7 =	vmmov $0xff;
	vm8 =	vmmov $0x1ff  }
0x7: {  	s12 =	simm.s32 $0x10;
	s13 =	simm.s32 $0x290;
	vm9 =	vmmov $0x3ff;
	s14 =	simm.s32 $0x1;
	vm10 =	vmmov $0x7ff;
	vm11 =	vmmov $0xfff  }
0x8: {  	s15 =	simm.s32 $0x80;
	s16 =	simm.s32 $0x690;
	vm12 =	vmmov $0x1fff;
	s17 =	simm.s32 $0x2690;
	v0 =	vunpack.c.l.s4.s8 v0;
	v1 =	vunpack.c.l.s4.s8 v1  }
0x9: {  	s18 =	simm.s32 $0x100;
	s19 =	simm.s32 $0x4690;
	s20 =	simm.s32 $0x180;
	v2 =	vunpack.c.l.s4.s8 v2;
	v3 =	vunpack.c.l.s4.s8 v3;
	v4 =	vunpack.c.l.s4.s8 v4  }
0xa: {  	s21 =	simm.s32 $0x6690;
	s22 =	simm.s32 $0x200;
	s23 =	simm.s32 $0x8690;
	v5 =	vunpack.c.l.s4.s8 v5;
	v6 =	vunpack.c.l.s4.s8 v6;
	v0 =	vunpack.c.0.s8.s32 v0  }
0xb: {  	s24 =	simm.s32 $0xA690;
	s25 =	simm.s32 $0x0;
	[smem:$0x7FF] =	sst s2;
	v1 =	vunpack.c.0.s8.s32 v1;
	v2 =	vunpack.c.0.s8.s32 v2;
	v3 =	vunpack.c.0.s8.s32 v3  }
0xc: {  	v7 =	vunpack.c.l.s4.s8 v7;
	s3 =	sadd.s32 $0xF43200, s6;
	s8 =	sand.u32 $0x1, s4;
	s4 =	sadd.s32 $0x16E4400, s6;
	v4 =	vunpack.c.0.s8.s32 v4;
	v5 =	vunpack.c.0.s8.s32 v5  }
0xd: {  	s5 =	sadd.s32 $0x40E00, s6;
	s7 =	sadd.s32 $0x54E00, s6;
	s9 =	ssub.s32 $0x2, s8;
	v0 =	vcombine.low v1, v0;
	v1 =	vcombine.low v3, v2;
	v2 =	vunpack.c.0.s8.s32 v6  }
0xe: {  	vm13 =	vmmov $0x3fff;
	s6 =	stileid.u32;
	_ =	strace $0x80000047;
	s10 =	sshrl.u32 s9, $0x1;
	v3 =	vcombine.low v5, v4;
	v4 =	vunpack.c.0.s8.s32 v7  }
0xf: {  	vm14 =	vmmov $0x7fff;
	s31 =	sshll.u32 s6, $0x6;
	s8 =	sshll.u32 s8, $0x5;
	s9 =	ssub.s32 s9, s10;
	v0 =	vand.u32 $0xF, v0;
	v5 =	vand.u32 $0xF, v2  }
0x10: {  	s8 =	sor.u32 s8, s31;
	s10 =	simm.s32 $0x2;
	s9 =	smax.u32 s9, $0x1;
	v1 =	vand.u32 $0xF, v1;
	v2 =	vand.u32 $0xF, v3;
	v3 =	vcombine.low v5, v4  }
.LBB2_1:
0x11: {  	s26 =	simm.s32 $0x0  }
.LBB2_2:
0x12: {  	s28 =	sadd.s32 s8, s26  }
0x13: {  	s29 =	smul.u32 $0x50, s28;
	_ =	sdelay $0x1  }
0x14: {  	s30 =	sadd.s32 s5, s29;
	s29 =	simm.s32 $0x0  }
0x15: {  	[tilespmem:s29], [sflag:$0x2] =	stream.linear.gather [hbm4b:s30+s29], $0x280, $0x38;
	[tilespmem:$0xA990] =	vst v63  }
0x16: {  	_ =	swait.ge [sflag:s10], $0x280  }
0x17: {  	s30 =	sshll.u32 s28, $0x1;
	[sflag:s10] =	ssyncset.done $0x0  }
0x18: {  	s30 =	sadd.s32 s1, s30;
	[sflag:s10] =	ssyncadd.s32 $0xFFFFFD80  }
0x19: {  	[tilespmem:s11], [sflag:$0x2] =	stream.linear.gather [hbm4b:s30+s29], $0x10, $0x38;
	[tilespmem:$0xA990] =	vst v63  }
0x1a: {  	_ =	swait.ge [sflag:s10], $0x10  }
0x1b: {  	[sflag:s10] =	ssyncset.done $0x0  }
0x1c: {  	[sflag:s10] =	ssyncadd.s32 $0xFFFFFFF0  }
0x1d: {  	[tilespmem:s13], [sflag:$0x1] =	stream.indirect.gather [hbm4b:s3+s12], $0x40, s11, s12, $0xb8;
	[tilespmem:$0xA990] =	vst v63  }
0x1e: {  	_ =	swait.ge [sflag:s14], $0x400  }
0x1f: {  	[sflag:s14] =	ssyncset.done $0x0  }
0x20: {  	[sflag:s14] =	ssyncadd.s32 $0xFFFFFC00  }
0x21: {  	[tilespmem:s16], [sflag:$0x1] =	stream.indirect.gather [hbm4b:s4+s15], $0x40, s29, s15, $0xb8;
	[tilespmem:$0xA990] =	vst v63  }
0x22: {  	_ =	swait.ge [sflag:s14], $0x2000  }
0x23: {  	[sflag:s14] =	ssyncset.done $0x0  }
0x24: {  	[sflag:s14] =	ssyncadd.s32 $0xFFFFE000  }
0x25: {  	[tilespmem:s17], [sflag:$0x1] =	stream.indirect.gather [hbm4b:s4+s15], $0x40, s15, s15, $0xb8;
	[tilespmem:$0xA990] =	vst v63  }
0x26: {  	_ =	swait.ge [sflag:s14], $0x2000  }
0x27: {  	[sflag:s14] =	ssyncset.done $0x0  }
0x28: {  	[sflag:s14] =	ssyncadd.s32 $0xFFFFE000  }
0x29: {  	[tilespmem:s19], [sflag:$0x1] =	stream.indirect.gather [hbm4b:s4+s15], $0x40, s18, s15, $0xb8;
	[tilespmem:$0xA990] =	vst v63  }
0x2a: {  	_ =	swait.ge [sflag:s14], $0x2000  }
0x2b: {  	[sflag:s14] =	ssyncset.done $0x0  }
0x2c: {  	[sflag:s14] =	ssyncadd.s32 $0xFFFFE000  }
0x2d: {  	[tilespmem:s21], [sflag:$0x1] =	stream.indirect.gather [hbm4b:s4+s15], $0x40, s20, s15, $0xb8;
	[tilespmem:$0xA990] =	vst v63  }
0x2e: {  	_ =	swait.ge [sflag:s14], $0x2000  }
0x2f: {  	[sflag:s14] =	ssyncset.done $0x0  }
0x30: {  	[sflag:s14] =	ssyncadd.s32 $0xFFFFE000  }
0x31: {  	[tilespmem:s23], [sflag:$0x1] =	stream.indirect.gather [hbm4b:s4+s15], $0x40, s22, s15, $0xb8;
	[tilespmem:$0xA990] =	vst v63  }
0x32: {  	_ =	swait.ge [sflag:s14], $0x2000  }
0x33: {  	[sflag:s14] =	ssyncset.done $0x0  }
0x34: {  	s31 =	simm.s32 $0x2B0;
	s30 =	simm.s32 $0xB90;
	[sflag:s14] =	ssyncadd.s32 $0xFFFFE000  }
.LBB2_3:
0x35: {  	v7 =	vld [tilespmem:s31+$0xFFFFFFE0]  }
0x36: {  	v6 =	vld [tilespmem:s31+$0xFFFFFFF0]  }
0x37: {  	v5 =	vld [tilespmem:s31+$0x0]  }
0x38: {  	v4 =	vld [tilespmem:s31+$0x10]  }
0x39: {  	v8 =	vld [tilespmem:s30+$0xFFFFFB00]  }
0x3a: {  	v9 =	vld [tilespmem:s30+$0xFFFFFB10]  }
0x3b: {  	v10 =	vld [tilespmem:s30+$0xFFFFFB20]  }
0x3c: {  	v11 =	vld [tilespmem:s30+$0xFFFFFB30]  }
0x3d: {  	v12 =	vld [tilespmem:s30+$0xFFFFFB40]  }
0x3e: {  	v13 =	vld [tilespmem:s30+$0xFFFFFB50]  }
0x3f: {  	v14 =	vld [tilespmem:s30+$0xFFFFFB60]  }
0x40: {  	v15 =	vld [tilespmem:s30+$0xFFFFFB70]  }
0x41: {  	v16 =	vld [tilespmem:s30+$0xFFFFFB80]  }
0x42: {  	v55 =	vld [tilespmem:s30+$0xFFFFFB90]  }
0x43: {  	v17 =	vld [tilespmem:s30+$0xFFFFFBA0]  }
0x44: {  	v57 =	vld [tilespmem:s30+$0xFFFFFBC0]  }
0x45: {  	v18 =	vld [tilespmem:s30+$0xFFFFFBD0]  }
0x46: {  	v60 =	vld [tilespmem:s30+$0xFFFFFBB0]  }
0x47: {  	v19 =	vld [tilespmem:s30+$0xFFFFFBE0]  }
0x48: {  	v61 =	vld [tilespmem:s30+$0xFFFFFBF0]  }
0x49: {  	v63 =	vld [tilespmem:s30+$0xFFFFFC00];
	v8 =	vmul.f32 v8, v7  }
0x4a: {  	v24 =	vld [tilespmem:s30+$0xFFFFFC10];
	v9 =	vmul.f32 v9, v6;
	v54 =	vmul.f32 v10, v5  }
0x4b: {  	v27 =	vld [tilespmem:s30+$0xFFFFFC20];
	v56 =	vmul.f32 v11, v4;
	v58 =	vmul.f32 v12, v7  }
0x4c: {  	v29 =	vld [tilespmem:s30+$0xFFFFFC30];
	v59 =	vmul.f32 v13, v6;
	v16 =	vmul.f32 v16, v7  }
0x4d: {  	v44 =	vld [tilespmem:s30+$0xFFFFFC60];
	v10 =	vmul.f32 v55, v6;
	v14 =	vmul.f32 v14, v5  }
0x4e: {  	v46 =	vld [tilespmem:s30+$0xFFFFFC70];
	v62 =	vmul.f32 v17, v5;
	v11 =	vmul.f32 v57, v7  }
0x4f: {  	v49 =	vld [tilespmem:s30+$0xFFFFFC80];
	v18 =	vmul.f32 v18, v6;
	v25 =	vmul.f32 v15, v4  }
0x50: {  	v52 =	vld [tilespmem:s30+$0xFFFFFCA0];
	v13 =	vmul.f32 v60, v4;
	v26 =	vmul.f32 v19, v5  }
0x51: {  	v41 =	vld [tilespmem:s30+$0xFFFFFC50];
	v12 =	vmul.f32 v61, v4;
	v30 =	vmul.f32 v63, v7  }
0x52: {  	v50 =	vld [tilespmem:s30+$0xFFFFFC90];
	v31 =	vmul.f32 v24, v6;
	v35 =	vmul.f32 v27, v5  }
0x53: {  	v15 =	vmul.f32 v44, v5;
	v55 =	vmul.f32 v46, v4;
	v57 =	vld [tilespmem:s30+$0xFFFFFD00];
	v8 =	vadd.f32 v9, v8  }
0x54: {  	v61 =	vmul.f32 v49, v7;
	v63 =	vld [tilespmem:s30+$0xFFFFFCE0];
	v9 =	vadd.f32 v59, v58;
	v10 =	vadd.f32 v10, v16  }
0x55: {  	v38 =	vld [tilespmem:s30+$0xFFFFFC40];
	v27 =	vmul.f32 v52, v5;
	v11 =	vadd.f32 v18, v11;
	v8 =	vadd.f32 v54, v8  }
0x56: {  	v53 =	vld [tilespmem:s30+$0xFFFFFCB0];
	v16 =	vmul.f32 v41, v6;
	v9 =	vadd.f32 v14, v9;
	v10 =	vadd.f32 v62, v10  }
0x57: {  	v60 =	vld [tilespmem:s30+$0xFFFFFD10];
	v11 =	vadd.f32 v26, v11;
	v14 =	vadd.f32 v31, v30;
	v62 =	vmul.f32 v50, v6  }
0x58: {  	v54 =	vld [tilespmem:s30+$0xFFFFFCC0];
	v31 =	vmul.f32 v57, v7;
	v8 =	vadd.f32 v56, v8;
	v9 =	vadd.f32 v25, v9  }
0x59: {  	v30 =	vld [tilespmem:s30+$0xFFFFFD30];
	v17 =	vmul.f32 v63, v5;
	v10 =	vadd.f32 v13, v10;
	v11 =	vadd.f32 v12, v11  }
0x5a: {  	v26 =	vld [tilespmem:s30+$0xFFFFFD20];
	v37 =	vadd.f32 v35, v14;
	v13 =	vmul.f32 v29, v4;
	v14 =	vmul.f32 v38, v7  }
0x5b: {  	v57 =	vld [tilespmem:s30+$0xFFFFFDB0];
	v20 =	vperm.xlane v8, v0;
	v32 =	vperm.xlane v9, v0  }
0x5c: {  	v56 =	vld [tilespmem:s30+$0xFFFFFCD0];
	v33 =	vperm.xlane v10, v0;
	v36 =	vperm.xlane v11, v0  }
0x5d: {  	v35 =	vld [tilespmem:s30+$0xFFFFFD40];
	v12 =	vadd.f32 v13, v37;
	v14 =	vadd.f32 v16, v14;
	v16 =	vmul.f32 v53, v4  }
0x5e: {  	v29 =	vmul.f32 v54, v7;
	v37 =	vmul.f32 v30, v4  }
0x5f: {  	v8 =	vadd.f32 v8, v20;
	v10 =	vadd.f32 v10, v33;
	v45 =	vperm.xlane v12, v0  }
0x60: {  	v41 =	vld [tilespmem:s30+$0xFFFFFD60];
	v14 =	vadd.f32 v15, v14;
	v15 =	vmul.f32 v60, v6;
	v33 =	vmul.f32 v26, v5  }
0x61: {  	v9 =	vadd.f32 v9, v32;
	v26 =	vmul.f32 v57, v4;
	v18 =	vmul.f32 v56, v6  }
0x62: {  	v11 =	vadd.f32 v11, v36;
	v46 =	vmul.f32 v35, v7;
	v28 =	vperm.xlane v8, v1  }
0x63: {  	v39 =	vperm.xlane v9, v1;
	v40 =	vperm.xlane v10, v1;
	v12 =	vadd.f32 v12, v45  }
0x64: {  	v43 =	vperm.xlane v11, v1;
	v14 =	vadd.f32 v55, v14;
	v13 =	vadd.f32 v15, v31  }
0x65: {  	v45 =	vld [tilespmem:s30+$0xFFFFFD70];
	v15 =	vmul.f32 v41, v5;
	v8 =	vadd.f32 v8, v28;
	v9 =	vadd.f32 v9, v39  }
0x66: {  	v10 =	vadd.f32 v10, v40;
	v11 =	vadd.f32 v11, v43;
	v21 =	vperm.xlane v12, v1  }
0x67: {  	v38 =	vld [tilespmem:s30+$0xFFFFFD50];
	v25 =	vperm.xlane v14, v0;
	v13 =	vadd.f32 v33, v13;
	v34 =	vperm.xlane v8, v2  }
0x68: {  	v47 =	vperm.xlane v9, v2;
	v48 =	vperm.xlane v10, v2  }
0x69: {  	v51 =	vperm.xlane v11, v2;
	v12 =	vadd.f32 v12, v21;
	v13 =	vadd.f32 v37, v13  }
0x6a: {  	v63 =	vld [tilespmem:s30+$0xFFFFFDC0];
	v55 =	vmul.f32 v45, v4;
	v8 =	vadd.f32 v8, v34;
	v9 =	vadd.f32 v9, v47  }
0x6b: {  	v28 =	vld [tilespmem:s30+$0xFFFFFCF0];
	v10 =	vadd.f32 v10, v48;
	v59 =	vperm.xlane v12, v2;
	v44 =	vperm.xlane v13, v0  }
0x6c: {  	v11 =	vadd.f32 v11, v51;
	v47 =	vmul.f32 v38, v6;
	v42 =	vperm.xlane v8, v3  }
0x6d: {  	v48 =	vld [tilespmem:s30+$0xFFFFFD80];
	v22 =	vperm.xlane v9, v3;
	v23 =	vperm.xlane v10, v3;
	v12 =	vadd.f32 v12, v59  }
0x6e: {  	v54 =	vld [tilespmem:s30+$0xFFFFFDA0];
	v58 =	vperm.xlane v11, v3;
	v13 =	vadd.f32 v13, v44;
	v8 =	vadd.f32 v8, v42  }
0x6f: {  	v41 =	vld [tilespmem:s30+$0xFFFFFE40];
	v38 =	vmul.f32 v63, v7;
	v9 =	vadd.f32 v9, v22;
	v10 =	vadd.f32 v10, v23  }
0x70: {  	v36 =	vmul.f32 v28, v4;
	v24 =	vadd.f32 v11, v58;
	v11 =	vadd.f32 v14, v25  }
0x71: {  	v14 =	vadd.f32 v18, v29;
	v32 =	vperm.xlane v12, v3;
	v53 =	vperm.xlane v13, v1;
	v25 =	vld [tilespmem:s30+$0xFFFFFDD0]  }
0x72: {  	v58 =	vmul.f32 v48, v7;
	v48 =	vld [tilespmem:s30+$0xFFFFFE80];
	v8 =	vsel vm0, v8, v9;
	v9 =	vadd.f32 v62, v61  }
0x73: {  	v34 =	vperm.xlane v11, v1;
	v14 =	vadd.f32 v17, v14;
	v39 =	vadd.f32 v12, v32;
	v32 =	vld [tilespmem:s30+$0xFFFFFE00]  }
0x74: {  	v13 =	vadd.f32 v13, v53;
	v62 =	vmul.f32 v54, v5;
	v53 =	vld [tilespmem:s30+$0xFFFFFE70];
	v54 =	vmul.f32 v41, v7  }
0x75: {  	v50 =	vld [tilespmem:s30+$0xFFFFFD90];
	v8 =	vsel vm1, v8, v10;
	v9 =	vadd.f32 v27, v9;
	v11 =	vadd.f32 v11, v34  }
0x76: {  	v37 =	vld [tilespmem:s30+$0xFFFFFE20];
	v8 =	vsel vm2, v8, v24;
	v14 =	vadd.f32 v36, v14;
	v60 =	vperm.xlane v13, v2  }
0x77: {  	v29 =	vld [tilespmem:s30+$0xFFFFFDF0];
	v17 =	vmul.f32 v25, v6;
	v9 =	vadd.f32 v16, v9;
	v42 =	vperm.xlane v11, v2  }
0x78: {  	v43 =	vperm.xlane v14, v0;
	v13 =	vadd.f32 v13, v60;
	v60 =	vmul.f32 v48, v7  }
0x79: {  	v27 =	vld [tilespmem:s30+$0xFFFFFDE0];
	v8 =	vsel vm3, v8, v39;
	v44 =	vmul.f32 v32, v7;
	v63 =	vmul.f32 v53, v4  }
0x7a: {  	v45 =	vld [tilespmem:s30+$0xFFFFFE60];
	v40 =	vperm.xlane v9, v0;
	v10 =	vadd.f32 v11, v42;
	v12 =	vadd.f32 v14, v43  }
0x7b: {  	v39 =	vld [tilespmem:s30+$0xFFFFFE30];
	v11 =	vadd.f32 v47, v46;
	v14 =	vmul.f32 v50, v6;
	v30 =	vperm.xlane v13, v3  }
0x7c: {  	v43 =	vld [tilespmem:s30+$0xFFFFFE50];
	v47 =	vmul.f32 v29, v4;
	v50 =	vmul.f32 v37, v5;
	v9 =	vadd.f32 v9, v40  }
0x7d: {  	v51 =	vperm.xlane v10, v3;
	v52 =	vperm.xlane v12, v1;
	v11 =	vadd.f32 v15, v11  }
0x7e: {  	v34 =	vld [tilespmem:s30+$0xFFFFFE10];
	v42 =	vmul.f32 v27, v5;
	v14 =	vadd.f32 v14, v58;
	v35 =	vadd.f32 v13, v30  }
0x7f: {  	v49 =	vperm.xlane v9, v1;
	v10 =	vadd.f32 v10, v51;
	v12 =	vadd.f32 v12, v52;
	v51 =	vld [tilespmem:s30+$0xFFFFFE90]  }
0x80: {  	v58 =	vmul.f32 v45, v5;
	v11 =	vadd.f32 v55, v11;
	v14 =	vadd.f32 v62, v14;
	v55 =	vld [tilespmem:s30+$0xFFFFFEA0]  }
0x81: {  	v52 =	vmul.f32 v39, v4;
	v16 =	vmul.f32 v43, v6;
	v9 =	vadd.f32 v9, v49  }
0x82: {  	v53 =	vld [tilespmem:s30+$0xFFFFFF60];
	v59 =	vperm.xlane v12, v2;
	v61 =	vperm.xlane v11, v0;
	v14 =	vadd.f32 v26, v14  }
0x83: {  	v8 =	vsel vm4, v8, v10;
	v10 =	vmul.f32 v34, v6;
	v56 =	vperm.xlane v9, v2  }
0x84: {  	v43 =	vld [tilespmem:s30+$0xFFFFFF20];
	v12 =	vadd.f32 v12, v59;
	v11 =	vadd.f32 v11, v61;
	v36 =	vperm.xlane v14, v0  }
0x85: {  	v10 =	vadd.f32 v10, v44;
	v59 =	vld [tilespmem:s30+$0xFFFFFEB0];
	v61 =	vmul.f32 v51, v6;
	v22 =	vmul.f32 v55, v5  }
0x86: {  	v9 =	vadd.f32 v9, v56;
	v28 =	vperm.xlane v12, v3;
	v31 =	vperm.xlane v11, v1  }
0x87: {  	v13 =	vadd.f32 v14, v36;
	v10 =	vadd.f32 v50, v10;
	v14 =	vmul.f32 v53, v5  }
0x88: {  	v25 =	vld [tilespmem:s30+$0xFFFFFEC0];
	v24 =	vperm.xlane v9, v3;
	v33 =	vadd.f32 v12, v28;
	v11 =	vadd.f32 v11, v31  }
0x89: {  	v48 =	vld [tilespmem:s30+$0xFFFFFF40];
	v46 =	vperm.xlane v13, v1;
	v10 =	vadd.f32 v52, v10;
	v12 =	vadd.f32 v16, v54  }
0x8a: {  	v32 =	vld [tilespmem:s30+$0xFFFFFEE0];
	v16 =	vadd.f32 v61, v60;
	v54 =	vmul.f32 v43, v5;
	v15 =	vmul.f32 v59, v4  }
0x8b: {  	v28 =	vld [tilespmem:s30+$0xFFFFFED0];
	v9 =	vadd.f32 v9, v24;
	v40 =	vperm.xlane v11, v2;
	v13 =	vadd.f32 v13, v46  }
0x8c: {  	v60 =	vld [tilespmem:s30+$0xFFFFFF90];
	v62 =	vperm.xlane v10, v0;
	v12 =	vadd.f32 v58, v12;
	v16 =	vadd.f32 v22, v16  }
0x8d: {  	v37 =	vld [tilespmem:s30+$0xFFFFFF00];
	v8 =	vsel vm5, v8, v9;
	v9 =	vadd.f32 v17, v38;
	v11 =	vadd.f32 v11, v40  }
0x8e: {  	v46 =	vld [tilespmem:s30+$0xFFFFFF30];
	v56 =	vperm.xlane v13, v2;
	v10 =	vadd.f32 v10, v62;
	v12 =	vadd.f32 v63, v12  }
0x8f: {  	v34 =	vld [tilespmem:s30+$0xFFFFFEF0];
	v30 =	vadd.f32 v15, v16;
	v38 =	vmul.f32 v25, v7;
	v15 =	vmul.f32 v32, v5  }
0x90: {  	v53 =	vld [tilespmem:s30+$0x60];
	v63 =	vmul.f32 v48, v7;
	v8 =	vsel vm6, v8, v33;
	v39 =	vmul.f32 v28, v6  }
0x91: {  	v40 =	vld [tilespmem:s30+$0xFFFFFF10];
	v16 =	vmul.f32 v60, v6;
	v9 =	vadd.f32 v42, v9;
	v49 =	vperm.xlane v11, v3  }
0x92: {  	v62 =	vld [tilespmem:s30+$0xFFFFFFA0];
	v13 =	vadd.f32 v13, v56;
	v26 =	vperm.xlane v10, v1;
	v27 =	vperm.xlane v12, v0  }
0x93: {  	v8 =	vsel vm7, v8, v35;
	v33 =	vperm.xlane v30, v0;
	v59 =	vmul.f32 v46, v4  }
0x94: {  	v51 =	vld [tilespmem:s30+$0xFFFFFF50];
	v9 =	vadd.f32 v47, v9;
	v11 =	vadd.f32 v11, v49;
	v24 =	vperm.xlane v13, v3  }
0x95: {  	v58 =	vld [tilespmem:s30+$0xFFFFFF80];
	v10 =	vadd.f32 v10, v26;
	v47 =	vmul.f32 v34, v4;
	v49 =	vmul.f32 v37, v7  }
0x96: {  	v48 =	vld [tilespmem:s30+$0x40];
	v12 =	vadd.f32 v12, v27;
	v50 =	vmul.f32 v40, v6;
	v57 =	vperm.xlane v9, v0  }
0x97: {  	v25 =	vld [tilespmem:s30+$0xFFFFFFB0];
	v34 =	vmul.f32 v62, v5;
	v62 =	vmul.f32 v53, v5;
	v8 =	vsel vm8, v8, v11  }
0x98: {  	v27 =	vld [tilespmem:s30+$0xFFFFFFC0];
	v29 =	vadd.f32 v13, v24;
	v35 =	vperm.xlane v10, v2;
	v9 =	vadd.f32 v9, v57  }
0x99: {  	v36 =	vperm.xlane v12, v1;
	v11 =	vadd.f32 v30, v33;
	v24 =	vmul.f32 v51, v6  }
0x9a: {  	v32 =	vld [tilespmem:s30+$0xFFFFFFE0];
	v13 =	vadd.f32 v39, v38;
	v30 =	vmul.f32 v58, v7;
	v23 =	vperm.xlane v9, v1  }
0x9b: {  	v37 =	vld [tilespmem:s30+$0x0];
	v58 =	vmul.f32 v48, v7;
	v8 =	vsel vm9, v8, v29;
	v10 =	vadd.f32 v10, v35  }
0x9c: {  	v39 =	vld [tilespmem:s30+$0x10];
	v12 =	vadd.f32 v12, v36;
	v42 =	vperm.xlane v11, v1;
	v9 =	vadd.f32 v9, v23  }
0x9d: {  	v13 =	vadd.f32 v15, v13;
	v36 =	vmul.f32 v25, v4;
	v38 =	vmul.f32 v27, v7  }
0x9e: {  	v29 =	vld [tilespmem:s30+$0xFFFFFFD0];
	v44 =	vperm.xlane v10, v3;
	v11 =	vadd.f32 v11, v42;
	v31 =	vperm.xlane v9, v2  }
0x9f: {  	v35 =	vld [tilespmem:s30+$0xFFFFFFF0];
	v45 =	vperm.xlane v12, v2;
	v13 =	vadd.f32 v47, v13;
	v42 =	vmul.f32 v32, v5  }
0xa0: {  	v55 =	vld [tilespmem:s30+$0xFFFFFF70];
	v47 =	vmul.f32 v37, v7;
	v52 =	vperm.xlane v11, v2;
	v9 =	vadd.f32 v9, v31  }
0xa1: {  	v46 =	vld [tilespmem:s30+$0x30];
	v18 =	vmul.f32 v39, v6;
	v12 =	vadd.f32 v12, v45;
	v57 =	vperm.xlane v13, v0  }
0xa2: {  	v32 =	vld [tilespmem:s30+$0xC0];
	v10 =	vadd.f32 v10, v44;
	v11 =	vadd.f32 v11, v52;
	v41 =	vperm.xlane v9, v3  }
0xa3: {  	v15 =	vmul.f32 v29, v6;
	v56 =	vperm.xlane v12, v3;
	v13 =	vadd.f32 v13, v57  }
0xa4: {  	v45 =	vmul.f32 v35, v4;
	v61 =	vperm.xlane v11, v3;
	v9 =	vadd.f32 v9, v41  }
0xa5: {  	v43 =	vld [tilespmem:s30+$0x20];
	v12 =	vadd.f32 v12, v56;
	v26 =	vperm.xlane v13, v1;
	v31 =	vmul.f32 v55, v4  }
0xa6: {  	v29 =	vld [tilespmem:s30+$0xA0];
	v55 =	vmul.f32 v46, v4;
	v8 =	vsel vm10, v8, v9;
	v9 =	vadd.f32 v50, v49  }
0xa7: {  	v35 =	vld [tilespmem:s30+$0xD0];
	v46 =	vmul.f32 v32, v7;
	v11 =	vadd.f32 v11, v61;
	v41 =	vadd.f32 v15, v38  }
0xa8: {  	v61 =	vld [tilespmem:s30+$0x80];
	v8 =	vsel vm11, v8, v10;
	v10 =	vadd.f32 v24, v63;
	v9 =	vadd.f32 v54, v9  }
0xa9: {  	v50 =	vld [tilespmem:s30+$0x50];
	v8 =	vsel vm12, v8, v12;
	v12 =	vadd.f32 v13, v26;
	v13 =	vadd.f32 v16, v30  }
0xaa: {  	v63 =	vld [tilespmem:s30+$0x90];
	v16 =	vmul.f32 v43, v5;
	v10 =	vadd.f32 v14, v10;
	v14 =	vadd.f32 v42, v41  }
0xab: {  	v8 =	vsel vm13, v8, v11;
	v11 =	vadd.f32 v18, v47;
	v18 =	vmul.f32 v29, v5  }
0xac: {  	v30 =	vld [tilespmem:s30+$0xB0];
	v47 =	vmul.f32 v35, v6;
	v9 =	vadd.f32 v59, v9;
	v13 =	vadd.f32 v34, v13  }
0xad: {  	v48 =	vld [tilespmem:s30+$0x130];
	v33 =	vperm.xlane v12, v2;
	v10 =	vadd.f32 v31, v10;
	v14 =	vadd.f32 v45, v14  }
0xae: {  	v57 =	vld [tilespmem:s30+$0x70];
	v11 =	vadd.f32 v16, v11;
	v15 =	vmul.f32 v50, v6;
	v28 =	vperm.xlane v9, v0  }
0xaf: {  	v12 =	vadd.f32 v12, v33;
	v33 =	vmul.f32 v61, v7;
	v34 =	vmul.f32 v63, v6  }
0xb0: {  	v13 =	vadd.f32 v36, v13;
	v40 =	vperm.xlane v10, v0;
	v52 =	vperm.xlane v14, v0  }
0xb1: {  	v11 =	vadd.f32 v55, v11;
	v15 =	vadd.f32 v15, v58;
	v42 =	vmul.f32 v30, v4  }
0xb2: {  	v55 =	vld [tilespmem:s30+$0x150];
	v9 =	vadd.f32 v9, v28;
	v17 =	vperm.xlane v12, v3;
	v44 =	vperm.xlane v13, v0  }
0xb3: {  	v28 =	vmul.f32 v57, v4;
	v57 =	vmul.f32 v48, v4;
	v10 =	vadd.f32 v10, v40  }
0xb4: {  	v37 =	vld [tilespmem:s30+$0x100];
	v14 =	vadd.f32 v14, v52;
	v24 =	vperm.xlane v11, v0;
	v15 =	vadd.f32 v62, v15  }
0xb5: {  	v41 =	vld [tilespmem:s30+$0xE0];
	v22 =	vperm.xlane v9, v1;
	v13 =	vadd.f32 v13, v44;
	v49 =	vperm.xlane v10, v1  }
0xb6: {  	v60 =	vperm.xlane v14, v1;
	v11 =	vadd.f32 v11, v24;
	v15 =	vadd.f32 v28, v15  }
0xb7: {  	v9 =	vadd.f32 v9, v22;
	v51 =	vperm.xlane v13, v1;
	v35 =	vmul.f32 v55, v6  }
0xb8: {  	v10 =	vadd.f32 v10, v49;
	v24 =	vperm.xlane v11, v1;
	v36 =	vperm.xlane v15, v0  }
0xb9: {  	v14 =	vadd.f32 v14, v60;
	v49 =	vmul.f32 v37, v7;
	v60 =	vld [tilespmem:s30+$0x170];
	v22 =	vperm.xlane v9, v2  }
0xba: {  	v13 =	vadd.f32 v13, v51;
	v51 =	vmul.f32 v41, v5;
	v56 =	vperm.xlane v10, v2  }
0xbb: {  	v58 =	vld [tilespmem:s30+$0x160];
	v31 =	vperm.xlane v14, v2;
	v11 =	vadd.f32 v11, v24;
	v15 =	vadd.f32 v15, v36  }
0xbc: {  	v41 =	vld [tilespmem:s30+$0x1B0];
	v9 =	vadd.f32 v9, v22;
	v59 =	vperm.xlane v13, v2;
	v10 =	vadd.f32 v10, v56  }
0xbd: {  	v45 =	vld [tilespmem:s30+$0xF0];
	v14 =	vadd.f32 v14, v31;
	v40 =	vperm.xlane v11, v2;
	v44 =	vperm.xlane v15, v1  }
0xbe: {  	v53 =	vld [tilespmem:s30+$0x140];
	v12 =	vadd.f32 v12, v17;
	v54 =	vperm.xlane v9, v3;
	v16 =	vmul.f32 v60, v4  }
0xbf: {  	v38 =	vld [tilespmem:s30+$0x110];
	v13 =	vadd.f32 v13, v59;
	v25 =	vperm.xlane v10, v3;
	v39 =	vperm.xlane v14, v3  }
0xc0: {  	v31 =	vld [tilespmem:s30+$0x1C0];
	v11 =	vadd.f32 v11, v40;
	v15 =	vadd.f32 v15, v44;
	v40 =	vmul.f32 v58, v5  }
0xc1: {  	v36 =	vld [tilespmem:s30+$0x1A0];
	v48 =	vmul.f32 v41, v4;
	v9 =	vadd.f32 v9, v54;
	v19 =	vperm.xlane v13, v3  }
0xc2: {  	v44 =	vld [tilespmem:s30+$0x1F0];
	v54 =	vmul.f32 v45, v4;
	v10 =	vadd.f32 v10, v25;
	v14 =	vadd.f32 v14, v39  }
0xc3: {  	v43 =	vld [tilespmem:s30+$0x120];
	v52 =	vperm.xlane v15, v2;
	v56 =	vperm.xlane v11, v3;
	v13 =	vadd.f32 v13, v19  }
0xc4: {  	v29 =	vld [tilespmem:s30+$0x190];
	v19 =	vmul.f32 v38, v6;
	v9 =	vsel vm0, v9, v10;
	v10 =	vadd.f32 v34, v33  }
0xc5: {  	v17 =	vmul.f32 v31, v7;
	v15 =	vadd.f32 v15, v52;
	v11 =	vadd.f32 v11, v56  }
0xc6: {  	v62 =	vld [tilespmem:s30+$0x180];
	v34 =	vmul.f32 v53, v7;
	v9 =	vsel vm1, v9, v13;
	v13 =	vadd.f32 v47, v46  }
0xc7: {  	v38 =	vld [tilespmem:s30+$0x1E0];
	v19 =	vadd.f32 v19, v49;
	v46 =	vmul.f32 v36, v5;
	v49 =	vmul.f32 v44, v4  }
0xc8: {  	v33 =	vld [tilespmem:s30+$0x1D0];
	v10 =	vadd.f32 v18, v10;
	v18 =	vmul.f32 v43, v5;
	v9 =	vsel vm2, v9, v14  }
0xc9: {  	v63 =	vperm.xlane v15, v3;
	v14 =	vadd.f32 v35, v34;
	v43 =	vmul.f32 v29, v6  }
0xca: {  	v29 =	vld [tilespmem:s30+$0x250];
	v13 =	vadd.f32 v51, v13;
	v9 =	vsel vm3, v9, v11;
	v10 =	vadd.f32 v42, v10  }
0xcb: {  	v55 =	vld [tilespmem:s30+$0x210];
	v18 =	vadd.f32 v18, v19;
	v15 =	vadd.f32 v15, v63;
	v42 =	vmul.f32 v62, v7  }
0xcc: {  	v52 =	vld [tilespmem:s30+$0x200];
	v14 =	vadd.f32 v40, v14;
	v19 =	vmul.f32 v38, v5;
	v13 =	vadd.f32 v54, v13  }
0xcd: {  	v63 =	vld [tilespmem:s30+$0x240];
	v45 =	vmul.f32 v33, v6;
	v50 =	vperm.xlane v10, v0;
	v61 =	vadd.f32 v57, v18  }
0xce: {  	v34 =	vld [tilespmem:s30+$0x270];
	v9 =	vsel vm4, v9, v15;
	v15 =	vadd.f32 v43, v42;
	v14 =	vadd.f32 v16, v14  }
0xcf: {  	v31 =	vld [tilespmem:s30+$0x260];
	v28 =	vperm.xlane v13, v0;
	v17 =	vadd.f32 v45, v17;
	v45 =	vmul.f32 v29, v6  }
0xd0: {  	v57 =	vld [tilespmem:s30+$0x220];
	v10 =	vadd.f32 v10, v50;
	v30 =	vperm.xlane v61, v0;
	v15 =	vadd.f32 v46, v15  }
0xd1: {  	v43 =	vld [tilespmem:s30+$0x2B0];
	v53 =	vperm.xlane v14, v0;
	v13 =	vadd.f32 v13, v28;
	v17 =	vadd.f32 v19, v17  }
0xd2: {  	v44 =	vmul.f32 v63, v7;
	v59 =	vperm.xlane v10, v1;
	v11 =	vadd.f32 v61, v30  }
0xd3: {  	v46 =	vld [tilespmem:s30+$0x2C0];
	v15 =	vadd.f32 v48, v15;
	v30 =	vmul.f32 v52, v7;
	v52 =	vmul.f32 v34, v4  }
0xd4: {  	v60 =	vld [tilespmem:s30+$0x230];
	v37 =	vperm.xlane v13, v1;
	v54 =	vadd.f32 v49, v17;
	v17 =	vmul.f32 v55, v6  }
0xd5: {  	v38 =	vld [tilespmem:s30+$0x290];
	v14 =	vadd.f32 v14, v53;
	v35 =	vmul.f32 v57, v5;
	v49 =	vmul.f32 v31, v5  }
0xd6: {  	v36 =	vld [tilespmem:s30+$0x280];
	v29 =	vmul.f32 v43, v4;
	v39 =	vperm.xlane v11, v1  }
0xd7: {  	v53 =	vld [tilespmem:s30+$0x310];
	v10 =	vadd.f32 v10, v59;
	v58 =	vperm.xlane v15, v0;
	v28 =	vperm.xlane v14, v1  }
0xd8: {  	v13 =	vadd.f32 v13, v37;
	v59 =	vperm.xlane v54, v0;
	v20 =	vmul.f32 v46, v7  }
0xd9: {  	v63 =	vld [tilespmem:s30+$0x360];
	v32 =	vperm.xlane v10, v2;
	v11 =	vadd.f32 v11, v39;
	v15 =	vadd.f32 v15, v58  }
0xda: {  	v55 =	vld [tilespmem:s30+$0x340];
	v14 =	vadd.f32 v14, v28;
	v39 =	vmul.f32 v60, v4;
	v60 =	vmul.f32 v38, v6  }
0xdb: {  	v28 =	vld [tilespmem:s30+$0x300];
	v47 =	vperm.xlane v13, v2;
	v16 =	vadd.f32 v54, v59;
	v59 =	vmul.f32 v36, v7  }
0xdc: {  	v58 =	vld [tilespmem:s30+$0x350];
	v23 =	vmul.f32 v53, v6;
	v10 =	vadd.f32 v10, v32;
	v51 =	vperm.xlane v11, v2  }
0xdd: {  	v8 =	vsel vm14, v8, v12;
	v46 =	vld [tilespmem:s30+$0x380];
	v32 =	vperm.xlane v15, v1;
	v37 =	vperm.xlane v14, v2  }
0xde: {  	v36 =	vld [tilespmem:s30+$0x2F0];
	v13 =	vadd.f32 v13, v47;
	v33 =	vperm.xlane v16, v1;
	v50 =	vperm.xlane v10, v3  }
0xdf: {  	v53 =	vld [tilespmem:s30+$0x3B0];
	v11 =	vadd.f32 v11, v51;
	v14 =	vadd.f32 v14, v37;
	v37 =	vmul.f32 v63, v5  }
0xe0: {  	v40 =	vld [tilespmem:s30+$0x2A0];
	v15 =	vadd.f32 v15, v32;
	v56 =	vperm.xlane v13, v3;
	v31 =	vmul.f32 v28, v7  }
0xe1: {  	v16 =	vadd.f32 v16, v33;
	v33 =	vmul.f32 v55, v7;
	v34 =	vmul.f32 v58, v6  }
0xe2: {  	v12 =	vadd.f32 v60, v59;
	v59 =	vld [tilespmem:s30+$0x3D0];
	v62 =	vperm.xlane v11, v3;
	v41 =	vperm.xlane v15, v2  }
0xe3: {  	v10 =	vadd.f32 v10, v50;
	v26 =	vperm.xlane v14, v3;
	v43 =	vmul.f32 v36, v4  }
0xe4: {  	v32 =	vld [tilespmem:s30+$0x370];
	v36 =	vmul.f32 v46, v7;
	v46 =	vmul.f32 v53, v4;
	v61 =	vadd.f32 v13, v56  }
0xe5: {  	v47 =	vld [tilespmem:s30+$0x2D0];
	v42 =	vperm.xlane v16, v2;
	v13 =	vmul.f32 v40, v5;
	v11 =	vadd.f32 v11, v62  }
0xe6: {  	v9 =	vsel vm5, v9, v10;
	v10 =	vadd.f32 v17, v30;
	v15 =	vadd.f32 v15, v41  }
0xe7: {  	v14 =	vadd.f32 v14, v26;
	v25 =	vmul.f32 v59, v6;
	v16 =	vadd.f32 v16, v42  }
0xe8: {  	v50 =	vld [tilespmem:s30+$0x2E0];
	v9 =	vsel vm6, v9, v61;
	v12 =	vadd.f32 v13, v12;
	v13 =	vadd.f32 v34, v33  }
0xe9: {  	v30 =	vld [tilespmem:s30+$0x330];
	v41 =	vmul.f32 v32, v4;
	v9 =	vsel vm7, v9, v11;
	v10 =	vadd.f32 v35, v10  }
0xea: {  	v53 =	vld [tilespmem:s30+$0x490];
	v11 =	vadd.f32 v45, v44;
	v51 =	vperm.xlane v15, v3;
	v35 =	vmul.f32 v47, v6  }
0xeb: {  	v27 =	vperm.xlane v16, v3;
	v12 =	vadd.f32 v29, v12;
	v13 =	vadd.f32 v37, v13  }
0xec: {  	v61 =	vld [tilespmem:s30+$0x320];
	v9 =	vsel vm8, v9, v14;
	v10 =	vadd.f32 v39, v10;
	v11 =	vadd.f32 v49, v11  }
0xed: {  	v54 =	vadd.f32 v15, v51;
	v38 =	vadd.f32 v35, v20;
	v39 =	vmul.f32 v50, v5  }
0xee: {  	v63 =	vld [tilespmem:s30+$0x3F0];
	v56 =	vadd.f32 v16, v27;
	v16 =	vadd.f32 v23, v31;
	v40 =	vmul.f32 v30, v4  }
0xef: {  	v49 =	vld [tilespmem:s30+$0x390];
	v42 =	vperm.xlane v12, v0;
	v13 =	vadd.f32 v41, v13;
	v30 =	vmul.f32 v53, v6  }
0xf0: {  	v51 =	vld [tilespmem:s30+$0x3A0];
	v48 =	vperm.xlane v10, v0;
	v11 =	vadd.f32 v52, v11;
	v9 =	vsel vm9, v9, v54  }
0xf1: {  	v22 =	vmul.f32 v61, v5;
	v17 =	vadd.f32 v39, v38;
	v9 =	vsel vm10, v9, v56  }
0xf2: {  	v32 =	vld [tilespmem:s30+$0x400];
	v12 =	vadd.f32 v12, v42;
	v10 =	vadd.f32 v10, v48;
	v62 =	vperm.xlane v11, v0  }
0xf3: {  	v56 =	vld [tilespmem:s30+$0x3C0];
	v16 =	vadd.f32 v22, v16;
	v48 =	vperm.xlane v13, v0;
	v22 =	vmul.f32 v63, v4  }
0xf4: {  	v61 =	vld [tilespmem:s30+$0x3E0];
	v17 =	vadd.f32 v43, v17;
	v50 =	vperm.xlane v12, v1;
	v37 =	vmul.f32 v49, v6  }
0xf5: {  	v42 =	vld [tilespmem:s30+$0x440];
	v41 =	vmul.f32 v51, v5;
	v11 =	vadd.f32 v11, v62;
	v16 =	vadd.f32 v40, v16  }
0xf6: {  	v57 =	vperm.xlane v10, v1;
	v52 =	vperm.xlane v17, v0;
	v13 =	vadd.f32 v13, v48  }
0xf7: {  	v12 =	vadd.f32 v12, v50;
	v45 =	vperm.xlane v11, v1;
	v47 =	vperm.xlane v16, v0  }
0xf8: {  	v40 =	vld [tilespmem:s30+$0x430];
	v10 =	vadd.f32 v10, v57;
	v58 =	vperm.xlane v13, v1;
	v14 =	vmul.f32 v56, v7  }
0xf9: {  	v17 =	vadd.f32 v17, v52;
	v52 =	vmul.f32 v61, v5;
	v56 =	vmul.f32 v32, v7  }
0xfa: {  	vm15 =	vcmask $0x320;
	v38 =	vld [tilespmem:s30+$0x420];
	v59 =	vmul.f32 v42, v7;
	v60 =	vperm.xlane v12, v2  }
0xfb: {  	v35 =	vld [tilespmem:s30+$0x410];
	v44 =	vperm.xlane v10, v2;
	v11 =	vadd.f32 v11, v45;
	v16 =	vadd.f32 v16, v47  }
0xfc: {  	v63 =	vld [tilespmem:s30+$0x4E0];
	v62 =	vperm.xlane v17, v1;
	v13 =	vadd.f32 v13, v58;
	v14 =	vadd.f32 v25, v14  }
0xfd: {  	v61 =	vld [tilespmem:s30+$0x4A0];
	v12 =	vadd.f32 v12, v60;
	v32 =	vmul.f32 v40, v4;
	v10 =	vadd.f32 v10, v44  }
0xfe: {  	v47 =	vld [tilespmem:s30+$0x460];
	v55 =	vperm.xlane v11, v2;
	v57 =	vperm.xlane v16, v1;
	v17 =	vadd.f32 v17, v62  }
0xff: {  	v34 =	vperm.xlane v13, v2;
	v14 =	vadd.f32 v52, v14;
	v62 =	vmul.f32 v38, v5  }
0x100: {  	v44 =	vld [tilespmem:s30+$0x450];
	v39 =	vperm.xlane v12, v3;
	v54 =	vperm.xlane v10, v3;
	v11 =	vadd.f32 v11, v55  }
0x101: {  	v58 =	vld [tilespmem:s30+$0x4D0];
	v16 =	vadd.f32 v16, v57;
	v29 =	vperm.xlane v17, v2;
	v13 =	vadd.f32 v13, v34  }
0x102: {  	v50 =	vld [tilespmem:s30+$0x480];
	v57 =	vmul.f32 v35, v6;
	v14 =	vadd.f32 v22, v14;
	v34 =	vmul.f32 v61, v5  }
0x103: {  	v48 =	vld [tilespmem:s30+$0x470];
	v12 =	vadd.f32 v12, v39;
	v18 =	vmul.f32 v47, v5;
	v5 =	vmul.f32 v63, v5  }
0x104: {  	v10 =	vadd.f32 v10, v54;
	v31 =	vperm.xlane v11, v3;
	v33 =	vperm.xlane v16, v2  }
0x105: {  	v55 =	vld [tilespmem:s30+$0x4C0];
	v17 =	vadd.f32 v17, v29;
	v45 =	vperm.xlane v13, v3;
	v60 =	vmul.f32 v44, v6  }
0x106: {  	v6 =	vmul.f32 v58, v6;
	v9 =	vsel vm11, v9, v10;
	v16 =	vadd.f32 v16, v33  }
0x107: {  	v10 =	vadd.f32 v11, v31;
	v49 =	vadd.f32 v13, v45;
	v13 =	vmul.f32 v50, v7  }
0x108: {  	v29 =	vld [tilespmem:s30+$0x4B0];
	v11 =	vadd.f32 v37, v36;
	v33 =	vmul.f32 v48, v4;
	v43 =	vperm.xlane v16, v3  }
0x109: {  	v37 =	vperm.xlane v14, v0;
	v58 =	vperm.xlane v17, v3;
	v15 =	vadd.f32 v60, v59  }
0x10a: {  	v31 =	vld [tilespmem:s30+$0x4F0];
	v7 =	vmul.f32 v55, v7;
	v11 =	vadd.f32 v41, v11;
	v16 =	vadd.f32 v16, v43  }
0x10b: {  	v9 =	vsel vm12, v9, v10;
	v13 =	vadd.f32 v30, v13;
	v15 =	vadd.f32 v18, v15  }
0x10c: {  	v6 =	vadd.f32 v6, v7;
	v51 =	vnsel vm0, $0x0, v16;
	v16 =	vadd.f32 v57, v56  }
0x10d: {  	v36 =	vmul.f32 v29, v4;
	v11 =	vadd.f32 v46, v11;
	v13 =	vadd.f32 v34, v13  }
0x10e: {  	v9 =	vsel vm13, v9, v12;
	v35 =	vadd.f32 v33, v15;
	v16 =	vadd.f32 v62, v16  }
0x10f: {  	v5 =	vadd.f32 v5, v6;
	v4 =	vmul.f32 v31, v4;
	v6 =	vadd.f32 v14, v37  }
0x110: {  	v54 =	vperm.xlane v11, v0;
	v13 =	vadd.f32 v36, v13;
	v16 =	vadd.f32 v32, v16  }
0x111: {  	v10 =	vsel vm15, v51, v49;
	v40 =	vperm.xlane v35, v0;
	v4 =	vadd.f32 v4, v5  }
0x112: {  	v43 =	vperm.xlane v6, v1;
	v11 =	vadd.f32 v11, v54;
	v39 =	vperm.xlane v16, v0  }
0x113: {  	vm15 =	vcmask $0x720;
	v42 =	vperm.xlane v13, v0;
	v7 =	vadd.f32 v35, v40  }
0x114: {  	v62 =	vadd.f32 v17, v58;
	v38 =	vperm.xlane v11, v1;
	v41 =	vadd.f32 v16, v39  }
0x115: {  	v44 =	vperm.xlane v4, v0;
	v13 =	vadd.f32 v13, v42;
	v46 =	vperm.xlane v7, v1  }
0x116: {  	v6 =	vadd.f32 v6, v43;
	v5 =	vadd.f32 v11, v38;
	v45 =	vperm.xlane v41, v1  }
0x117: {  	v4 =	vadd.f32 v4, v44;
	v47 =	vperm.xlane v13, v1;
	v7 =	vadd.f32 v7, v46  }
0x118: {  	v48 =	vperm.xlane v6, v2;
	v18 =	vperm.xlane v5, v2;
	v11 =	vadd.f32 v41, v45  }
0x119: {  	v49 =	vperm.xlane v4, v1;
	v13 =	vadd.f32 v13, v47;
	v51 =	vperm.xlane v7, v2  }
0x11a: {  	v6 =	vadd.f32 v6, v48;
	v5 =	vadd.f32 v5, v18;
	v50 =	vperm.xlane v11, v2  }
0x11b: {  	v4 =	vadd.f32 v4, v49;
	v52 =	vperm.xlane v13, v2;
	v7 =	vadd.f32 v7, v51  }
0x11c: {  	v53 =	vperm.xlane v6, v3;
	v18 =	vperm.xlane v5, v3;
	v11 =	vadd.f32 v11, v50  }
0x11d: {  	v54 =	vperm.xlane v4, v2;
	v55 =	vadd.f32 v13, v52;
	v57 =	vperm.xlane v7, v3  }
0x11e: {  	v6 =	vadd.f32 v6, v53;
	v5 =	vadd.f32 v5, v18;
	v56 =	vperm.xlane v11, v3  }
0x11f: {  	v4 =	vadd.f32 v4, v54;
	v59 =	vperm.xlane v55, v3;
	v60 =	vadd.f32 v7, v57  }
0x120: {  	v5 =	vsel vm15, v10, v5;
	vm15 =	vcmask $0xB20;
	v11 =	vadd.f32 v11, v56  }
0x121: {  	p0 =	sne.s32 s29, $0xB40;
	v61 =	vperm.xlane v4, v3;
	v5 =	vsel vm15, v5, v6;
	vm15 =	vcmask $0xF20  }
.Ltmp0:
0x122: {  	v10 =	vadd.f32 v55, v59;
	v5 =	vsel vm15, v5, v11;
	vm15 =	vcmask $0x1320;
	(pc) =	sbr.rel @p0 .LBB2_3-.Ltmp0, $4  }
0x123: {  	s0 =	sshra.s32 s29, $0x2;
	v4 =	vadd.f32 v4, v61;
	v5 =	vsel vm15, v5, v60;
	vm15 =	vcmask $0x1720  }
0x124: {  	[tilespmem:s0+$0xA690] =	vst v8;
	v63 =	vsel vm14, v9, v62;
	v5 =	vsel vm15, v5, v10;
	vm15 =	vcmask $0x1B20  }
0x125: {  	[tilespmem:s0+$0xA6A0] =	vst v63;
	v4 =	vsel vm15, v5, v4  }
0x126: {  	s31 =	sadd.s32 $0x40, s31;
	s29 =	sadd.s32 $0xC0, s29;
	s30 =	sadd.s32 $0xA00, s30;
	[tilespmem:s0+$0xA6B0] =	vst v4  }
0x127: {  	s0 =	smul.u32 $0x60, s28;
	s26 =	sadd.s32 $0x1, s26  }
0x128: {  	p0 =	sne.s32 s26, $0x20  }
.Ltmp1:
0x129: {  	s0 =	sadd.s32 s7, s0;
	(pc) =	sbr.rel @p0 .LBB2_2-.Ltmp1, $4  }
0x12a: {  	[hbm4b:s0+s2] =	stream.linear.scatter [tilespmem:s24], [sflag:$0x2], $0x300, $0x38;
	[tilespmem:$0xA990] =	vst v63  }
0x12b: {  	_ =	swait.ge [sflag:s10], $0x300  }
0x12c: {  	[sflag:s10] =	ssyncset.done $0x0  }
0x12d: {  	[sflag:s10] =	ssyncadd.s32 $0xFFFFFD00  }
0x12e: {  	s25 =	sadd.s32 $0x1, s25  }
0x12f: {  	p0 =	sne.s32 s25, s9  }
.Ltmp2:
0x130: {  	_ = 	snop;
	(pc) =	sbr.rel @p0 .LBB2_1-.Ltmp2, $1  }
0x131: {  	_ =	sdelay $0x3  }
0x132: {  	_ =	sfence.sel $0x180000  }
0x133: {  	[bflag:$0x0] =	sbarrier.arrive $0xFFFF  }
0x134: {  	_ =	strace $0x90000047  }
0x135: {  	[bflag:$0x2] =	sbarrier.arrive $0xFFFF  }
0x136: {  	p0 =	sne.s32 s6, $0x0;
	s0 =	rddreg [dreg:$0x2]  }
0x137: {  	s0 =	sadd.s32 @!p0 $0x100000, s0  }
0x138: {  	[sflag:s0] =	ssyncadd.tile.s32 @!p0 $0x1;
	_ =	shalt  }
.Lfunc_end2:
_tile_overlayer_lowered:
.L_overlay_start_2:
0x139: {  	(tag) =	ssettag $0x2  }
0x13a: {  	s0 =	rddreg [dreg:$0x0];
	s2 =	stileid.u32  }
0x13b: {  	s1 =	rddreg [dreg:$0x1];
	p0 =	sne.s32 s2, $0x0  }
0x13c: {  	s3 =	rddreg [dreg:$0x2];
	[bflag:$0x3] =	sbarrier.arrive $0xFFFF;
	s2 =	simm.s32 @!p0 $0x1C02  }
0x13d: {  	[timem:s3], [sflag:s2] =	dma.local @!p0 [hbm:s0], s1  }
0x13e: {  	s0 =	simm.s32 @!p0 $0x2  }
0x13f: {  	_ =	swait.ge @!p0 [sflag:s0], s1  }
0x140: {  	s1 =	ssub.s32 @!p0 $0x0, s1;
	[sflag:s0] =	ssyncset.done @!p0 $0x0  }
0x141: {  	[sflag:s0] =	ssyncadd.s32 @!p0 s1  }
0x142: {  	[bflag:$0x3] =	sbarrier.arrive $0xFFFF  }
0x143: {  	_ =	shalt  }

</sc_bundles>
